<compile_context>
chip_gen: v7x
topology: tpu7x:2x2x1
jax: 0.10.2.dev20260603
libtpu: 0.0.44.dev20260713+nightly
codegen_flags: <defaults>
</compile_context>

<pallas_src>
import functools

import jax
import jax.numpy as jnp
from jax import lax
from jax.experimental import pallas as pl
from jax.experimental.pallas import tpu as pltpu
from jax.experimental.pallas import tpu_sc as plsc

NC = 2
NS = 16
NW = NC * NS
L = 16
CH = 128


def _sc_hist(edge_index, n_pad, base, rem):
    npt = n_pad // NS
    mesh = plsc.VectorSubcoreMesh(core_axis_name="c", subcore_axis_name="s")

    @functools.partial(
        pl.kernel,
        out_type=jax.ShapeDtypeStruct((NC, n_pad), jnp.float32),
        mesh=mesh,
        scratch_types=[
            pltpu.VMEM((base * CH,), jnp.int32),
            pltpu.VMEM((base + 1, CH), jnp.int32),
            pltpu.VMEM((CH,), jnp.float32),
            pltpu.VMEM((npt,), jnp.float32),
            pltpu.VMEM_SHARED((n_pad,), jnp.float32),
            pltpu.SemaphoreType.DMA,
        ],
    )
    def hist_kernel(ei_hbm, deg_hbm, dst1, dst2, ones_v, zer_v, hist_sh,
                    sd0):
        cid = lax.axis_index("c")
        sid = lax.axis_index("s")
        wid = cid * NS + sid
        row0 = wid * base

        pltpu.async_copy(ei_hbm.at[1, pl.ds(row0 * CH, base * CH)], dst1,
                         sd0)

        one = jnp.ones((L,), jnp.float32)
        zero = jnp.zeros((L,), jnp.float32)
        for k in range(CH // L):
            ones_v[pl.ds(k * L, L)] = one

        @pl.loop(0, npt // L)
        def _(i):
            zer_v[pl.ds(i * L, L)] = zero

        pltpu.sync_copy(zer_v, hist_sh.at[pl.ds(sid * npt, npt)])
        pltpu.make_async_copy(ei_hbm.at[1, pl.ds(row0 * CH, base * CH)],
                              dst1, sd0).wait()

        @pl.loop(0, base)
        def _(r):
            for k in range(CH // L):
                dst2[r, pl.ds(k * L, L)] = dst1[pl.ds(r * CH + k * L, L)]

        if rem:
            @pl.when(wid < rem)
            def _():
                pltpu.sync_copy(
                    ei_hbm.at[1, pl.ds((NW * base + wid) * CH, CH)],
                    dst1.at[pl.ds(0, CH)])
                for k in range(CH // L):
                    dst2[base, pl.ds(k * L, L)] = dst1[pl.ds(k * L, L)]

        plsc.subcore_barrier()

        @pl.loop(0, base)
        def _(c):
            pltpu.async_copy(ones_v, hist_sh.at[dst2.at[c]], sd0,
                             add=True)

        if rem:
            @pl.when(wid < rem)
            def _():
                pltpu.async_copy(ones_v, hist_sh.at[dst2.at[base]], sd0,
                                 add=True)

        @pl.loop(0, base)
        def _(c):
            pltpu.make_async_copy(ones_v, hist_sh.at[dst2.at[c]],
                                  sd0).wait()

        if rem:
            @pl.when(wid < rem)
            def _():
                pltpu.make_async_copy(ones_v, hist_sh.at[dst2.at[base]],
                                      sd0).wait()

        plsc.subcore_barrier()
        pltpu.sync_copy(hist_sh.at[pl.ds(sid * npt, npt)],
                        deg_hbm.at[cid, pl.ds(sid * npt, npt)])

    return hist_kernel(edge_index)


def _sc_gather_scatter(g, edge_index, n_pad, d, base, rem):
    npt = n_pad // NS
    nloop = (base - 2) // 4 * 4
    mesh = plsc.VectorSubcoreMesh(core_axis_name="c", subcore_axis_name="s")

    @functools.partial(
        pl.kernel,
        out_type=jax.ShapeDtypeStruct((NC, n_pad, d), jnp.float32),
        mesh=mesh,
        scratch_types=[
            pltpu.VMEM((4, 2, CH), jnp.int32),
            pltpu.VMEM((2, CH, d), jnp.float32),
            pltpu.VMEM_SHARED((n_pad, d), jnp.float32),
            pltpu.SemaphoreType.DMA,
            pltpu.SemaphoreType.DMA,
            pltpu.SemaphoreType.DMA,
            pltpu.SemaphoreType.DMA,
            pltpu.SemaphoreType.DMA,
            pltpu.SemaphoreType.DMA,
        ],
    )
    def gs_kernel(g_hbm, ei_hbm, acc_hbm, idx_v, rows_v, acc_sh,
                  si0, si1, si2, si3, sg0, sg1):
        cid = lax.axis_index("c")
        sid = lax.axis_index("s")
        wid = cid * NS + sid
        semi = [si0, si1, si2, si3]
        semg = [sg0, sg1]

        def prefetch(row, slot):
            pltpu.async_copy(ei_hbm.at[0, pl.ds(row * CH, CH)],
                             idx_v.at[slot, 0], semi[slot])
            pltpu.async_copy(ei_hbm.at[1, pl.ds(row * CH, CH)],
                             idx_v.at[slot, 1], semi[slot])

        def fire_gather(row, slot, b):
            pltpu.make_async_copy(ei_hbm.at[0, pl.ds(row * CH, CH)],
                                  idx_v.at[slot, 0], semi[slot]).wait()
            pltpu.make_async_copy(ei_hbm.at[1, pl.ds(row * CH, CH)],
                                  idx_v.at[slot, 1], semi[slot]).wait()
            pltpu.async_copy(g_hbm.at[idx_v.at[slot, 0]], rows_v.at[b],
                             semg[b])

        def consume(slot, b):
            pltpu.make_async_copy(g_hbm.at[idx_v.at[slot, 0]], rows_v.at[b],
                                  semg[b]).wait()
            pltpu.sync_copy(rows_v.at[b], acc_sh.at[idx_v.at[slot, 1]],
                            add=True)

        zero = jnp.zeros((L,), jnp.float32)

        @pl.loop(0, CH)
        def _(r):
            for k in range(d // L):
                rows_v[0, r, pl.ds(k * L, L)] = zero

        for t in range(npt // CH):
            pltpu.sync_copy(rows_v.at[0],
                            acc_sh.at[pl.ds(sid * npt + t * CH, CH)])
        plsc.subcore_barrier()

        row0 = wid * base

        for k in range(4):
            prefetch(row0 + k, k)
        fire_gather(row0, 0, 0)

        @pl.loop(0, nloop, step=4)
        def _(c):
            fire_gather(row0 + c + 1, 1, 1)
            consume(0, 0)
            prefetch(row0 + c + 4, 0)
            fire_gather(row0 + c + 2, 2, 0)
            consume(1, 1)
            prefetch(row0 + c + 5, 1)
            fire_gather(row0 + c + 3, 3, 1)
            consume(2, 0)

            @pl.when(c + 6 < base)
            def _():
                prefetch(row0 + c + 6, 2)

            fire_gather(row0 + c + 4, 0, 0)
            consume(3, 1)

            @pl.when(c + 7 < base)
            def _():
                prefetch(row0 + c + 7, 3)

        diff = base - nloop
        if diff >= 2:
            fire_gather(row0 + nloop + 1, 1, 1)
        consume(0, 0)
        if diff >= 3:
            fire_gather(row0 + nloop + 2, 2, 0)
        if diff >= 2:
            consume(1, 1)
        if diff >= 4:
            fire_gather(row0 + nloop + 3, 3, 1)
        if diff >= 3:
            consume(2, 0)
        if diff >= 4:
            consume(3, 1)

        if rem:
            @pl.when(wid < rem)
            def _():
                erow = NW * base + wid
                prefetch(erow, 0)
                fire_gather(erow, 0, 0)
                consume(0, 0)

        plsc.subcore_barrier()
        pltpu.sync_copy(acc_sh.at[pl.ds(sid * npt, npt)],
                        acc_hbm.at[cid, pl.ds(sid * npt, npt)])

    return gs_kernel(g, edge_index)


def _tc_matmul(x, W, n_pad, blk):
    d = W.shape[0]

    def body(x_ref, w_ref, h_ref):
        h_ref[...] = jnp.dot(x_ref[...], w_ref[...],
                             preferred_element_type=jnp.float32)

    return pl.pallas_call(
        body,
        grid=(n_pad // blk,),
        in_specs=[
            pl.BlockSpec((blk, d), lambda i: (i, 0)),
            pl.BlockSpec((d, d), lambda i: (0, 0)),
        ],
        out_specs=pl.BlockSpec((blk, d), lambda i: (i, 0)),
        out_shape=jax.ShapeDtypeStruct((n_pad, d), jnp.float32),
    )(x, W)


def _dinv_col(deg_ref):
    deg = deg_ref[0:1, :] + deg_ref[1:2, :] + 1.0
    return jnp.transpose(lax.rsqrt(deg), (1, 0))


def _tc_scale(h, degp, n_pad, blk):
    d = h.shape[1]

    def body(h_ref, deg_ref, g_ref):
        g_ref[...] = h_ref[...] * _dinv_col(deg_ref)

    return pl.pallas_call(
        body,
        grid=(n_pad // blk,),
        in_specs=[
            pl.BlockSpec((blk, d), lambda i: (i, 0)),
            pl.BlockSpec((NC, blk), lambda i: (0, i)),
        ],
        out_specs=pl.BlockSpec((blk, d), lambda i: (i, 0)),
        out_shape=jax.ShapeDtypeStruct((n_pad, d), jnp.float32),
    )(h, degp)


def _tc_finalize(accp, g, degp, b2, n, n_pad, blk):
    d = g.shape[1]

    def body(acc_ref, g_ref, deg_ref, b_ref, o_ref):
        s = (acc_ref[0] + acc_ref[1] + g_ref[...]) * _dinv_col(deg_ref)
        o_ref[...] = jnp.maximum(s + b_ref[...], 0.0)

    return pl.pallas_call(
        body,
        grid=(n_pad // blk,),
        in_specs=[
            pl.BlockSpec((NC, blk, d), lambda i: (0, i, 0)),
            pl.BlockSpec((blk, d), lambda i: (i, 0)),
            pl.BlockSpec((NC, blk), lambda i: (0, i)),
            pl.BlockSpec((1, d), lambda i: (0, 0)),
        ],
        out_specs=pl.BlockSpec((blk, d), lambda i: (i, 0)),
        out_shape=jax.ShapeDtypeStruct((n, d), jnp.float32),
    )(accp, g, degp, b2)


def kernel(x, edge_index, W, b):
    n, d = x.shape
    e = edge_index.shape[1]
    n_pad = ((n + NS * CH - 1) // (NS * CH)) * (NS * CH)

    nrows = e // CH
    base = nrows // NW
    rem = nrows - base * NW

    degp = _sc_hist(edge_index, n_pad, base, rem)

    blk = 5120
    h = _tc_matmul(x, W, n_pad, blk)

    g = _tc_scale(h, degp, n_pad, blk)

    accp = _sc_gather_scatter(g, edge_index, n_pad, d, base, rem)

    return _tc_finalize(accp, g, degp, b.reshape(1, d), n, n_pad, blk)

# --- scband reference (transcript-rebuilt; emitter-appended) ---
"""Pipeline reference for scband-gcnconv-19335942766940 (READ-ONLY COPY).

The authoritative reference and input builder live on the scoring server;
editing this copy changes nothing except your own understanding.
"""

import jax, jax.numpy as jnp
import numpy as np

N = 10000
E = 320000
D = 128


def setup_inputs(seed: int = 0) -> dict:
    key = jax.random.key(seed)
    k1, k2, k3 = jax.random.split(key, 3)
    x = jax.random.normal(k1, (N, D), dtype=jnp.float32)
    edge_index = jax.random.randint(k2, (2, E), 0, N, dtype=jnp.int32)
    # Learned parameters of the inner GCNConv (lin has no bias; separate bias param)
    W = jax.random.normal(k3, (D, D), dtype=jnp.float32) * (1.0 / np.sqrt(D))
    b = jnp.zeros((D,), dtype=jnp.float32)
    return {"x": x, "edge_index": edge_index, "W": W, "b": b}


def reference(x, edge_index, W, b):
    # GCNConv forward (PyG semantics, add_self_loops=True, normalize=True),
    # followed by dropout(p=0.0) (identity) and relu activation.
    n = x.shape[0]
    loop = jnp.arange(n, dtype=edge_index.dtype)
    src = jnp.concatenate([edge_index[0], loop])
    dst = jnp.concatenate([edge_index[1], loop])
    # symmetric normalization: deg computed on dst (col) with unit edge weights
    deg = jnp.zeros((n,), dtype=x.dtype).at[dst].add(1.0)
    dinv = jnp.where(deg > 0, jax.lax.rsqrt(jnp.maximum(deg, 1e-12)), 0.0)
    norm = dinv[src] * dinv[dst]
    h = x @ W
    msg = h[src] * norm[:, None]
    out = jnp.zeros_like(h).at[dst].add(msg)
    out = out + b
    # dropout p=0.0 is identity in eval/train
    return jax.nn.relu(out)

if __name__ == "__main__":
    import jax
    _d = setup_inputs()
    print(jax.jit(kernel)(*tuple(_d.values())))

</pallas_src>

<mosaic_0001>
#map = affine_map<(d0, d1) -> (0, 0)>
#map1 = affine_map<(d0, d1) -> (0, 0, 0)>
module attributes {stable_mosaic.version = 14 : i64} {
  func.func @gs_kernel(%arg0: i32, %arg1: i32, %arg2: memref<10240x128xf32, #tpu.memory_space<hbm>>, %arg3: memref<2x320000xi32, #tpu.memory_space<hbm>>, %arg4: memref<2x10240x128xf32, #tpu.memory_space<hbm>>, %arg5: memref<4x2x128xi32, #tpu.memory_space<vmem>>, %arg6: memref<2x128x128xf32, #tpu.memory_space<vmem>>, %arg7: memref<10240x128xf32, #tpu.memory_space<vmem_shared>>, %arg8: memref<!tpu.dma_semaphore, #tpu.memory_space<semaphore_mem>>, %arg9: memref<!tpu.dma_semaphore, #tpu.memory_space<semaphore_mem>>, %arg10: memref<!tpu.dma_semaphore, #tpu.memory_space<semaphore_mem>>, %arg11: memref<!tpu.dma_semaphore, #tpu.memory_space<semaphore_mem>>, %arg12: memref<!tpu.dma_semaphore, #tpu.memory_space<semaphore_mem>>, %arg13: memref<!tpu.dma_semaphore, #tpu.memory_space<semaphore_mem>>) attributes {dimension_semantics = [#tpu.dimension_semantics<core_parallel>, #tpu.dimension_semantics<subcore_parallel>], iteration_bounds = array<i64: 2, 16>, scalar_prefetch = 0 : i64, scratch_operands = 9 : i64, tpu.core_type = #tpu.core_type<sc_vector_subcore>, window_params = [{transform_indices = #map}, {transform_indices = #map}, {transform_indices = #map1}]} {
    %mul3A = arith.constant 16 : i32
    %mul3A_0 = arith.muli %arg0, %mul3A : i32
    %add3A = arith.addi %mul3A_0, %arg1 : i32
    %broadcast_in_dim3A = arith.constant 0.000000e+00 : f32
    %broadcast_in_dim3A_1 = vector.broadcast %broadcast_in_dim3A : f32 to vector<16xf32>
    %scan3A = arith.constant 0 : i32
    %scan3A_2 = arith.constant 128 : i32
    %scan3A_3 = arith.addi %scan3A, %scan3A_2 : i32
    %scan3A_4 = arith.constant 1 : i32
    scf.for %scan3A_292 = %scan3A to %scan3A_3 step %scan3A_4  : i32 {
      %mul3A_293 = arith.constant 1 : i32
      %mul3A_294 = arith.muli %scan3A_292, %mul3A_293 : i32
      %add3A_295 = arith.constant 0 : i32
      %add3A_296 = arith.addi %add3A_295, %mul3A_294 : i32
      %swap3A = arith.constant 0 : i32
      %swap3A_297 = arith.index_cast %swap3A : i32 to index
      %swap3A_298 = arith.index_cast %add3A_296 : i32 to index
      %swap3A_299 = arith.constant 0 : index
      %swap3A_300 = tpu.vector_load %arg6[%swap3A_297, %swap3A_298, %swap3A_299] {strides = array<i32>} : memref<2x128x128xf32, #tpu.memory_space<vmem>>, vector<1x1x16xf32>,
      %swap3A_301 = vector.shape_cast %swap3A_300 : vector<1x1x16xf32> to vector<16xf32>
      %swap3A_302 = vector.shape_cast %broadcast_in_dim3A_1 : vector<16xf32> to vector<1x1x16xf32>
      tpu.vector_store %arg6[%swap3A_297, %swap3A_298, %swap3A_299], %swap3A_302 {strides = array<i32>} : memref<2x128x128xf32, #tpu.memory_space<vmem>>, vector<1x1x16xf32>,
      %swap3A_303 = arith.constant 0 : i32
      %swap3A_304 = arith.index_cast %swap3A_303 : i32 to index
      %swap3A_305 = arith.index_cast %add3A_296 : i32 to index
      %swap3A_306 = arith.constant 16 : index
      %swap3A_307 = tpu.vector_load %arg6[%swap3A_304, %swap3A_305, %swap3A_306] {strides = array<i32>} : memref<2x128x128xf32, #tpu.memory_space<vmem>>, vector<1x1x16xf32>,
      %swap3A_308 = vector.shape_cast %swap3A_307 : vector<1x1x16xf32> to vector<16xf32>
      %swap3A_309 = vector.shape_cast %broadcast_in_dim3A_1 : vector<16xf32> to vector<1x1x16xf32>
      tpu.vector_store %arg6[%swap3A_304, %swap3A_305, %swap3A_306], %swap3A_309 {strides = array<i32>} : memref<2x128x128xf32, #tpu.memory_space<vmem>>, vector<1x1x16xf32>,
      %swap3A_310 = arith.constant 0 : i32
      %swap3A_311 = arith.index_cast %swap3A_310 : i32 to index
      %swap3A_312 = arith.index_cast %add3A_296 : i32 to index
      %swap3A_313 = arith.constant 32 : index
      %swap3A_314 = tpu.vector_load %arg6[%swap3A_311, %swap3A_312, %swap3A_313] {strides = array<i32>} : memref<2x128x128xf32, #tpu.memory_space<vmem>>, vector<1x1x16xf32>,
      %swap3A_315 = vector.shape_cast %swap3A_314 : vector<1x1x16xf32> to vector<16xf32>
      %swap3A_316 = vector.shape_cast %broadcast_in_dim3A_1 : vector<16xf32> to vector<1x1x16xf32>
      tpu.vector_store %arg6[%swap3A_311, %swap3A_312, %swap3A_313], %swap3A_316 {strides = array<i32>} : memref<2x128x128xf32, #tpu.memory_space<vmem>>, vector<1x1x16xf32>,
      %swap3A_317 = arith.constant 0 : i32
      %swap3A_318 = arith.index_cast %swap3A_317 : i32 to index
      %swap3A_319 = arith.index_cast %add3A_296 : i32 to index
      %swap3A_320 = arith.constant 48 : index
      %swap3A_321 = tpu.vector_load %arg6[%swap3A_318, %swap3A_319, %swap3A_320] {strides = array<i32>} : memref<2x128x128xf32, #tpu.memory_space<vmem>>, vector<1x1x16xf32>,
      %swap3A_322 = vector.shape_cast %swap3A_321 : vector<1x1x16xf32> to vector<16xf32>
      %swap3A_323 = vector.shape_cast %broadcast_in_dim3A_1 : vector<16xf32> to vector<1x1x16xf32>
      tpu.vector_store %arg6[%swap3A_318, %swap3A_319, %swap3A_320], %swap3A_323 {strides = array<i32>} : memref<2x128x128xf32, #tpu.memory_space<vmem>>, vector<1x1x16xf32>,
      %swap3A_324 = arith.constant 0 : i32
      %swap3A_325 = arith.index_cast %swap3A_324 : i32 to index
      %swap3A_326 = arith.index_cast %add3A_296 : i32 to index
      %swap3A_327 = arith.constant 64 : index
      %swap3A_328 = tpu.vector_load %arg6[%swap3A_325, %swap3A_326, %swap3A_327] {strides = array<i32>} : memref<2x128x128xf32, #tpu.memory_space<vmem>>, vector<1x1x16xf32>,
      %swap3A_329 = vector.shape_cast %swap3A_328 : vector<1x1x16xf32> to vector<16xf32>
      %swap3A_330 = vector.shape_cast %broadcast_in_dim3A_1 : vector<16xf32> to vector<1x1x16xf32>
      tpu.vector_store %arg6[%swap3A_325, %swap3A_326, %swap3A_327], %swap3A_330 {strides = array<i32>} : memref<2x128x128xf32, #tpu.memory_space<vmem>>, vector<1x1x16xf32>,
      %swap3A_331 = arith.constant 0 : i32
      %swap3A_332 = arith.index_cast %swap3A_331 : i32 to index
      %swap3A_333 = arith.index_cast %add3A_296 : i32 to index
      %swap3A_334 = arith.constant 80 : index
      %swap3A_335 = tpu.vector_load %arg6[%swap3A_332, %swap3A_333, %swap3A_334] {strides = array<i32>} : memref<2x128x128xf32, #tpu.memory_space<vmem>>, vector<1x1x16xf32>,
      %swap3A_336 = vector.shape_cast %swap3A_335 : vector<1x1x16xf32> to vector<16xf32>
      %swap3A_337 = vector.shape_cast %broadcast_in_dim3A_1 : vector<16xf32> to vector<1x1x16xf32>
      tpu.vector_store %arg6[%swap3A_332, %swap3A_333, %swap3A_334], %swap3A_337 {strides = array<i32>} : memref<2x128x128xf32, #tpu.memory_space<vmem>>, vector<1x1x16xf32>,
      %swap3A_338 = arith.constant 0 : i32
      %swap3A_339 = arith.index_cast %swap3A_338 : i32 to index
      %swap3A_340 = arith.index_cast %add3A_296 : i32 to index
      %swap3A_341 = arith.constant 96 : index
      %swap3A_342 = tpu.vector_load %arg6[%swap3A_339, %swap3A_340, %swap3A_341] {strides = array<i32>} : memref<2x128x128xf32, #tpu.memory_space<vmem>>, vector<1x1x16xf32>,
      %swap3A_343 = vector.shape_cast %swap3A_342 : vector<1x1x16xf32> to vector<16xf32>
      %swap3A_344 = vector.shape_cast %broadcast_in_dim3A_1 : vector<16xf32> to vector<1x1x16xf32>
      tpu.vector_store %arg6[%swap3A_339, %swap3A_340, %swap3A_341], %swap3A_344 {strides = array<i32>} : memref<2x128x128xf32, #tpu.memory_space<vmem>>, vector<1x1x16xf32>,
      %swap3A_345 = arith.constant 0 : i32
      %swap3A_346 = arith.index_cast %swap3A_345 : i32 to index
      %swap3A_347 = arith.index_cast %add3A_296 : i32 to index
      %swap3A_348 = arith.constant 112 : index
      %swap3A_349 = tpu.vector_load %arg6[%swap3A_346, %swap3A_347, %swap3A_348] {strides = array<i32>} : memref<2x128x128xf32, #tpu.memory_space<vmem>>, vector<1x1x16xf32>,
      %swap3A_350 = vector.shape_cast %swap3A_349 : vector<1x1x16xf32> to vector<16xf32>
      %swap3A_351 = vector.shape_cast %broadcast_in_dim3A_1 : vector<16xf32> to vector<1x1x16xf32>
      tpu.vector_store %arg6[%swap3A_346, %swap3A_347, %swap3A_348], %swap3A_351 {strides = array<i32>} : memref<2x128x128xf32, #tpu.memory_space<vmem>>, vector<1x1x16xf32>,
    }
    %scan3A_5 = arith.constant 128 : i32
    %mul3A_6 = arith.constant 640 : i32
    %mul3A_7 = arith.muli %arg1, %mul3A_6 : i32
    %add3A_8 = arith.constant 0 : i32
    %add3A_9 = arith.addi %mul3A_7, %add3A_8 : i32
    %run_scoped3A = arith.constant 0 : i32
    "tpu.region"() ({
      %run_scoped3A_292 = tpu.sem_alloc : memref<!tpu.dma_semaphore, #tpu.memory_space<semaphore_mem>>
      %dma_start3A_293 = arith.constant 0 : i32
      %dma_start3A_294 = arith.constant 0 : i32
      %dma_start3A_295 = tpu.memref_slice %arg6[%run_scoped3A, %dma_start3A_293, %dma_start3A_294] : memref<2x128x128xf32, #tpu.memory_space<vmem>> -> memref<1x128x128xf32, #tpu.memory_space<vmem>>
      %dma_start3A_296 = tpu.memref_squeeze %dma_start3A_295 : memref<1x128x128xf32, #tpu.memory_space<vmem>> -> memref<128x128xf32, #tpu.memory_space<vmem>>
      %dma_start3A_297 = arith.constant 0 : i32
      %dma_start3A_298 = tpu.memref_slice %arg7[%add3A_9, %dma_start3A_297] : memref<10240x128xf32, #tpu.memory_space<vmem_shared>> -> memref<128x128xf32, #tpu.memory_space<vmem_shared>>
      %dma_start3A_299 = arith.constant 0 : i32
      %dma_start3A_300 = tpu.memref_slice %arg7[%add3A_9, %dma_start3A_299] : memref<10240x128xf32, #tpu.memory_space<vmem_shared>> -> memref<128x128xf32, #tpu.memory_space<vmem_shared>>
      %dma_start3A_301 = arith.constant 0 : i32
      %dma_start3A_302 = arith.constant 0 : i32
      %dma_start3A_303 = tpu.memref_slice %arg6[%run_scoped3A, %dma_start3A_301, %dma_start3A_302] : memref<2x128x128xf32, #tpu.memory_space<vmem>> -> memref<1x128x128xf32, #tpu.memory_space<vmem>>
      %dma_start3A_304 = tpu.memref_squeeze %dma_start3A_303 : memref<1x128x128xf32, #tpu.memory_space<vmem>> -> memref<128x128xf32, #tpu.memory_space<vmem>>
      tpu.enqueue_dma source(%dma_start3A_304 : memref<128x128xf32, #tpu.memory_space<vmem>>) target(%dma_start3A_300 : memref<128x128xf32, #tpu.memory_space<vmem_shared>>) target_semaphore(%run_scoped3A_292 : memref<!tpu.dma_semaphore, #tpu.memory_space<semaphore_mem>>)
      %dma_wait3A_305 = arith.constant 0 : i32
      %dma_wait3A_306 = arith.constant 0 : i32
      %dma_wait3A_307 = tpu.memref_slice %arg6[%run_scoped3A, %dma_wait3A_305, %dma_wait3A_306] : memref<2x128x128xf32, #tpu.memory_space<vmem>> -> memref<1x128x128xf32, #tpu.memory_space<vmem>>
      %dma_wait3A_308 = tpu.memref_squeeze %dma_wait3A_307 : memref<1x128x128xf32, #tpu.memory_space<vmem>> -> memref<128x128xf32, #tpu.memory_space<vmem>>
      %dma_wait3A_309 = arith.constant 0 : i32
      %dma_wait3A_310 = tpu.memref_slice %arg7[%add3A_9, %dma_wait3A_309] : memref<10240x128xf32, #tpu.memory_space<vmem_shared>> -> memref<128x128xf32, #tpu.memory_space<vmem_shared>>
      %dma_wait3A_311 = arith.constant 0 : i32
      %dma_wait3A_312 = tpu.memref_slice %arg7[%add3A_9, %dma_wait3A_311] : memref<10240x128xf32, #tpu.memory_space<vmem_shared>> -> memref<128x128xf32, #tpu.memory_space<vmem_shared>>
      %dma_wait3A_313 = arith.constant 0 : i32
      %dma_wait3A_314 = arith.constant 0 : i32
      %dma_wait3A_315 = tpu.memref_slice %arg6[%run_scoped3A, %dma_wait3A_313, %dma_wait3A_314] : memref<2x128x128xf32, #tpu.memory_space<vmem>> -> memref<1x128x128xf32, #tpu.memory_space<vmem>>
      %dma_wait3A_316 = tpu.memref_squeeze %dma_wait3A_315 : memref<1x128x128xf32, #tpu.memory_space<vmem>> -> memref<128x128xf32, #tpu.memory_space<vmem>>
      tpu.wait_dma2 semaphore(%run_scoped3A_292 : memref<!tpu.dma_semaphore, #tpu.memory_space<semaphore_mem>>) src(%dma_wait3A_316 : memref<128x128xf32, #tpu.memory_space<vmem>>) dst(%dma_wait3A_312 : memref<128x128xf32, #tpu.memory_space<vmem_shared>>)
      tpu.yield
    }) : () -> ()
    %mul3A_10 = arith.constant 640 : i32
    %mul3A_11 = arith.muli %arg1, %mul3A_10 : i32
    %add3A_12 = arith.constant 128 : i32
    %add3A_13 = arith.addi %mul3A_11, %add3A_12 : i32
    %run_scoped3A_14 = arith.constant 0 : i32
    "tpu.region"() ({
      %run_scoped3A_292 = tpu.sem_alloc : memref<!tpu.dma_semaphore, #tpu.memory_space<semaphore_mem>>
      %dma_start3A_293 = arith.constant 0 : i32
      %dma_start3A_294 = arith.constant 0 : i32
      %dma_start3A_295 = tpu.memref_slice %arg6[%run_scoped3A_14, %dma_start3A_293, %dma_start3A_294] : memref<2x128x128xf32, #tpu.memory_space<vmem>> -> memref<1x128x128xf32, #tpu.memory_space<vmem>>
      %dma_start3A_296 = tpu.memref_squeeze %dma_start3A_295 : memref<1x128x128xf32, #tpu.memory_space<vmem>> -> memref<128x128xf32, #tpu.memory_space<vmem>>
      %dma_start3A_297 = arith.constant 0 : i32
      %dma_start3A_298 = tpu.memref_slice %arg7[%add3A_13, %dma_start3A_297] : memref<10240x128xf32, #tpu.memory_space<vmem_shared>> -> memref<128x128xf32, #tpu.memory_space<vmem_shared>>
      %dma_start3A_299 = arith.constant 0 : i32
      %dma_start3A_300 = tpu.memref_slice %arg7[%add3A_13, %dma_start3A_299] : memref<10240x128xf32, #tpu.memory_space<vmem_shared>> -> memref<128x128xf32, #tpu.memory_space<vmem_shared>>
      %dma_start3A_301 = arith.constant 0 : i32
      %dma_start3A_302 = arith.constant 0 : i32
      %dma_start3A_303 = tpu.memref_slice %arg6[%run_scoped3A_14, %dma_start3A_301, %dma_start3A_302] : memref<2x128x128xf32, #tpu.memory_space<vmem>> -> memref<1x128x128xf32, #tpu.memory_space<vmem>>
      %dma_start3A_304 = tpu.memref_squeeze %dma_start3A_303 : memref<1x128x128xf32, #tpu.memory_space<vmem>> -> memref<128x128xf32, #tpu.memory_space<vmem>>
      tpu.enqueue_dma source(%dma_start3A_304 : memref<128x128xf32, #tpu.memory_space<vmem>>) target(%dma_start3A_300 : memref<128x128xf32, #tpu.memory_space<vmem_shared>>) target_semaphore(%run_scoped3A_292 : memref<!tpu.dma_semaphore, #tpu.memory_space<semaphore_mem>>)
      %dma_wait3A_305 = arith.constant 0 : i32
      %dma_wait3A_306 = arith.constant 0 : i32
      %dma_wait3A_307 = tpu.memref_slice %arg6[%run_scoped3A_14, %dma_wait3A_305, %dma_wait3A_306] : memref<2x128x128xf32, #tpu.memory_space<vmem>> -> memref<1x128x128xf32, #tpu.memory_space<vmem>>
      %dma_wait3A_308 = tpu.memref_squeeze %dma_wait3A_307 : memref<1x128x128xf32, #tpu.memory_space<vmem>> -> memref<128x128xf32, #tpu.memory_space<vmem>>
      %dma_wait3A_309 = arith.constant 0 : i32
      %dma_wait3A_310 = tpu.memref_slice %arg7[%add3A_13, %dma_wait3A_309] : memref<10240x128xf32, #tpu.memory_space<vmem_shared>> -> memref<128x128xf32, #tpu.memory_space<vmem_shared>>
      %dma_wait3A_311 = arith.constant 0 : i32
      %dma_wait3A_312 = tpu.memref_slice %arg7[%add3A_13, %dma_wait3A_311] : memref<10240x128xf32, #tpu.memory_space<vmem_shared>> -> memref<128x128xf32, #tpu.memory_space<vmem_shared>>
      %dma_wait3A_313 = arith.constant 0 : i32
      %dma_wait3A_314 = arith.constant 0 : i32
      %dma_wait3A_315 = tpu.memref_slice %arg6[%run_scoped3A_14, %dma_wait3A_313, %dma_wait3A_314] : memref<2x128x128xf32, #tpu.memory_space<vmem>> -> memref<1x128x128xf32, #tpu.memory_space<vmem>>
      %dma_wait3A_316 = tpu.memref_squeeze %dma_wait3A_315 : memref<1x128x128xf32, #tpu.memory_space<vmem>> -> memref<128x128xf32, #tpu.memory_space<vmem>>
      tpu.wait_dma2 semaphore(%run_scoped3A_292 : memref<!tpu.dma_semaphore, #tpu.memory_space<semaphore_mem>>) src(%dma_wait3A_316 : memref<128x128xf32, #tpu.memory_space<vmem>>) dst(%dma_wait3A_312 : memref<128x128xf32, #tpu.memory_space<vmem_shared>>)
      tpu.yield
    }) : () -> ()
    %mul3A_15 = arith.constant 640 : i32
    %mul3A_16 = arith.muli %arg1, %mul3A_15 : i32
    %add3A_17 = arith.constant 256 : i32
    %add3A_18 = arith.addi %mul3A_16, %add3A_17 : i32
    %run_scoped3A_19 = arith.constant 0 : i32
    "tpu.region"() ({
      %run_scoped3A_292 = tpu.sem_alloc : memref<!tpu.dma_semaphore, #tpu.memory_space<semaphore_mem>>
      %dma_start3A_293 = arith.constant 0 : i32
      %dma_start3A_294 = arith.constant 0 : i32
      %dma_start3A_295 = tpu.memref_slice %arg6[%run_scoped3A_19, %dma_start3A_293, %dma_start3A_294] : memref<2x128x128xf32, #tpu.memory_space<vmem>> -> memref<1x128x128xf32, #tpu.memory_space<vmem>>
      %dma_start3A_296 = tpu.memref_squeeze %dma_start3A_295 : memref<1x128x128xf32, #tpu.memory_space<vmem>> -> memref<128x128xf32, #tpu.memory_space<vmem>>
      %dma_start3A_297 = arith.constant 0 : i32
      %dma_start3A_298 = tpu.memref_slice %arg7[%add3A_18, %dma_start3A_297] : memref<10240x128xf32, #tpu.memory_space<vmem_shared>> -> memref<128x128xf32, #tpu.memory_space<vmem_shared>>
      %dma_start3A_299 = arith.constant 0 : i32
      %dma_start3A_300 = tpu.memref_slice %arg7[%add3A_18, %dma_start3A_299] : memref<10240x128xf32, #tpu.memory_space<vmem_shared>> -> memref<128x128xf32, #tpu.memory_space<vmem_shared>>
      %dma_start3A_301 = arith.constant 0 : i32
      %dma_start3A_302 = arith.constant 0 : i32
      %dma_start3A_303 = tpu.memref_slice %arg6[%run_scoped3A_19, %dma_start3A_301, %dma_start3A_302] : memref<2x128x128xf32, #tpu.memory_space<vmem>> -> memref<1x128x128xf32, #tpu.memory_space<vmem>>
      %dma_start3A_304 = tpu.memref_squeeze %dma_start3A_303 : memref<1x128x128xf32, #tpu.memory_space<vmem>> -> memref<128x128xf32, #tpu.memory_space<vmem>>
      tpu.enqueue_dma source(%dma_start3A_304 : memref<128x128xf32, #tpu.memory_space<vmem>>) target(%dma_start3A_300 : memref<128x128xf32, #tpu.memory_space<vmem_shared>>) target_semaphore(%run_scoped3A_292 : memref<!tpu.dma_semaphore, #tpu.memory_space<semaphore_mem>>)
      %dma_wait3A_305 = arith.constant 0 : i32
      %dma_wait3A_306 = arith.constant 0 : i32
      %dma_wait3A_307 = tpu.memref_slice %arg6[%run_scoped3A_19, %dma_wait3A_305, %dma_wait3A_306] : memref<2x128x128xf32, #tpu.memory_space<vmem>> -> memref<1x128x128xf32, #tpu.memory_space<vmem>>
      %dma_wait3A_308 = tpu.memref_squeeze %dma_wait3A_307 : memref<1x128x128xf32, #tpu.memory_space<vmem>> -> memref<128x128xf32, #tpu.memory_space<vmem>>
      %dma_wait3A_309 = arith.constant 0 : i32
      %dma_wait3A_310 = tpu.memref_slice %arg7[%add3A_18, %dma_wait3A_309] : memref<10240x128xf32, #tpu.memory_space<vmem_shared>> -> memref<128x128xf32, #tpu.memory_space<vmem_shared>>
      %dma_wait3A_311 = arith.constant 0 : i32
      %dma_wait3A_312 = tpu.memref_slice %arg7[%add3A_18, %dma_wait3A_311] : memref<10240x128xf32, #tpu.memory_space<vmem_shared>> -> memref<128x128xf32, #tpu.memory_space<vmem_shared>>
      %dma_wait3A_313 = arith.constant 0 : i32
      %dma_wait3A_314 = arith.constant 0 : i32
      %dma_wait3A_315 = tpu.memref_slice %arg6[%run_scoped3A_19, %dma_wait3A_313, %dma_wait3A_314] : memref<2x128x128xf32, #tpu.memory_space<vmem>> -> memref<1x128x128xf32, #tpu.memory_space<vmem>>
      %dma_wait3A_316 = tpu.memref_squeeze %dma_wait3A_315 : memref<1x128x128xf32, #tpu.memory_space<vmem>> -> memref<128x128xf32, #tpu.memory_space<vmem>>
      tpu.wait_dma2 semaphore(%run_scoped3A_292 : memref<!tpu.dma_semaphore, #tpu.memory_space<semaphore_mem>>) src(%dma_wait3A_316 : memref<128x128xf32, #tpu.memory_space<vmem>>) dst(%dma_wait3A_312 : memref<128x128xf32, #tpu.memory_space<vmem_shared>>)
      tpu.yield
    }) : () -> ()
    %mul3A_20 = arith.constant 640 : i32
    %mul3A_21 = arith.muli %arg1, %mul3A_20 : i32
    %add3A_22 = arith.constant 384 : i32
    %add3A_23 = arith.addi %mul3A_21, %add3A_22 : i32
    %run_scoped3A_24 = arith.constant 0 : i32
    "tpu.region"() ({
      %run_scoped3A_292 = tpu.sem_alloc : memref<!tpu.dma_semaphore, #tpu.memory_space<semaphore_mem>>
      %dma_start3A_293 = arith.constant 0 : i32
      %dma_start3A_294 = arith.constant 0 : i32
      %dma_start3A_295 = tpu.memref_slice %arg6[%run_scoped3A_24, %dma_start3A_293, %dma_start3A_294] : memref<2x128x128xf32, #tpu.memory_space<vmem>> -> memref<1x128x128xf32, #tpu.memory_space<vmem>>
      %dma_start3A_296 = tpu.memref_squeeze %dma_start3A_295 : memref<1x128x128xf32, #tpu.memory_space<vmem>> -> memref<128x128xf32, #tpu.memory_space<vmem>>
      %dma_start3A_297 = arith.constant 0 : i32
      %dma_start3A_298 = tpu.memref_slice %arg7[%add3A_23, %dma_start3A_297] : memref<10240x128xf32, #tpu.memory_space<vmem_shared>> -> memref<128x128xf32, #tpu.memory_space<vmem_shared>>
      %dma_start3A_299 = arith.constant 0 : i32
      %dma_start3A_300 = tpu.memref_slice %arg7[%add3A_23, %dma_start3A_299] : memref<10240x128xf32, #tpu.memory_space<vmem_shared>> -> memref<128x128xf32, #tpu.memory_space<vmem_shared>>
      %dma_start3A_301 = arith.constant 0 : i32
      %dma_start3A_302 = arith.constant 0 : i32
      %dma_start3A_303 = tpu.memref_slice %arg6[%run_scoped3A_24, %dma_start3A_301, %dma_start3A_302] : memref<2x128x128xf32, #tpu.memory_space<vmem>> -> memref<1x128x128xf32, #tpu.memory_space<vmem>>
      %dma_start3A_304 = tpu.memref_squeeze %dma_start3A_303 : memref<1x128x128xf32, #tpu.memory_space<vmem>> -> memref<128x128xf32, #tpu.memory_space<vmem>>
      tpu.enqueue_dma source(%dma_start3A_304 : memref<128x128xf32, #tpu.memory_space<vmem>>) target(%dma_start3A_300 : memref<128x128xf32, #tpu.memory_space<vmem_shared>>) target_semaphore(%run_scoped3A_292 : memref<!tpu.dma_semaphore, #tpu.memory_space<semaphore_mem>>)
      %dma_wait3A_305 = arith.constant 0 : i32
      %dma_wait3A_306 = arith.constant 0 : i32
      %dma_wait3A_307 = tpu.memref_slice %arg6[%run_scoped3A_24, %dma_wait3A_305, %dma_wait3A_306] : memref<2x128x128xf32, #tpu.memory_space<vmem>> -> memref<1x128x128xf32, #tpu.memory_space<vmem>>
      %dma_wait3A_308 = tpu.memref_squeeze %dma_wait3A_307 : memref<1x128x128xf32, #tpu.memory_space<vmem>> -> memref<128x128xf32, #tpu.memory_space<vmem>>
      %dma_wait3A_309 = arith.constant 0 : i32
      %dma_wait3A_310 = tpu.memref_slice %arg7[%add3A_23, %dma_wait3A_309] : memref<10240x128xf32, #tpu.memory_space<vmem_shared>> -> memref<128x128xf32, #tpu.memory_space<vmem_shared>>
      %dma_wait3A_311 = arith.constant 0 : i32
      %dma_wait3A_312 = tpu.memref_slice %arg7[%add3A_23, %dma_wait3A_311] : memref<10240x128xf32, #tpu.memory_space<vmem_shared>> -> memref<128x128xf32, #tpu.memory_space<vmem_shared>>
      %dma_wait3A_313 = arith.constant 0 : i32
      %dma_wait3A_314 = arith.constant 0 : i32
      %dma_wait3A_315 = tpu.memref_slice %arg6[%run_scoped3A_24, %dma_wait3A_313, %dma_wait3A_314] : memref<2x128x128xf32, #tpu.memory_space<vmem>> -> memref<1x128x128xf32, #tpu.memory_space<vmem>>
      %dma_wait3A_316 = tpu.memref_squeeze %dma_wait3A_315 : memref<1x128x128xf32, #tpu.memory_space<vmem>> -> memref<128x128xf32, #tpu.memory_space<vmem>>
      tpu.wait_dma2 semaphore(%run_scoped3A_292 : memref<!tpu.dma_semaphore, #tpu.memory_space<semaphore_mem>>) src(%dma_wait3A_316 : memref<128x128xf32, #tpu.memory_space<vmem>>) dst(%dma_wait3A_312 : memref<128x128xf32, #tpu.memory_space<vmem_shared>>)
      tpu.yield
    }) : () -> ()
    %mul3A_25 = arith.constant 640 : i32
    %mul3A_26 = arith.muli %arg1, %mul3A_25 : i32
    %add3A_27 = arith.constant 512 : i32
    %add3A_28 = arith.addi %mul3A_26, %add3A_27 : i32
    %run_scoped3A_29 = arith.constant 0 : i32
    "tpu.region"() ({
      %run_scoped3A_292 = tpu.sem_alloc : memref<!tpu.dma_semaphore, #tpu.memory_space<semaphore_mem>>
      %dma_start3A_293 = arith.constant 0 : i32
      %dma_start3A_294 = arith.constant 0 : i32
      %dma_start3A_295 = tpu.memref_slice %arg6[%run_scoped3A_29, %dma_start3A_293, %dma_start3A_294] : memref<2x128x128xf32, #tpu.memory_space<vmem>> -> memref<1x128x128xf32, #tpu.memory_space<vmem>>
      %dma_start3A_296 = tpu.memref_squeeze %dma_start3A_295 : memref<1x128x128xf32, #tpu.memory_space<vmem>> -> memref<128x128xf32, #tpu.memory_space<vmem>>
      %dma_start3A_297 = arith.constant 0 : i32
      %dma_start3A_298 = tpu.memref_slice %arg7[%add3A_28, %dma_start3A_297] : memref<10240x128xf32, #tpu.memory_space<vmem_shared>> -> memref<128x128xf32, #tpu.memory_space<vmem_shared>>
      %dma_start3A_299 = arith.constant 0 : i32
      %dma_start3A_300 = tpu.memref_slice %arg7[%add3A_28, %dma_start3A_299] : memref<10240x128xf32, #tpu.memory_space<vmem_shared>> -> memref<128x128xf32, #tpu.memory_space<vmem_shared>>
      %dma_start3A_301 = arith.constant 0 : i32
      %dma_start3A_302 = arith.constant 0 : i32
      %dma_start3A_303 = tpu.memref_slice %arg6[%run_scoped3A_29, %dma_start3A_301, %dma_start3A_302] : memref<2x128x128xf32, #tpu.memory_space<vmem>> -> memref<1x128x128xf32, #tpu.memory_space<vmem>>
      %dma_start3A_304 = tpu.memref_squeeze %dma_start3A_303 : memref<1x128x128xf32, #tpu.memory_space<vmem>> -> memref<128x128xf32, #tpu.memory_space<vmem>>
      tpu.enqueue_dma source(%dma_start3A_304 : memref<128x128xf32, #tpu.memory_space<vmem>>) target(%dma_start3A_300 : memref<128x128xf32, #tpu.memory_space<vmem_shared>>) target_semaphore(%run_scoped3A_292 : memref<!tpu.dma_semaphore, #tpu.memory_space<semaphore_mem>>)
      %dma_wait3A_305 = arith.constant 0 : i32
      %dma_wait3A_306 = arith.constant 0 : i32
      %dma_wait3A_307 = tpu.memref_slice %arg6[%run_scoped3A_29, %dma_wait3A_305, %dma_wait3A_306] : memref<2x128x128xf32, #tpu.memory_space<vmem>> -> memref<1x128x128xf32, #tpu.memory_space<vmem>>
      %dma_wait3A_308 = tpu.memref_squeeze %dma_wait3A_307 : memref<1x128x128xf32, #tpu.memory_space<vmem>> -> memref<128x128xf32, #tpu.memory_space<vmem>>
      %dma_wait3A_309 = arith.constant 0 : i32
      %dma_wait3A_310 = tpu.memref_slice %arg7[%add3A_28, %dma_wait3A_309] : memref<10240x128xf32, #tpu.memory_space<vmem_shared>> -> memref<128x128xf32, #tpu.memory_space<vmem_shared>>
      %dma_wait3A_311 = arith.constant 0 : i32
      %dma_wait3A_312 = tpu.memref_slice %arg7[%add3A_28, %dma_wait3A_311] : memref<10240x128xf32, #tpu.memory_space<vmem_shared>> -> memref<128x128xf32, #tpu.memory_space<vmem_shared>>
      %dma_wait3A_313 = arith.constant 0 : i32
      %dma_wait3A_314 = arith.constant 0 : i32
      %dma_wait3A_315 = tpu.memref_slice %arg6[%run_scoped3A_29, %dma_wait3A_313, %dma_wait3A_314] : memref<2x128x128xf32, #tpu.memory_space<vmem>> -> memref<1x128x128xf32, #tpu.memory_space<vmem>>
      %dma_wait3A_316 = tpu.memref_squeeze %dma_wait3A_315 : memref<1x128x128xf32, #tpu.memory_space<vmem>> -> memref<128x128xf32, #tpu.memory_space<vmem>>
      tpu.wait_dma2 semaphore(%run_scoped3A_292 : memref<!tpu.dma_semaphore, #tpu.memory_space<semaphore_mem>>) src(%dma_wait3A_316 : memref<128x128xf32, #tpu.memory_space<vmem>>) dst(%dma_wait3A_312 : memref<128x128xf32, #tpu.memory_space<vmem_shared>>)
      tpu.yield
    }) : () -> ()
    %barrier3A = arith.constant 0 : index
    tpu.barrier barrier_id(%barrier3A)
    %mul3A_30 = arith.constant 78 : i32
    %mul3A_31 = arith.muli %add3A, %mul3A_30 : i32
    %add3A_32 = arith.constant 0 : i32
    %add3A_33 = arith.addi %mul3A_31, %add3A_32 : i32
    %mul3A_34 = arith.constant 128 : i32
    %mul3A_35 = arith.muli %add3A_33, %mul3A_34 : i32
    %dma_start3A = arith.constant 0 : i32
    %dma_start3A_36 = arith.constant 0 : i32
    %dma_start3A_37 = arith.constant 0 : i32
    %dma_start3A_38 = arith.constant 0 : i32
    %dma_start3A_39 = tpu.memref_slice %arg5[%dma_start3A_36, %dma_start3A_37, %dma_start3A_38] : memref<4x2x128xi32, #tpu.memory_space<vmem>> -> memref<1x1x128xi32, #tpu.memory_space<vmem>>
    %dma_start3A_40 = tpu.memref_squeeze %dma_start3A_39 : memref<1x1x128xi32, #tpu.memory_space<vmem>> -> memref<128xi32, #tpu.memory_space<vmem>>
    %dma_start3A_41 = tpu.memref_slice %arg3[%dma_start3A, %mul3A_35] : memref<2x320000xi32, #tpu.memory_space<hbm>> -> memref<1x128xi32, #tpu.memory_space<hbm>>
    %dma_start3A_42 = tpu.memref_squeeze %dma_start3A_41 : memref<1x128xi32, #tpu.memory_space<hbm>> -> memref<128xi32, #tpu.memory_space<hbm>>
    %dma_start3A_43 = arith.constant 0 : i32
    %dma_start3A_44 = tpu.memref_slice %arg5[%dma_start3A_36, %dma_start3A_37, %dma_start3A_43] : memref<4x2x128xi32, #tpu.memory_space<vmem>> -> memref<1x1x128xi32, #tpu.memory_space<vmem>>
    %dma_start3A_45 = tpu.memref_squeeze %dma_start3A_44 : memref<1x1x128xi32, #tpu.memory_space<vmem>> -> memref<128xi32, #tpu.memory_space<vmem>>
    %dma_start3A_46 = tpu.memref_slice %arg3[%dma_start3A, %mul3A_35] : memref<2x320000xi32, #tpu.memory_space<hbm>> -> memref<1x128xi32, #tpu.memory_space<hbm>>
    %dma_start3A_47 = tpu.memref_squeeze %dma_start3A_46 : memref<1x128xi32, #tpu.memory_space<hbm>> -> memref<128xi32, #tpu.memory_space<hbm>>
    tpu.enqueue_dma source(%dma_start3A_47 : memref<128xi32, #tpu.memory_space<hbm>>) target(%dma_start3A_45 : memref<128xi32, #tpu.memory_space<vmem>>) target_semaphore(%arg8 : memref<!tpu.dma_semaphore, #tpu.memory_space<semaphore_mem>>)
    %mul3A_48 = arith.constant 128 : i32
    %mul3A_49 = arith.muli %add3A_33, %mul3A_48 : i32
    %dma_start3A_50 = arith.constant 1 : i32
    %dma_start3A_51 = arith.constant 0 : i32
    %dma_start3A_52 = arith.constant 1 : i32
    %dma_start3A_53 = arith.constant 0 : i32
    %dma_start3A_54 = tpu.memref_slice %arg5[%dma_start3A_51, %dma_start3A_52, %dma_start3A_53] : memref<4x2x128xi32, #tpu.memory_space<vmem>> -> memref<1x1x128xi32, #tpu.memory_space<vmem>>
    %dma_start3A_55 = tpu.memref_squeeze %dma_start3A_54 : memref<1x1x128xi32, #tpu.memory_space<vmem>> -> memref<128xi32, #tpu.memory_space<vmem>>
    %dma_start3A_56 = tpu.memref_slice %arg3[%dma_start3A_50, %mul3A_49] : memref<2x320000xi32, #tpu.memory_space<hbm>> -> memref<1x128xi32, #tpu.memory_space<hbm>>
    %dma_start3A_57 = tpu.memref_squeeze %dma_start3A_56 : memref<1x128xi32, #tpu.memory_space<hbm>> -> memref<128xi32, #tpu.memory_space<hbm>>
    %dma_start3A_58 = arith.constant 0 : i32
    %dma_start3A_59 = tpu.memref_slice %arg5[%dma_start3A_51, %dma_start3A_52, %dma_start3A_58] : memref<4x2x128xi32, #tpu.memory_space<vmem>> -> memref<1x1x128xi32, #tpu.memory_space<vmem>>
    %dma_start3A_60 = tpu.memref_squeeze %dma_start3A_59 : memref<1x1x128xi32, #tpu.memory_space<vmem>> -> memref<128xi32, #tpu.memory_space<vmem>>
    %dma_start3A_61 = tpu.memref_slice %arg3[%dma_start3A_50, %mul3A_49] : memref<2x320000xi32, #tpu.memory_space<hbm>> -> memref<1x128xi32, #tpu.memory_space<hbm>>
    %dma_start3A_62 = tpu.memref_squeeze %dma_start3A_61 : memref<1x128xi32, #tpu.memory_space<hbm>> -> memref<128xi32, #tpu.memory_space<hbm>>
    tpu.enqueue_dma source(%dma_start3A_62 : memref<128xi32, #tpu.memory_space<hbm>>) target(%dma_start3A_60 : memref<128xi32, #tpu.memory_space<vmem>>) target_semaphore(%arg8 : memref<!tpu.dma_semaphore, #tpu.memory_space<semaphore_mem>>)
    %add3A_63 = arith.constant 1 : i32
    %add3A_64 = arith.addi %mul3A_31, %add3A_63 : i32
    %mul3A_65 = arith.constant 128 : i32
    %mul3A_66 = arith.muli %add3A_64, %mul3A_65 : i32
    %dma_start3A_67 = arith.constant 0 : i32
    %dma_start3A_68 = arith.constant 1 : i32
    %dma_start3A_69 = arith.constant 0 : i32
    %dma_start3A_70 = arith.constant 0 : i32
    %dma_start3A_71 = tpu.memref_slice %arg5[%dma_start3A_68, %dma_start3A_69, %dma_start3A_70] : memref<4x2x128xi32, #tpu.memory_space<vmem>> -> memref<1x1x128xi32, #tpu.memory_space<vmem>>
    %dma_start3A_72 = tpu.memref_squeeze %dma_start3A_71 : memref<1x1x128xi32, #tpu.memory_space<vmem>> -> memref<128xi32, #tpu.memory_space<vmem>>
    %dma_start3A_73 = tpu.memref_slice %arg3[%dma_start3A_67, %mul3A_66] : memref<2x320000xi32, #tpu.memory_space<hbm>> -> memref<1x128xi32, #tpu.memory_space<hbm>>
    %dma_start3A_74 = tpu.memref_squeeze %dma_start3A_73 : memref<1x128xi32, #tpu.memory_space<hbm>> -> memref<128xi32, #tpu.memory_space<hbm>>
    %dma_start3A_75 = arith.constant 0 : i32
    %dma_start3A_76 = tpu.memref_slice %arg5[%dma_start3A_68, %dma_start3A_69, %dma_start3A_75] : memref<4x2x128xi32, #tpu.memory_space<vmem>> -> memref<1x1x128xi32, #tpu.memory_space<vmem>>
    %dma_start3A_77 = tpu.memref_squeeze %dma_start3A_76 : memref<1x1x128xi32, #tpu.memory_space<vmem>> -> memref<128xi32, #tpu.memory_space<vmem>>
    %dma_start3A_78 = tpu.memref_slice %arg3[%dma_start3A_67, %mul3A_66] : memref<2x320000xi32, #tpu.memory_space<hbm>> -> memref<1x128xi32, #tpu.memory_space<hbm>>
    %dma_start3A_79 = tpu.memref_squeeze %dma_start3A_78 : memref<1x128xi32, #tpu.memory_space<hbm>> -> memref<128xi32, #tpu.memory_space<hbm>>
    tpu.enqueue_dma source(%dma_start3A_79 : memref<128xi32, #tpu.memory_space<hbm>>) target(%dma_start3A_77 : memref<128xi32, #tpu.memory_space<vmem>>) target_semaphore(%arg9 : memref<!tpu.dma_semaphore, #tpu.memory_space<semaphore_mem>>)
    %mul3A_80 = arith.constant 128 : i32
    %mul3A_81 = arith.muli %add3A_64, %mul3A_80 : i32
    %dma_start3A_82 = arith.constant 1 : i32
    %dma_start3A_83 = arith.constant 1 : i32
    %dma_start3A_84 = arith.constant 1 : i32
    %dma_start3A_85 = arith.constant 0 : i32
    %dma_start3A_86 = tpu.memref_slice %arg5[%dma_start3A_83, %dma_start3A_84, %dma_start3A_85] : memref<4x2x128xi32, #tpu.memory_space<vmem>> -> memref<1x1x128xi32, #tpu.memory_space<vmem>>
    %dma_start3A_87 = tpu.memref_squeeze %dma_start3A_86 : memref<1x1x128xi32, #tpu.memory_space<vmem>> -> memref<128xi32, #tpu.memory_space<vmem>>
    %dma_start3A_88 = tpu.memref_slice %arg3[%dma_start3A_82, %mul3A_81] : memref<2x320000xi32, #tpu.memory_space<hbm>> -> memref<1x128xi32, #tpu.memory_space<hbm>>
    %dma_start3A_89 = tpu.memref_squeeze %dma_start3A_88 : memref<1x128xi32, #tpu.memory_space<hbm>> -> memref<128xi32, #tpu.memory_space<hbm>>
    %dma_start3A_90 = arith.constant 0 : i32
    %dma_start3A_91 = tpu.memref_slice %arg5[%dma_start3A_83, %dma_start3A_84, %dma_start3A_90] : memref<4x2x128xi32, #tpu.memory_space<vmem>> -> memref<1x1x128xi32, #tpu.memory_space<vmem>>
    %dma_start3A_92 = tpu.memref_squeeze %dma_start3A_91 : memref<1x1x128xi32, #tpu.memory_space<vmem>> -> memref<128xi32, #tpu.memory_space<vmem>>
    %dma_start3A_93 = tpu.memref_slice %arg3[%dma_start3A_82, %mul3A_81] : memref<2x320000xi32, #tpu.memory_space<hbm>> -> memref<1x128xi32, #tpu.memory_space<hbm>>
    %dma_start3A_94 = tpu.memref_squeeze %dma_start3A_93 : memref<1x128xi32, #tpu.memory_space<hbm>> -> memref<128xi32, #tpu.memory_space<hbm>>
    tpu.enqueue_dma source(%dma_start3A_94 : memref<128xi32, #tpu.memory_space<hbm>>) target(%dma_start3A_92 : memref<128xi32, #tpu.memory_space<vmem>>) target_semaphore(%arg9 : memref<!tpu.dma_semaphore, #tpu.memory_space<semaphore_mem>>)
    %add3A_95 = arith.constant 2 : i32
    %add3A_96 = arith.addi %mul3A_31, %add3A_95 : i32
    %mul3A_97 = arith.constant 128 : i32
    %mul3A_98 = arith.muli %add3A_96, %mul3A_97 : i32
    %dma_start3A_99 = arith.constant 0 : i32
    %dma_start3A_100 = arith.constant 2 : i32
    %dma_start3A_101 = arith.constant 0 : i32
    %dma_start3A_102 = arith.constant 0 : i32
    %dma_start3A_103 = tpu.memref_slice %arg5[%dma_start3A_100, %dma_start3A_101, %dma_start3A_102] : memref<4x2x128xi32, #tpu.memory_space<vmem>> -> memref<1x1x128xi32, #tpu.memory_space<vmem>>
    %dma_start3A_104 = tpu.memref_squeeze %dma_start3A_103 : memref<1x1x128xi32, #tpu.memory_space<vmem>> -> memref<128xi32, #tpu.memory_space<vmem>>
    %dma_start3A_105 = tpu.memref_slice %arg3[%dma_start3A_99, %mul3A_98] : memref<2x320000xi32, #tpu.memory_space<hbm>> -> memref<1x128xi32, #tpu.memory_space<hbm>>
    %dma_start3A_106 = tpu.memref_squeeze %dma_start3A_105 : memref<1x128xi32, #tpu.memory_space<hbm>> -> memref<128xi32, #tpu.memory_space<hbm>>
    %dma_start3A_107 = arith.constant 0 : i32
    %dma_start3A_108 = tpu.memref_slice %arg5[%dma_start3A_100, %dma_start3A_101, %dma_start3A_107] : memref<4x2x128xi32, #tpu.memory_space<vmem>> -> memref<1x1x128xi32, #tpu.memory_space<vmem>>
    %dma_start3A_109 = tpu.memref_squeeze %dma_start3A_108 : memref<1x1x128xi32, #tpu.memory_space<vmem>> -> memref<128xi32, #tpu.memory_space<vmem>>
    %dma_start3A_110 = tpu.memref_slice %arg3[%dma_start3A_99, %mul3A_98] : memref<2x320000xi32, #tpu.memory_space<hbm>> -> memref<1x128xi32, #tpu.memory_space<hbm>>
    %dma_start3A_111 = tpu.memref_squeeze %dma_start3A_110 : memref<1x128xi32, #tpu.memory_space<hbm>> -> memref<128xi32, #tpu.memory_space<hbm>>
    tpu.enqueue_dma source(%dma_start3A_111 : memref<128xi32, #tpu.memory_space<hbm>>) target(%dma_start3A_109 : memref<128xi32, #tpu.memory_space<vmem>>) target_semaphore(%arg10 : memref<!tpu.dma_semaphore, #tpu.memory_space<semaphore_mem>>)
    %mul3A_112 = arith.constant 128 : i32
    %mul3A_113 = arith.muli %add3A_96, %mul3A_112 : i32
    %dma_start3A_114 = arith.constant 1 : i32
    %dma_start3A_115 = arith.constant 2 : i32
    %dma_start3A_116 = arith.constant 1 : i32
    %dma_start3A_117 = arith.constant 0 : i32
    %dma_start3A_118 = tpu.memref_slice %arg5[%dma_start3A_115, %dma_start3A_116, %dma_start3A_117] : memref<4x2x128xi32, #tpu.memory_space<vmem>> -> memref<1x1x128xi32, #tpu.memory_space<vmem>>
    %dma_start3A_119 = tpu.memref_squeeze %dma_start3A_118 : memref<1x1x128xi32, #tpu.memory_space<vmem>> -> memref<128xi32, #tpu.memory_space<vmem>>
    %dma_start3A_120 = tpu.memref_slice %arg3[%dma_start3A_114, %mul3A_113] : memref<2x320000xi32, #tpu.memory_space<hbm>> -> memref<1x128xi32, #tpu.memory_space<hbm>>
    %dma_start3A_121 = tpu.memref_squeeze %dma_start3A_120 : memref<1x128xi32, #tpu.memory_space<hbm>> -> memref<128xi32, #tpu.memory_space<hbm>>
    %dma_start3A_122 = arith.constant 0 : i32
    %dma_start3A_123 = tpu.memref_slice %arg5[%dma_start3A_115, %dma_start3A_116, %dma_start3A_122] : memref<4x2x128xi32, #tpu.memory_space<vmem>> -> memref<1x1x128xi32, #tpu.memory_space<vmem>>
    %dma_start3A_124 = tpu.memref_squeeze %dma_start3A_123 : memref<1x1x128xi32, #tpu.memory_space<vmem>> -> memref<128xi32, #tpu.memory_space<vmem>>
    %dma_start3A_125 = tpu.memref_slice %arg3[%dma_start3A_114, %mul3A_113] : memref<2x320000xi32, #tpu.memory_space<hbm>> -> memref<1x128xi32, #tpu.memory_space<hbm>>
    %dma_start3A_126 = tpu.memref_squeeze %dma_start3A_125 : memref<1x128xi32, #tpu.memory_space<hbm>> -> memref<128xi32, #tpu.memory_space<hbm>>
    tpu.enqueue_dma source(%dma_start3A_126 : memref<128xi32, #tpu.memory_space<hbm>>) target(%dma_start3A_124 : memref<128xi32, #tpu.memory_space<vmem>>) target_semaphore(%arg10 : memref<!tpu.dma_semaphore, #tpu.memory_space<semaphore_mem>>)
    %add3A_127 = arith.constant 3 : i32
    %add3A_128 = arith.addi %mul3A_31, %add3A_127 : i32
    %mul3A_129 = arith.constant 128 : i32
    %mul3A_130 = arith.muli %add3A_128, %mul3A_129 : i32
    %dma_start3A_131 = arith.constant 0 : i32
    %dma_start3A_132 = arith.constant 3 : i32
    %dma_start3A_133 = arith.constant 0 : i32
    %dma_start3A_134 = arith.constant 0 : i32
    %dma_start3A_135 = tpu.memref_slice %arg5[%dma_start3A_132, %dma_start3A_133, %dma_start3A_134] : memref<4x2x128xi32, #tpu.memory_space<vmem>> -> memref<1x1x128xi32, #tpu.memory_space<vmem>>
    %dma_start3A_136 = tpu.memref_squeeze %dma_start3A_135 : memref<1x1x128xi32, #tpu.memory_space<vmem>> -> memref<128xi32, #tpu.memory_space<vmem>>
    %dma_start3A_137 = tpu.memref_slice %arg3[%dma_start3A_131, %mul3A_130] : memref<2x320000xi32, #tpu.memory_space<hbm>> -> memref<1x128xi32, #tpu.memory_space<hbm>>
    %dma_start3A_138 = tpu.memref_squeeze %dma_start3A_137 : memref<1x128xi32, #tpu.memory_space<hbm>> -> memref<128xi32, #tpu.memory_space<hbm>>
    %dma_start3A_139 = arith.constant 0 : i32
    %dma_start3A_140 = tpu.memref_slice %arg5[%dma_start3A_132, %dma_start3A_133, %dma_start3A_139] : memref<4x2x128xi32, #tpu.memory_space<vmem>> -> memref<1x1x128xi32, #tpu.memory_space<vmem>>
    %dma_start3A_141 = tpu.memref_squeeze %dma_start3A_140 : memref<1x1x128xi32, #tpu.memory_space<vmem>> -> memref<128xi32, #tpu.memory_space<vmem>>
    %dma_start3A_142 = tpu.memref_slice %arg3[%dma_start3A_131, %mul3A_130] : memref<2x320000xi32, #tpu.memory_space<hbm>> -> memref<1x128xi32, #tpu.memory_space<hbm>>
    %dma_start3A_143 = tpu.memref_squeeze %dma_start3A_142 : memref<1x128xi32, #tpu.memory_space<hbm>> -> memref<128xi32, #tpu.memory_space<hbm>>
    tpu.enqueue_dma source(%dma_start3A_143 : memref<128xi32, #tpu.memory_space<hbm>>) target(%dma_start3A_141 : memref<128xi32, #tpu.memory_space<vmem>>) target_semaphore(%arg11 : memref<!tpu.dma_semaphore, #tpu.memory_space<semaphore_mem>>)
    %mul3A_144 = arith.constant 128 : i32
    %mul3A_145 = arith.muli %add3A_128, %mul3A_144 : i32
    %dma_start3A_146 = arith.constant 1 : i32
    %dma_start3A_147 = arith.constant 3 : i32
    %dma_start3A_148 = arith.constant 1 : i32
    %dma_start3A_149 = arith.constant 0 : i32
    %dma_start3A_150 = tpu.memref_slice %arg5[%dma_start3A_147, %dma_start3A_148, %dma_start3A_149] : memref<4x2x128xi32, #tpu.memory_space<vmem>> -> memref<1x1x128xi32, #tpu.memory_space<vmem>>
    %dma_start3A_151 = tpu.memref_squeeze %dma_start3A_150 : memref<1x1x128xi32, #tpu.memory_space<vmem>> -> memref<128xi32, #tpu.memory_space<vmem>>
    %dma_start3A_152 = tpu.memref_slice %arg3[%dma_start3A_146, %mul3A_145] : memref<2x320000xi32, #tpu.memory_space<hbm>> -> memref<1x128xi32, #tpu.memory_space<hbm>>
    %dma_start3A_153 = tpu.memref_squeeze %dma_start3A_152 : memref<1x128xi32, #tpu.memory_space<hbm>> -> memref<128xi32, #tpu.memory_space<hbm>>
    %dma_start3A_154 = arith.constant 0 : i32
    %dma_start3A_155 = tpu.memref_slice %arg5[%dma_start3A_147, %dma_start3A_148, %dma_start3A_154] : memref<4x2x128xi32, #tpu.memory_space<vmem>> -> memref<1x1x128xi32, #tpu.memory_space<vmem>>
    %dma_start3A_156 = tpu.memref_squeeze %dma_start3A_155 : memref<1x1x128xi32, #tpu.memory_space<vmem>> -> memref<128xi32, #tpu.memory_space<vmem>>
    %dma_start3A_157 = tpu.memref_slice %arg3[%dma_start3A_146, %mul3A_145] : memref<2x320000xi32, #tpu.memory_space<hbm>> -> memref<1x128xi32, #tpu.memory_space<hbm>>
    %dma_start3A_158 = tpu.memref_squeeze %dma_start3A_157 : memref<1x128xi32, #tpu.memory_space<hbm>> -> memref<128xi32, #tpu.memory_space<hbm>>
    tpu.enqueue_dma source(%dma_start3A_158 : memref<128xi32, #tpu.memory_space<hbm>>) target(%dma_start3A_156 : memref<128xi32, #tpu.memory_space<vmem>>) target_semaphore(%arg11 : memref<!tpu.dma_semaphore, #tpu.memory_space<semaphore_mem>>)
    %mul3A_159 = arith.constant 128 : i32
    %mul3A_160 = arith.muli %mul3A_31, %mul3A_159 : i32
    %dma_wait3A = arith.constant 0 : i32
    %dma_wait3A_161 = arith.constant 0 : i32
    %dma_wait3A_162 = arith.constant 0 : i32
    %dma_wait3A_163 = arith.constant 0 : i32
    %dma_wait3A_164 = tpu.memref_slice %arg5[%dma_wait3A_161, %dma_wait3A_162, %dma_wait3A_163] : memref<4x2x128xi32, #tpu.memory_space<vmem>> -> memref<1x1x128xi32, #tpu.memory_space<vmem>>
    %dma_wait3A_165 = tpu.memref_squeeze %dma_wait3A_164 : memref<1x1x128xi32, #tpu.memory_space<vmem>> -> memref<128xi32, #tpu.memory_space<vmem>>
    %dma_wait3A_166 = tpu.memref_slice %arg3[%dma_wait3A, %mul3A_160] : memref<2x320000xi32, #tpu.memory_space<hbm>> -> memref<1x128xi32, #tpu.memory_space<hbm>>
    %dma_wait3A_167 = tpu.memref_squeeze %dma_wait3A_166 : memref<1x128xi32, #tpu.memory_space<hbm>> -> memref<128xi32, #tpu.memory_space<hbm>>
    %dma_wait3A_168 = arith.constant 0 : i32
    %dma_wait3A_169 = tpu.memref_slice %arg5[%dma_wait3A_161, %dma_wait3A_162, %dma_wait3A_168] : memref<4x2x128xi32, #tpu.memory_space<vmem>> -> memref<1x1x128xi32, #tpu.memory_space<vmem>>
    %dma_wait3A_170 = tpu.memref_squeeze %dma_wait3A_169 : memref<1x1x128xi32, #tpu.memory_space<vmem>> -> memref<128xi32, #tpu.memory_space<vmem>>
    %dma_wait3A_171 = tpu.memref_slice %arg3[%dma_wait3A, %mul3A_160] : memref<2x320000xi32, #tpu.memory_space<hbm>> -> memref<1x128xi32, #tpu.memory_space<hbm>>
    %dma_wait3A_172 = tpu.memref_squeeze %dma_wait3A_171 : memref<1x128xi32, #tpu.memory_space<hbm>> -> memref<128xi32, #tpu.memory_space<hbm>>
    tpu.wait_dma2 semaphore(%arg8 : memref<!tpu.dma_semaphore, #tpu.memory_space<semaphore_mem>>) src(%dma_wait3A_172 : memref<128xi32, #tpu.memory_space<hbm>>) dst(%dma_wait3A_170 : memref<128xi32, #tpu.memory_space<vmem>>)
    %mul3A_173 = arith.constant 128 : i32
    %mul3A_174 = arith.muli %mul3A_31, %mul3A_173 : i32
    %dma_wait3A_175 = arith.constant 1 : i32
    %dma_wait3A_176 = arith.constant 0 : i32
    %dma_wait3A_177 = arith.constant 1 : i32
    %dma_wait3A_178 = arith.constant 0 : i32
    %dma_wait3A_179 = tpu.memref_slice %arg5[%dma_wait3A_176, %dma_wait3A_177, %dma_wait3A_178] : memref<4x2x128xi32, #tpu.memory_space<vmem>> -> memref<1x1x128xi32, #tpu.memory_space<vmem>>
    %dma_wait3A_180 = tpu.memref_squeeze %dma_wait3A_179 : memref<1x1x128xi32, #tpu.memory_space<vmem>> -> memref<128xi32, #tpu.memory_space<vmem>>
    %dma_wait3A_181 = tpu.memref_slice %arg3[%dma_wait3A_175, %mul3A_174] : memref<2x320000xi32, #tpu.memory_space<hbm>> -> memref<1x128xi32, #tpu.memory_space<hbm>>
    %dma_wait3A_182 = tpu.memref_squeeze %dma_wait3A_181 : memref<1x128xi32, #tpu.memory_space<hbm>> -> memref<128xi32, #tpu.memory_space<hbm>>
    %dma_wait3A_183 = arith.constant 0 : i32
    %dma_wait3A_184 = tpu.memref_slice %arg5[%dma_wait3A_176, %dma_wait3A_177, %dma_wait3A_183] : memref<4x2x128xi32, #tpu.memory_space<vmem>> -> memref<1x1x128xi32, #tpu.memory_space<vmem>>
    %dma_wait3A_185 = tpu.memref_squeeze %dma_wait3A_184 : memref<1x1x128xi32, #tpu.memory_space<vmem>> -> memref<128xi32, #tpu.memory_space<vmem>>
    %dma_wait3A_186 = tpu.memref_slice %arg3[%dma_wait3A_175, %mul3A_174] : memref<2x320000xi32, #tpu.memory_space<hbm>> -> memref<1x128xi32, #tpu.memory_space<hbm>>
    %dma_wait3A_187 = tpu.memref_squeeze %dma_wait3A_186 : memref<1x128xi32, #tpu.memory_space<hbm>> -> memref<128xi32, #tpu.memory_space<hbm>>
    tpu.wait_dma2 semaphore(%arg8 : memref<!tpu.dma_semaphore, #tpu.memory_space<semaphore_mem>>) src(%dma_wait3A_187 : memref<128xi32, #tpu.memory_space<hbm>>) dst(%dma_wait3A_185 : memref<128xi32, #tpu.memory_space<vmem>>)
    %dma_start3A_188 = arith.constant 0 : i32
    %dma_start3A_189 = arith.constant 0 : i32
    %dma_start3A_190 = arith.constant 0 : i32
    %dma_start3A_191 = arith.constant 0 : i32
    %dma_start3A_192 = arith.constant 0 : i32
    %dma_start3A_193 = tpu.memref_slice %arg6[%dma_start3A_190, %dma_start3A_191, %dma_start3A_192] : memref<2x128x128xf32, #tpu.memory_space<vmem>> -> memref<1x128x128xf32, #tpu.memory_space<vmem>>
    %dma_start3A_194 = tpu.memref_squeeze %dma_start3A_193 : memref<1x128x128xf32, #tpu.memory_space<vmem>> -> memref<128x128xf32, #tpu.memory_space<vmem>>
    %dma_start3A_195 = arith.constant 0 : i32
    %dma_start3A_196 = tpu.memref_slice %arg5[%dma_start3A_188, %dma_start3A_189, %dma_start3A_195] : memref<4x2x128xi32, #tpu.memory_space<vmem>> -> memref<1x1x128xi32, #tpu.memory_space<vmem>>
    %dma_start3A_197 = tpu.memref_squeeze %dma_start3A_196 : memref<1x1x128xi32, #tpu.memory_space<vmem>> -> memref<128xi32, #tpu.memory_space<vmem>>
    %dma_start3A_198 = arith.constant 0 : i32
    %dma_start3A_199 = arith.constant 0 : i32
    %dma_start3A_200 = tpu.memref_slice %arg2[%dma_start3A_198, %dma_start3A_199] : memref<10240x128xf32, #tpu.memory_space<hbm>> -> memref<10240x128xf32, #tpu.memory_space<hbm>>
    tpu.enqueue_indirect_dma source(%dma_start3A_200 : memref<10240x128xf32, #tpu.memory_space<hbm>>) target(%dma_start3A_194 : memref<128x128xf32, #tpu.memory_space<vmem>>) offsets(%dma_start3A_197 : memref<128xi32, #tpu.memory_space<vmem>>) semaphore(%arg12 : memref<!tpu.dma_semaphore, #tpu.memory_space<semaphore_mem>>)
    %scan3A_201 = arith.constant 0 : i32
    %scan3A_202 = arith.constant 19 : i32
    %scan3A_203 = arith.addi %scan3A_201, %scan3A_202 : i32
    %scan3A_204 = arith.constant 1 : i32
    scf.for %scan3A_292 = %scan3A_201 to %scan3A_203 step %scan3A_204  : i32 {
      %mul3A_293 = arith.constant 4 : i32
      %mul3A_294 = arith.muli %scan3A_292, %mul3A_293 : i32
      %add3A_295 = arith.constant 0 : i32
      %add3A_296 = arith.addi %add3A_295, %mul3A_294 : i32
      %add3A_297 = arith.addi %mul3A_31, %add3A_296 : i32
      %add3A_298 = arith.constant 1 : i32
      %add3A_299 = arith.addi %add3A_297, %add3A_298 : i32
      %mul3A_300 = arith.constant 128 : i32
      %mul3A_301 = arith.muli %add3A_299, %mul3A_300 : i32
      %dma_wait3A_302 = arith.constant 0 : i32
      %dma_wait3A_303 = arith.constant 1 : i32
      %dma_wait3A_304 = arith.constant 0 : i32
      %dma_wait3A_305 = arith.constant 0 : i32
      %dma_wait3A_306 = tpu.memref_slice %arg5[%dma_wait3A_303, %dma_wait3A_304, %dma_wait3A_305] : memref<4x2x128xi32, #tpu.memory_space<vmem>> -> memref<1x1x128xi32, #tpu.memory_space<vmem>>
      %dma_wait3A_307 = tpu.memref_squeeze %dma_wait3A_306 : memref<1x1x128xi32, #tpu.memory_space<vmem>> -> memref<128xi32, #tpu.memory_space<vmem>>
      %dma_wait3A_308 = tpu.memref_slice %arg3[%dma_wait3A_302, %mul3A_301] : memref<2x320000xi32, #tpu.memory_space<hbm>> -> memref<1x128xi32, #tpu.memory_space<hbm>>
      %dma_wait3A_309 = tpu.memref_squeeze %dma_wait3A_308 : memref<1x128xi32, #tpu.memory_space<hbm>> -> memref<128xi32, #tpu.memory_space<hbm>>
      %dma_wait3A_310 = arith.constant 0 : i32
      %dma_wait3A_311 = tpu.memref_slice %arg5[%dma_wait3A_303, %dma_wait3A_304, %dma_wait3A_310] : memref<4x2x128xi32, #tpu.memory_space<vmem>> -> memref<1x1x128xi32, #tpu.memory_space<vmem>>
      %dma_wait3A_312 = tpu.memref_squeeze %dma_wait3A_311 : memref<1x1x128xi32, #tpu.memory_space<vmem>> -> memref<128xi32, #tpu.memory_space<vmem>>
      %dma_wait3A_313 = tpu.memref_slice %arg3[%dma_wait3A_302, %mul3A_301] : memref<2x320000xi32, #tpu.memory_space<hbm>> -> memref<1x128xi32, #tpu.memory_space<hbm>>
      %dma_wait3A_314 = tpu.memref_squeeze %dma_wait3A_313 : memref<1x128xi32, #tpu.memory_space<hbm>> -> memref<128xi32, #tpu.memory_space<hbm>>
      tpu.wait_dma2 semaphore(%arg9 : memref<!tpu.dma_semaphore, #tpu.memory_space<semaphore_mem>>) src(%dma_wait3A_314 : memref<128xi32, #tpu.memory_space<hbm>>) dst(%dma_wait3A_312 : memref<128xi32, #tpu.memory_space<vmem>>)
      %mul3A_315 = arith.constant 128 : i32
      %mul3A_316 = arith.muli %add3A_299, %mul3A_315 : i32
      %dma_wait3A_317 = arith.constant 1 : i32
      %dma_wait3A_318 = arith.constant 1 : i32
      %dma_wait3A_319 = arith.constant 1 : i32
      %dma_wait3A_320 = arith.constant 0 : i32
      %dma_wait3A_321 = tpu.memref_slice %arg5[%dma_wait3A_318, %dma_wait3A_319, %dma_wait3A_320] : memref<4x2x128xi32, #tpu.memory_space<vmem>> -> memref<1x1x128xi32, #tpu.memory_space<vmem>>
      %dma_wait3A_322 = tpu.memref_squeeze %dma_wait3A_321 : memref<1x1x128xi32, #tpu.memory_space<vmem>> -> memref<128xi32, #tpu.memory_space<vmem>>
      %dma_wait3A_323 = tpu.memref_slice %arg3[%dma_wait3A_317, %mul3A_316] : memref<2x320000xi32, #tpu.memory_space<hbm>> -> memref<1x128xi32, #tpu.memory_space<hbm>>
      %dma_wait3A_324 = tpu.memref_squeeze %dma_wait3A_323 : memref<1x128xi32, #tpu.memory_space<hbm>> -> memref<128xi32, #tpu.memory_space<hbm>>
      %dma_wait3A_325 = arith.constant 0 : i32
      %dma_wait3A_326 = tpu.memref_slice %arg5[%dma_wait3A_318, %dma_wait3A_319, %dma_wait3A_325] : memref<4x2x128xi32, #tpu.memory_space<vmem>> -> memref<1x1x128xi32, #tpu.memory_space<vmem>>
      %dma_wait3A_327 = tpu.memref_squeeze %dma_wait3A_326 : memref<1x1x128xi32, #tpu.memory_space<vmem>> -> memref<128xi32, #tpu.memory_space<vmem>>
      %dma_wait3A_328 = tpu.memref_slice %arg3[%dma_wait3A_317, %mul3A_316] : memref<2x320000xi32, #tpu.memory_space<hbm>> -> memref<1x128xi32, #tpu.memory_space<hbm>>
      %dma_wait3A_329 = tpu.memref_squeeze %dma_wait3A_328 : memref<1x128xi32, #tpu.memory_space<hbm>> -> memref<128xi32, #tpu.memory_space<hbm>>
      tpu.wait_dma2 semaphore(%arg9 : memref<!tpu.dma_semaphore, #tpu.memory_space<semaphore_mem>>) src(%dma_wait3A_329 : memref<128xi32, #tpu.memory_space<hbm>>) dst(%dma_wait3A_327 : memref<128xi32, #tpu.memory_space<vmem>>)
      %dma_start3A_330 = arith.constant 1 : i32
      %dma_start3A_331 = arith.constant 0 : i32
      %dma_start3A_332 = arith.constant 1 : i32
      %dma_start3A_333 = arith.constant 0 : i32
      %dma_start3A_334 = arith.constant 0 : i32
      %dma_start3A_335 = tpu.memref_slice %arg6[%dma_start3A_332, %dma_start3A_333, %dma_start3A_334] : memref<2x128x128xf32, #tpu.memory_space<vmem>> -> memref<1x128x128xf32, #tpu.memory_space<vmem>>
      %dma_start3A_336 = tpu.memref_squeeze %dma_start3A_335 : memref<1x128x128xf32, #tpu.memory_space<vmem>> -> memref<128x128xf32, #tpu.memory_space<vmem>>
      %dma_start3A_337 = arith.constant 0 : i32
      %dma_start3A_338 = tpu.memref_slice %arg5[%dma_start3A_330, %dma_start3A_331, %dma_start3A_337] : memref<4x2x128xi32, #tpu.memory_space<vmem>> -> memref<1x1x128xi32, #tpu.memory_space<vmem>>
      %dma_start3A_339 = tpu.memref_squeeze %dma_start3A_338 : memref<1x1x128xi32, #tpu.memory_space<vmem>> -> memref<128xi32, #tpu.memory_space<vmem>>
      %dma_start3A_340 = arith.constant 0 : i32
      %dma_start3A_341 = arith.constant 0 : i32
      %dma_start3A_342 = tpu.memref_slice %arg2[%dma_start3A_340, %dma_start3A_341] : memref<10240x128xf32, #tpu.memory_space<hbm>> -> memref<10240x128xf32, #tpu.memory_space<hbm>>
      tpu.enqueue_indirect_dma source(%dma_start3A_342 : memref<10240x128xf32, #tpu.memory_space<hbm>>) target(%dma_start3A_336 : memref<128x128xf32, #tpu.memory_space<vmem>>) offsets(%dma_start3A_339 : memref<128xi32, #tpu.memory_space<vmem>>) semaphore(%arg13 : memref<!tpu.dma_semaphore, #tpu.memory_space<semaphore_mem>>)
      %dma_wait3A_343 = arith.constant 0 : i32
      %dma_wait3A_344 = arith.constant 0 : i32
      %dma_wait3A_345 = arith.constant 0 : i32
      %dma_wait3A_346 = arith.constant 0 : i32
      %dma_wait3A_347 = arith.constant 0 : i32
      %dma_wait3A_348 = tpu.memref_slice %arg6[%dma_wait3A_345, %dma_wait3A_346, %dma_wait3A_347] : memref<2x128x128xf32, #tpu.memory_space<vmem>> -> memref<1x128x128xf32, #tpu.memory_space<vmem>>
      %dma_wait3A_349 = tpu.memref_squeeze %dma_wait3A_348 : memref<1x128x128xf32, #tpu.memory_space<vmem>> -> memref<128x128xf32, #tpu.memory_space<vmem>>
      %dma_wait3A_350 = arith.constant 0 : i32
      %dma_wait3A_351 = tpu.memref_slice %arg5[%dma_wait3A_343, %dma_wait3A_344, %dma_wait3A_350] : memref<4x2x128xi32, #tpu.memory_space<vmem>> -> memref<1x1x128xi32, #tpu.memory_space<vmem>>
      %dma_wait3A_352 = tpu.memref_squeeze %dma_wait3A_351 : memref<1x1x128xi32, #tpu.memory_space<vmem>> -> memref<128xi32, #tpu.memory_space<vmem>>
      %dma_wait3A_353 = arith.constant 0 : i32
      %dma_wait3A_354 = arith.constant 0 : i32
      %dma_wait3A_355 = tpu.memref_slice %arg2[%dma_wait3A_353, %dma_wait3A_354] : memref<10240x128xf32, #tpu.memory_space<hbm>> -> memref<10240x128xf32, #tpu.memory_space<hbm>>
      tpu.wait_indirect_dma semaphore(%arg12 : memref<!tpu.dma_semaphore, #tpu.memory_space<semaphore_mem>>) src(%dma_wait3A_355 : memref<10240x128xf32, #tpu.memory_space<hbm>>) dst(%dma_wait3A_349 : memref<128x128xf32, #tpu.memory_space<vmem>>)
      %run_scoped3A_356 = arith.constant 0 : i32
      %run_scoped3A_357 = arith.constant 0 : i32
      %run_scoped3A_358 = arith.constant 1 : i32
      "tpu.region"() ({
        %run_scoped3A_625 = tpu.sem_alloc : memref<!tpu.dma_semaphore, #tpu.memory_space<semaphore_mem>>
        %dma_start3A_626 = arith.constant 0 : i32
        %dma_start3A_627 = arith.constant 0 : i32
        %dma_start3A_628 = tpu.memref_slice %arg6[%run_scoped3A_356, %dma_start3A_626, %dma_start3A_627] : memref<2x128x128xf32, #tpu.memory_space<vmem>> -> memref<1x128x128xf32, #tpu.memory_space<vmem>>
        %dma_start3A_629 = tpu.memref_squeeze %dma_start3A_628 : memref<1x128x128xf32, #tpu.memory_space<vmem>> -> memref<128x128xf32, #tpu.memory_space<vmem>>
        %dma_start3A_630 = arith.constant 0 : i32
        %dma_start3A_631 = tpu.memref_slice %arg5[%run_scoped3A_357, %run_scoped3A_358, %dma_start3A_630] : memref<4x2x128xi32, #tpu.memory_space<vmem>> -> memref<1x1x128xi32, #tpu.memory_space<vmem>>
        %dma_start3A_632 = tpu.memref_squeeze %dma_start3A_631 : memref<1x1x128xi32, #tpu.memory_space<vmem>> -> memref<128xi32, #tpu.memory_space<vmem>>
        %dma_start3A_633 = arith.constant 0 : i32
        %dma_start3A_634 = arith.constant 0 : i32
        %dma_start3A_635 = tpu.memref_slice %arg7[%dma_start3A_633, %dma_start3A_634] : memref<10240x128xf32, #tpu.memory_space<vmem_shared>> -> memref<10240x128xf32, #tpu.memory_space<vmem_shared>>
        tpu.enqueue_indirect_dma source(%dma_start3A_629 : memref<128x128xf32, #tpu.memory_space<vmem>>) target(%dma_start3A_635 : memref<10240x128xf32, #tpu.memory_space<vmem_shared>>) offsets(%dma_start3A_632 : memref<128xi32, #tpu.memory_space<vmem>>) semaphore(%run_scoped3A_625 : memref<!tpu.dma_semaphore, #tpu.memory_space<semaphore_mem>>) {add = true}
        %dma_wait3A_636 = arith.constant 0 : i32
        %dma_wait3A_637 = arith.constant 0 : i32
        %dma_wait3A_638 = tpu.memref_slice %arg6[%run_scoped3A_356, %dma_wait3A_636, %dma_wait3A_637] : memref<2x128x128xf32, #tpu.memory_space<vmem>> -> memref<1x128x128xf32, #tpu.memory_space<vmem>>
        %dma_wait3A_639 = tpu.memref_squeeze %dma_wait3A_638 : memref<1x128x128xf32, #tpu.memory_space<vmem>> -> memref<128x128xf32, #tpu.memory_space<vmem>>
        %dma_wait3A_640 = arith.constant 0 : i32
        %dma_wait3A_641 = tpu.memref_slice %arg5[%run_scoped3A_357, %run_scoped3A_358, %dma_wait3A_640] : memref<4x2x128xi32, #tpu.memory_space<vmem>> -> memref<1x1x128xi32, #tpu.memory_space<vmem>>
        %dma_wait3A_642 = tpu.memref_squeeze %dma_wait3A_641 : memref<1x1x128xi32, #tpu.memory_space<vmem>> -> memref<128xi32, #tpu.memory_space<vmem>>
        %dma_wait3A_643 = arith.constant 0 : i32
        %dma_wait3A_644 = arith.constant 0 : i32
        %dma_wait3A_645 = tpu.memref_slice %arg7[%dma_wait3A_643, %dma_wait3A_644] : memref<10240x128xf32, #tpu.memory_space<vmem_shared>> -> memref<10240x128xf32, #tpu.memory_space<vmem_shared>>
        tpu.wait_indirect_dma semaphore(%run_scoped3A_625 : memref<!tpu.dma_semaphore, #tpu.memory_space<semaphore_mem>>) src(%dma_wait3A_639 : memref<128x128xf32, #tpu.memory_space<vmem>>) dst(%dma_wait3A_645 : memref<10240x128xf32, #tpu.memory_space<vmem_shared>>)
        tpu.yield
      }) : () -> ()
      %add3A_359 = arith.addi %mul3A_31, %add3A_296 : i32
      %add3A_360 = arith.constant 4 : i32
      %add3A_361 = arith.addi %add3A_359, %add3A_360 : i32
      %mul3A_362 = arith.constant 128 : i32
      %mul3A_363 = arith.muli %add3A_361, %mul3A_362 : i32
      %dma_start3A_364 = arith.constant 0 : i32
      %dma_start3A_365 = arith.constant 0 : i32
      %dma_start3A_366 = arith.constant 0 : i32
      %dma_start3A_367 = arith.constant 0 : i32
      %dma_start3A_368 = tpu.memref_slice %arg5[%dma_start3A_365, %dma_start3A_366, %dma_start3A_367] : memref<4x2x128xi32, #tpu.memory_space<vmem>> -> memref<1x1x128xi32, #tpu.memory_space<vmem>>
      %dma_start3A_369 = tpu.memref_squeeze %dma_start3A_368 : memref<1x1x128xi32, #tpu.memory_space<vmem>> -> memref<128xi32, #tpu.memory_space<vmem>>
      %dma_start3A_370 = tpu.memref_slice %arg3[%dma_start3A_364, %mul3A_363] : memref<2x320000xi32, #tpu.memory_space<hbm>> -> memref<1x128xi32, #tpu.memory_space<hbm>>
      %dma_start3A_371 = tpu.memref_squeeze %dma_start3A_370 : memref<1x128xi32, #tpu.memory_space<hbm>> -> memref<128xi32, #tpu.memory_space<hbm>>
      %dma_start3A_372 = arith.constant 0 : i32
      %dma_start3A_373 = tpu.memref_slice %arg5[%dma_start3A_365, %dma_start3A_366, %dma_start3A_372] : memref<4x2x128xi32, #tpu.memory_space<vmem>> -> memref<1x1x128xi32, #tpu.memory_space<vmem>>
      %dma_start3A_374 = tpu.memref_squeeze %dma_start3A_373 : memref<1x1x128xi32, #tpu.memory_space<vmem>> -> memref<128xi32, #tpu.memory_space<vmem>>
      %dma_start3A_375 = tpu.memref_slice %arg3[%dma_start3A_364, %mul3A_363] : memref<2x320000xi32, #tpu.memory_space<hbm>> -> memref<1x128xi32, #tpu.memory_space<hbm>>
      %dma_start3A_376 = tpu.memref_squeeze %dma_start3A_375 : memref<1x128xi32, #tpu.memory_space<hbm>> -> memref<128xi32, #tpu.memory_space<hbm>>
      tpu.enqueue_dma source(%dma_start3A_376 : memref<128xi32, #tpu.memory_space<hbm>>) target(%dma_start3A_374 : memref<128xi32, #tpu.memory_space<vmem>>) target_semaphore(%arg8 : memref<!tpu.dma_semaphore, #tpu.memory_space<semaphore_mem>>)
      %mul3A_377 = arith.constant 128 : i32
      %mul3A_378 = arith.muli %add3A_361, %mul3A_377 : i32
      %dma_start3A_379 = arith.constant 1 : i32
      %dma_start3A_380 = arith.constant 0 : i32
      %dma_start3A_381 = arith.constant 1 : i32
      %dma_start3A_382 = arith.constant 0 : i32
      %dma_start3A_383 = tpu.memref_slice %arg5[%dma_start3A_380, %dma_start3A_381, %dma_start3A_382] : memref<4x2x128xi32, #tpu.memory_space<vmem>> -> memref<1x1x128xi32, #tpu.memory_space<vmem>>
      %dma_start3A_384 = tpu.memref_squeeze %dma_start3A_383 : memref<1x1x128xi32, #tpu.memory_space<vmem>> -> memref<128xi32, #tpu.memory_space<vmem>>
      %dma_start3A_385 = tpu.memref_slice %arg3[%dma_start3A_379, %mul3A_378] : memref<2x320000xi32, #tpu.memory_space<hbm>> -> memref<1x128xi32, #tpu.memory_space<hbm>>
      %dma_start3A_386 = tpu.memref_squeeze %dma_start3A_385 : memref<1x128xi32, #tpu.memory_space<hbm>> -> memref<128xi32, #tpu.memory_space<hbm>>
      %dma_start3A_387 = arith.constant 0 : i32
      %dma_start3A_388 = tpu.memref_slice %arg5[%dma_start3A_380, %dma_start3A_381, %dma_start3A_387] : memref<4x2x128xi32, #tpu.memory_space<vmem>> -> memref<1x1x128xi32, #tpu.memory_space<vmem>>
      %dma_start3A_389 = tpu.memref_squeeze %dma_start3A_388 : memref<1x1x128xi32, #tpu.memory_space<vmem>> -> memref<128xi32, #tpu.memory_space<vmem>>
      %dma_start3A_390 = tpu.memref_slice %arg3[%dma_start3A_379, %mul3A_378] : memref<2x320000xi32, #tpu.memory_space<hbm>> -> memref<1x128xi32, #tpu.memory_space<hbm>>
      %dma_start3A_391 = tpu.memref_squeeze %dma_start3A_390 : memref<1x128xi32, #tpu.memory_space<hbm>> -> memref<128xi32, #tpu.memory_space<hbm>>
      tpu.enqueue_dma source(%dma_start3A_391 : memref<128xi32, #tpu.memory_space<hbm>>) target(%dma_start3A_389 : memref<128xi32, #tpu.memory_space<vmem>>) target_semaphore(%arg8 : memref<!tpu.dma_semaphore, #tpu.memory_space<semaphore_mem>>)
      %add3A_392 = arith.addi %mul3A_31, %add3A_296 : i32
      %add3A_393 = arith.constant 2 : i32
      %add3A_394 = arith.addi %add3A_392, %add3A_393 : i32
      %mul3A_395 = arith.constant 128 : i32
      %mul3A_396 = arith.muli %add3A_394, %mul3A_395 : i32
      %dma_wait3A_397 = arith.constant 0 : i32
      %dma_wait3A_398 = arith.constant 2 : i32
      %dma_wait3A_399 = arith.constant 0 : i32
      %dma_wait3A_400 = arith.constant 0 : i32
      %dma_wait3A_401 = tpu.memref_slice %arg5[%dma_wait3A_398, %dma_wait3A_399, %dma_wait3A_400] : memref<4x2x128xi32, #tpu.memory_space<vmem>> -> memref<1x1x128xi32, #tpu.memory_space<vmem>>
      %dma_wait3A_402 = tpu.memref_squeeze %dma_wait3A_401 : memref<1x1x128xi32, #tpu.memory_space<vmem>> -> memref<128xi32, #tpu.memory_space<vmem>>
      %dma_wait3A_403 = tpu.memref_slice %arg3[%dma_wait3A_397, %mul3A_396] : memref<2x320000xi32, #tpu.memory_space<hbm>> -> memref<1x128xi32, #tpu.memory_space<hbm>>
      %dma_wait3A_404 = tpu.memref_squeeze %dma_wait3A_403 : memref<1x128xi32, #tpu.memory_space<hbm>> -> memref<128xi32, #tpu.memory_space<hbm>>
      %dma_wait3A_405 = arith.constant 0 : i32
      %dma_wait3A_406 = tpu.memref_slice %arg5[%dma_wait3A_398, %dma_wait3A_399, %dma_wait3A_405] : memref<4x2x128xi32, #tpu.memory_space<vmem>> -> memref<1x1x128xi32, #tpu.memory_space<vmem>>
      %dma_wait3A_407 = tpu.memref_squeeze %dma_wait3A_406 : memref<1x1x128xi32, #tpu.memory_space<vmem>> -> memref<128xi32, #tpu.memory_space<vmem>>
      %dma_wait3A_408 = tpu.memref_slice %arg3[%dma_wait3A_397, %mul3A_396] : memref<2x320000xi32, #tpu.memory_space<hbm>> -> memref<1x128xi32, #tpu.memory_space<hbm>>
      %dma_wait3A_409 = tpu.memref_squeeze %dma_wait3A_408 : memref<1x128xi32, #tpu.memory_space<hbm>> -> memref<128xi32, #tpu.memory_space<hbm>>
      tpu.wait_dma2 semaphore(%arg10 : memref<!tpu.dma_semaphore, #tpu.memory_space<semaphore_mem>>) src(%dma_wait3A_409 : memref<128xi32, #tpu.memory_space<hbm>>) dst(%dma_wait3A_407 : memref<128xi32, #tpu.memory_space<vmem>>)
      %mul3A_410 = arith.constant 128 : i32
      %mul3A_411 = arith.muli %add3A_394, %mul3A_410 : i32
      %dma_wait3A_412 = arith.constant 1 : i32
      %dma_wait3A_413 = arith.constant 2 : i32
      %dma_wait3A_414 = arith.constant 1 : i32
      %dma_wait3A_415 = arith.constant 0 : i32
      %dma_wait3A_416 = tpu.memref_slice %arg5[%dma_wait3A_413, %dma_wait3A_414, %dma_wait3A_415] : memref<4x2x128xi32, #tpu.memory_space<vmem>> -> memref<1x1x128xi32, #tpu.memory_space<vmem>>
      %dma_wait3A_417 = tpu.memref_squeeze %dma_wait3A_416 : memref<1x1x128xi32, #tpu.memory_space<vmem>> -> memref<128xi32, #tpu.memory_space<vmem>>
      %dma_wait3A_418 = tpu.memref_slice %arg3[%dma_wait3A_412, %mul3A_411] : memref<2x320000xi32, #tpu.memory_space<hbm>> -> memref<1x128xi32, #tpu.memory_space<hbm>>
      %dma_wait3A_419 = tpu.memref_squeeze %dma_wait3A_418 : memref<1x128xi32, #tpu.memory_space<hbm>> -> memref<128xi32, #tpu.memory_space<hbm>>
      %dma_wait3A_420 = arith.constant 0 : i32
      %dma_wait3A_421 = tpu.memref_slice %arg5[%dma_wait3A_413, %dma_wait3A_414, %dma_wait3A_420] : memref<4x2x128xi32, #tpu.memory_space<vmem>> -> memref<1x1x128xi32, #tpu.memory_space<vmem>>
      %dma_wait3A_422 = tpu.memref_squeeze %dma_wait3A_421 : memref<1x1x128xi32, #tpu.memory_space<vmem>> -> memref<128xi32, #tpu.memory_space<vmem>>
      %dma_wait3A_423 = tpu.memref_slice %arg3[%dma_wait3A_412, %mul3A_411] : memref<2x320000xi32, #tpu.memory_space<hbm>> -> memref<1x128xi32, #tpu.memory_space<hbm>>
      %dma_wait3A_424 = tpu.memref_squeeze %dma_wait3A_423 : memref<1x128xi32, #tpu.memory_space<hbm>> -> memref<128xi32, #tpu.memory_space<hbm>>
      tpu.wait_dma2 semaphore(%arg10 : memref<!tpu.dma_semaphore, #tpu.memory_space<semaphore_mem>>) src(%dma_wait3A_424 : memref<128xi32, #tpu.memory_space<hbm>>) dst(%dma_wait3A_422 : memref<128xi32, #tpu.memory_space<vmem>>)
      %dma_start3A_425 = arith.constant 2 : i32
      %dma_start3A_426 = arith.constant 0 : i32
      %dma_start3A_427 = arith.constant 0 : i32
      %dma_start3A_428 = arith.constant 0 : i32
      %dma_start3A_429 = arith.constant 0 : i32
      %dma_start3A_430 = tpu.memref_slice %arg6[%dma_start3A_427, %dma_start3A_428, %dma_start3A_429] : memref<2x128x128xf32, #tpu.memory_space<vmem>> -> memref<1x128x128xf32, #tpu.memory_space<vmem>>
      %dma_start3A_431 = tpu.memref_squeeze %dma_start3A_430 : memref<1x128x128xf32, #tpu.memory_space<vmem>> -> memref<128x128xf32, #tpu.memory_space<vmem>>
      %dma_start3A_432 = arith.constant 0 : i32
      %dma_start3A_433 = tpu.memref_slice %arg5[%dma_start3A_425, %dma_start3A_426, %dma_start3A_432] : memref<4x2x128xi32, #tpu.memory_space<vmem>> -> memref<1x1x128xi32, #tpu.memory_space<vmem>>
      %dma_start3A_434 = tpu.memref_squeeze %dma_start3A_433 : memref<1x1x128xi32, #tpu.memory_space<vmem>> -> memref<128xi32, #tpu.memory_space<vmem>>
      %dma_start3A_435 = arith.constant 0 : i32
      %dma_start3A_436 = arith.constant 0 : i32
      %dma_start3A_437 = tpu.memref_slice %arg2[%dma_start3A_435, %dma_start3A_436] : memref<10240x128xf32, #tpu.memory_space<hbm>> -> memref<10240x128xf32, #tpu.memory_space<hbm>>
      tpu.enqueue_indirect_dma source(%dma_start3A_437 : memref<10240x128xf32, #tpu.memory_space<hbm>>) target(%dma_start3A_431 : memref<128x128xf32, #tpu.memory_space<vmem>>) offsets(%dma_start3A_434 : memref<128xi32, #tpu.memory_space<vmem>>) semaphore(%arg12 : memref<!tpu.dma_semaphore, #tpu.memory_space<semaphore_mem>>)
      %dma_wait3A_438 = arith.constant 1 : i32
      %dma_wait3A_439 = arith.constant 0 : i32
      %dma_wait3A_440 = arith.constant 1 : i32
      %dma_wait3A_441 = arith.constant 0 : i32
      %dma_wait3A_442 = arith.constant 0 : i32
      %dma_wait3A_443 = tpu.memref_slice %arg6[%dma_wait3A_440, %dma_wait3A_441, %dma_wait3A_442] : memref<2x128x128xf32, #tpu.memory_space<vmem>> -> memref<1x128x128xf32, #tpu.memory_space<vmem>>
      %dma_wait3A_444 = tpu.memref_squeeze %dma_wait3A_443 : memref<1x128x128xf32, #tpu.memory_space<vmem>> -> memref<128x128xf32, #tpu.memory_space<vmem>>
      %dma_wait3A_445 = arith.constant 0 : i32
      %dma_wait3A_446 = tpu.memref_slice %arg5[%dma_wait3A_438, %dma_wait3A_439, %dma_wait3A_445] : memref<4x2x128xi32, #tpu.memory_space<vmem>> -> memref<1x1x128xi32, #tpu.memory_space<vmem>>
      %dma_wait3A_447 = tpu.memref_squeeze %dma_wait3A_446 : memref<1x1x128xi32, #tpu.memory_space<vmem>> -> memref<128xi32, #tpu.memory_space<vmem>>
      %dma_wait3A_448 = arith.constant 0 : i32
      %dma_wait3A_449 = arith.constant 0 : i32
      %dma_wait3A_450 = tpu.memref_slice %arg2[%dma_wait3A_448, %dma_wait3A_449] : memref<10240x128xf32, #tpu.memory_space<hbm>> -> memref<10240x128xf32, #tpu.memory_space<hbm>>
      tpu.wait_indirect_dma semaphore(%arg13 : memref<!tpu.dma_semaphore, #tpu.memory_space<semaphore_mem>>) src(%dma_wait3A_450 : memref<10240x128xf32, #tpu.memory_space<hbm>>) dst(%dma_wait3A_444 : memref<128x128xf32, #tpu.memory_space<vmem>>)
      %run_scoped3A_451 = arith.constant 1 : i32
      %run_scoped3A_452 = arith.constant 1 : i32
      %run_scoped3A_453 = arith.constant 1 : i32
      "tpu.region"() ({
        %run_scoped3A_625 = tpu.sem_alloc : memref<!tpu.dma_semaphore, #tpu.memory_space<semaphore_mem>>
        %dma_start3A_626 = arith.constant 0 : i32
        %dma_start3A_627 = arith.constant 0 : i32
        %dma_start3A_628 = tpu.memref_slice %arg6[%run_scoped3A_451, %dma_start3A_626, %dma_start3A_627] : memref<2x128x128xf32, #tpu.memory_space<vmem>> -> memref<1x128x128xf32, #tpu.memory_space<vmem>>
        %dma_start3A_629 = tpu.memref_squeeze %dma_start3A_628 : memref<1x128x128xf32, #tpu.memory_space<vmem>> -> memref<128x128xf32, #tpu.memory_space<vmem>>
        %dma_start3A_630 = arith.constant 0 : i32
        %dma_start3A_631 = tpu.memref_slice %arg5[%run_scoped3A_452, %run_scoped3A_453, %dma_start3A_630] : memref<4x2x128xi32, #tpu.memory_space<vmem>> -> memref<1x1x128xi32, #tpu.memory_space<vmem>>
        %dma_start3A_632 = tpu.memref_squeeze %dma_start3A_631 : memref<1x1x128xi32, #tpu.memory_space<vmem>> -> memref<128xi32, #tpu.memory_space<vmem>>
        %dma_start3A_633 = arith.constant 0 : i32
        %dma_start3A_634 = arith.constant 0 : i32
        %dma_start3A_635 = tpu.memref_slice %arg7[%dma_start3A_633, %dma_start3A_634] : memref<10240x128xf32, #tpu.memory_space<vmem_shared>> -> memref<10240x128xf32, #tpu.memory_space<vmem_shared>>
        tpu.enqueue_indirect_dma source(%dma_start3A_629 : memref<128x128xf32, #tpu.memory_space<vmem>>) target(%dma_start3A_635 : memref<10240x128xf32, #tpu.memory_space<vmem_shared>>) offsets(%dma_start3A_632 : memref<128xi32, #tpu.memory_space<vmem>>) semaphore(%run_scoped3A_625 : memref<!tpu.dma_semaphore, #tpu.memory_space<semaphore_mem>>) {add = true}
        %dma_wait3A_636 = arith.constant 0 : i32
        %dma_wait3A_637 = arith.constant 0 : i32
        %dma_wait3A_638 = tpu.memref_slice %arg6[%run_scoped3A_451, %dma_wait3A_636, %dma_wait3A_637] : memref<2x128x128xf32, #tpu.memory_space<vmem>> -> memref<1x128x128xf32, #tpu.memory_space<vmem>>
        %dma_wait3A_639 = tpu.memref_squeeze %dma_wait3A_638 : memref<1x128x128xf32, #tpu.memory_space<vmem>> -> memref<128x128xf32, #tpu.memory_space<vmem>>
        %dma_wait3A_640 = arith.constant 0 : i32
        %dma_wait3A_641 = tpu.memref_slice %arg5[%run_scoped3A_452, %run_scoped3A_453, %dma_wait3A_640] : memref<4x2x128xi32, #tpu.memory_space<vmem>> -> memref<1x1x128xi32, #tpu.memory_space<vmem>>
        %dma_wait3A_642 = tpu.memref_squeeze %dma_wait3A_641 : memref<1x1x128xi32, #tpu.memory_space<vmem>> -> memref<128xi32, #tpu.memory_space<vmem>>
        %dma_wait3A_643 = arith.constant 0 : i32
        %dma_wait3A_644 = arith.constant 0 : i32
        %dma_wait3A_645 = tpu.memref_slice %arg7[%dma_wait3A_643, %dma_wait3A_644] : memref<10240x128xf32, #tpu.memory_space<vmem_shared>> -> memref<10240x128xf32, #tpu.memory_space<vmem_shared>>
        tpu.wait_indirect_dma semaphore(%run_scoped3A_625 : memref<!tpu.dma_semaphore, #tpu.memory_space<semaphore_mem>>) src(%dma_wait3A_639 : memref<128x128xf32, #tpu.memory_space<vmem>>) dst(%dma_wait3A_645 : memref<10240x128xf32, #tpu.memory_space<vmem_shared>>)
        tpu.yield
      }) : () -> ()
      %add3A_454 = arith.addi %mul3A_31, %add3A_296 : i32
      %add3A_455 = arith.constant 5 : i32
      %add3A_456 = arith.addi %add3A_454, %add3A_455 : i32
      %mul3A_457 = arith.constant 128 : i32
      %mul3A_458 = arith.muli %add3A_456, %mul3A_457 : i32
      %dma_start3A_459 = arith.constant 0 : i32
      %dma_start3A_460 = arith.constant 1 : i32
      %dma_start3A_461 = arith.constant 0 : i32
      %dma_start3A_462 = arith.constant 0 : i32
      %dma_start3A_463 = tpu.memref_slice %arg5[%dma_start3A_460, %dma_start3A_461, %dma_start3A_462] : memref<4x2x128xi32, #tpu.memory_space<vmem>> -> memref<1x1x128xi32, #tpu.memory_space<vmem>>
      %dma_start3A_464 = tpu.memref_squeeze %dma_start3A_463 : memref<1x1x128xi32, #tpu.memory_space<vmem>> -> memref<128xi32, #tpu.memory_space<vmem>>
      %dma_start3A_465 = tpu.memref_slice %arg3[%dma_start3A_459, %mul3A_458] : memref<2x320000xi32, #tpu.memory_space<hbm>> -> memref<1x128xi32, #tpu.memory_space<hbm>>
      %dma_start3A_466 = tpu.memref_squeeze %dma_start3A_465 : memref<1x128xi32, #tpu.memory_space<hbm>> -> memref<128xi32, #tpu.memory_space<hbm>>
      %dma_start3A_467 = arith.constant 0 : i32
      %dma_start3A_468 = tpu.memref_slice %arg5[%dma_start3A_460, %dma_start3A_461, %dma_start3A_467] : memref<4x2x128xi32, #tpu.memory_space<vmem>> -> memref<1x1x128xi32, #tpu.memory_space<vmem>>
      %dma_start3A_469 = tpu.memref_squeeze %dma_start3A_468 : memref<1x1x128xi32, #tpu.memory_space<vmem>> -> memref<128xi32, #tpu.memory_space<vmem>>
      %dma_start3A_470 = tpu.memref_slice %arg3[%dma_start3A_459, %mul3A_458] : memref<2x320000xi32, #tpu.memory_space<hbm>> -> memref<1x128xi32, #tpu.memory_space<hbm>>
      %dma_start3A_471 = tpu.memref_squeeze %dma_start3A_470 : memref<1x128xi32, #tpu.memory_space<hbm>> -> memref<128xi32, #tpu.memory_space<hbm>>
      tpu.enqueue_dma source(%dma_start3A_471 : memref<128xi32, #tpu.memory_space<hbm>>) target(%dma_start3A_469 : memref<128xi32, #tpu.memory_space<vmem>>) target_semaphore(%arg9 : memref<!tpu.dma_semaphore, #tpu.memory_space<semaphore_mem>>)
      %mul3A_472 = arith.constant 128 : i32
      %mul3A_473 = arith.muli %add3A_456, %mul3A_472 : i32
      %dma_start3A_474 = arith.constant 1 : i32
      %dma_start3A_475 = arith.constant 1 : i32
      %dma_start3A_476 = arith.constant 1 : i32
      %dma_start3A_477 = arith.constant 0 : i32
      %dma_start3A_478 = tpu.memref_slice %arg5[%dma_start3A_475, %dma_start3A_476, %dma_start3A_477] : memref<4x2x128xi32, #tpu.memory_space<vmem>> -> memref<1x1x128xi32, #tpu.memory_space<vmem>>
      %dma_start3A_479 = tpu.memref_squeeze %dma_start3A_478 : memref<1x1x128xi32, #tpu.memory_space<vmem>> -> memref<128xi32, #tpu.memory_space<vmem>>
      %dma_start3A_480 = tpu.memref_slice %arg3[%dma_start3A_474, %mul3A_473] : memref<2x320000xi32, #tpu.memory_space<hbm>> -> memref<1x128xi32, #tpu.memory_space<hbm>>
      %dma_start3A_481 = tpu.memref_squeeze %dma_start3A_480 : memref<1x128xi32, #tpu.memory_space<hbm>> -> memref<128xi32, #tpu.memory_space<hbm>>
      %dma_start3A_482 = arith.constant 0 : i32
      %dma_start3A_483 = tpu.memref_slice %arg5[%dma_start3A_475, %dma_start3A_476, %dma_start3A_482] : memref<4x2x128xi32, #tpu.memory_space<vmem>> -> memref<1x1x128xi32, #tpu.memory_space<vmem>>
      %dma_start3A_484 = tpu.memref_squeeze %dma_start3A_483 : memref<1x1x128xi32, #tpu.memory_space<vmem>> -> memref<128xi32, #tpu.memory_space<vmem>>
      %dma_start3A_485 = tpu.memref_slice %arg3[%dma_start3A_474, %mul3A_473] : memref<2x320000xi32, #tpu.memory_space<hbm>> -> memref<1x128xi32, #tpu.memory_space<hbm>>
      %dma_start3A_486 = tpu.memref_squeeze %dma_start3A_485 : memref<1x128xi32, #tpu.memory_space<hbm>> -> memref<128xi32, #tpu.memory_space<hbm>>
      tpu.enqueue_dma source(%dma_start3A_486 : memref<128xi32, #tpu.memory_space<hbm>>) target(%dma_start3A_484 : memref<128xi32, #tpu.memory_space<vmem>>) target_semaphore(%arg9 : memref<!tpu.dma_semaphore, #tpu.memory_space<semaphore_mem>>)
      %add3A_487 = arith.addi %mul3A_31, %add3A_296 : i32
      %add3A_488 = arith.constant 3 : i32
      %add3A_489 = arith.addi %add3A_487, %add3A_488 : i32
      %mul3A_490 = arith.constant 128 : i32
      %mul3A_491 = arith.muli %add3A_489, %mul3A_490 : i32
      %dma_wait3A_492 = arith.constant 0 : i32
      %dma_wait3A_493 = arith.constant 3 : i32
      %dma_wait3A_494 = arith.constant 0 : i32
      %dma_wait3A_495 = arith.constant 0 : i32
      %dma_wait3A_496 = tpu.memref_slice %arg5[%dma_wait3A_493, %dma_wait3A_494, %dma_wait3A_495] : memref<4x2x128xi32, #tpu.memory_space<vmem>> -> memref<1x1x128xi32, #tpu.memory_space<vmem>>
      %dma_wait3A_497 = tpu.memref_squeeze %dma_wait3A_496 : memref<1x1x128xi32, #tpu.memory_space<vmem>> -> memref<128xi32, #tpu.memory_space<vmem>>
      %dma_wait3A_498 = tpu.memref_slice %arg3[%dma_wait3A_492, %mul3A_491] : memref<2x320000xi32, #tpu.memory_space<hbm>> -> memref<1x128xi32, #tpu.memory_space<hbm>>
      %dma_wait3A_499 = tpu.memref_squeeze %dma_wait3A_498 : memref<1x128xi32, #tpu.memory_space<hbm>> -> memref<128xi32, #tpu.memory_space<hbm>>
      %dma_wait3A_500 = arith.constant 0 : i32
      %dma_wait3A_501 = tpu.memref_slice %arg5[%dma_wait3A_493, %dma_wait3A_494, %dma_wait3A_500] : memref<4x2x128xi32, #tpu.memory_space<vmem>> -> memref<1x1x128xi32, #tpu.memory_space<vmem>>
      %dma_wait3A_502 = tpu.memref_squeeze %dma_wait3A_501 : memref<1x1x128xi32, #tpu.memory_space<vmem>> -> memref<128xi32, #tpu.memory_space<vmem>>
      %dma_wait3A_503 = tpu.memref_slice %arg3[%dma_wait3A_492, %mul3A_491] : memref<2x320000xi32, #tpu.memory_space<hbm>> -> memref<1x128xi32, #tpu.memory_space<hbm>>
      %dma_wait3A_504 = tpu.memref_squeeze %dma_wait3A_503 : memref<1x128xi32, #tpu.memory_space<hbm>> -> memref<128xi32, #tpu.memory_space<hbm>>
      tpu.wait_dma2 semaphore(%arg11 : memref<!tpu.dma_semaphore, #tpu.memory_space<semaphore_mem>>) src(%dma_wait3A_504 : memref<128xi32, #tpu.memory_space<hbm>>) dst(%dma_wait3A_502 : memref<128xi32, #tpu.memory_space<vmem>>)
      %mul3A_505 = arith.constant 128 : i32
      %mul3A_506 = arith.muli %add3A_489, %mul3A_505 : i32
      %dma_wait3A_507 = arith.constant 1 : i32
      %dma_wait3A_508 = arith.constant 3 : i32
      %dma_wait3A_509 = arith.constant 1 : i32
      %dma_wait3A_510 = arith.constant 0 : i32
      %dma_wait3A_511 = tpu.memref_slice %arg5[%dma_wait3A_508, %dma_wait3A_509, %dma_wait3A_510] : memref<4x2x128xi32, #tpu.memory_space<vmem>> -> memref<1x1x128xi32, #tpu.memory_space<vmem>>
      %dma_wait3A_512 = tpu.memref_squeeze %dma_wait3A_511 : memref<1x1x128xi32, #tpu.memory_space<vmem>> -> memref<128xi32, #tpu.memory_space<vmem>>
      %dma_wait3A_513 = tpu.memref_slice %arg3[%dma_wait3A_507, %mul3A_506] : memref<2x320000xi32, #tpu.memory_space<hbm>> -> memref<1x128xi32, #tpu.memory_space<hbm>>
      %dma_wait3A_514 = tpu.memref_squeeze %dma_wait3A_513 : memref<1x128xi32, #tpu.memory_space<hbm>> -> memref<128xi32, #tpu.memory_space<hbm>>
      %dma_wait3A_515 = arith.constant 0 : i32
      %dma_wait3A_516 = tpu.memref_slice %arg5[%dma_wait3A_508, %dma_wait3A_509, %dma_wait3A_515] : memref<4x2x128xi32, #tpu.memory_space<vmem>> -> memref<1x1x128xi32, #tpu.memory_space<vmem>>
      %dma_wait3A_517 = tpu.memref_squeeze %dma_wait3A_516 : memref<1x1x128xi32, #tpu.memory_space<vmem>> -> memref<128xi32, #tpu.memory_space<vmem>>
      %dma_wait3A_518 = tpu.memref_slice %arg3[%dma_wait3A_507, %mul3A_506] : memref<2x320000xi32, #tpu.memory_space<hbm>> -> memref<1x128xi32, #tpu.memory_space<hbm>>
      %dma_wait3A_519 = tpu.memref_squeeze %dma_wait3A_518 : memref<1x128xi32, #tpu.memory_space<hbm>> -> memref<128xi32, #tpu.memory_space<hbm>>
      tpu.wait_dma2 semaphore(%arg11 : memref<!tpu.dma_semaphore, #tpu.memory_space<semaphore_mem>>) src(%dma_wait3A_519 : memref<128xi32, #tpu.memory_space<hbm>>) dst(%dma_wait3A_517 : memref<128xi32, #tpu.memory_space<vmem>>)
      %dma_start3A_520 = arith.constant 3 : i32
      %dma_start3A_521 = arith.constant 0 : i32
      %dma_start3A_522 = arith.constant 1 : i32
      %dma_start3A_523 = arith.constant 0 : i32
      %dma_start3A_524 = arith.constant 0 : i32
      %dma_start3A_525 = tpu.memref_slice %arg6[%dma_start3A_522, %dma_start3A_523, %dma_start3A_524] : memref<2x128x128xf32, #tpu.memory_space<vmem>> -> memref<1x128x128xf32, #tpu.memory_space<vmem>>
      %dma_start3A_526 = tpu.memref_squeeze %dma_start3A_525 : memref<1x128x128xf32, #tpu.memory_space<vmem>> -> memref<128x128xf32, #tpu.memory_space<vmem>>
      %dma_start3A_527 = arith.constant 0 : i32
      %dma_start3A_528 = tpu.memref_slice %arg5[%dma_start3A_520, %dma_start3A_521, %dma_start3A_527] : memref<4x2x128xi32, #tpu.memory_space<vmem>> -> memref<1x1x128xi32, #tpu.memory_space<vmem>>
      %dma_start3A_529 = tpu.memref_squeeze %dma_start3A_528 : memref<1x1x128xi32, #tpu.memory_space<vmem>> -> memref<128xi32, #tpu.memory_space<vmem>>
      %dma_start3A_530 = arith.constant 0 : i32
      %dma_start3A_531 = arith.constant 0 : i32
      %dma_start3A_532 = tpu.memref_slice %arg2[%dma_start3A_530, %dma_start3A_531] : memref<10240x128xf32, #tpu.memory_space<hbm>> -> memref<10240x128xf32, #tpu.memory_space<hbm>>
      tpu.enqueue_indirect_dma source(%dma_start3A_532 : memref<10240x128xf32, #tpu.memory_space<hbm>>) target(%dma_start3A_526 : memref<128x128xf32, #tpu.memory_space<vmem>>) offsets(%dma_start3A_529 : memref<128xi32, #tpu.memory_space<vmem>>) semaphore(%arg13 : memref<!tpu.dma_semaphore, #tpu.memory_space<semaphore_mem>>)
      %dma_wait3A_533 = arith.constant 2 : i32
      %dma_wait3A_534 = arith.constant 0 : i32
      %dma_wait3A_535 = arith.constant 0 : i32
      %dma_wait3A_536 = arith.constant 0 : i32
      %dma_wait3A_537 = arith.constant 0 : i32
      %dma_wait3A_538 = tpu.memref_slice %arg6[%dma_wait3A_535, %dma_wait3A_536, %dma_wait3A_537] : memref<2x128x128xf32, #tpu.memory_space<vmem>> -> memref<1x128x128xf32, #tpu.memory_space<vmem>>
      %dma_wait3A_539 = tpu.memref_squeeze %dma_wait3A_538 : memref<1x128x128xf32, #tpu.memory_space<vmem>> -> memref<128x128xf32, #tpu.memory_space<vmem>>
      %dma_wait3A_540 = arith.constant 0 : i32
      %dma_wait3A_541 = tpu.memref_slice %arg5[%dma_wait3A_533, %dma_wait3A_534, %dma_wait3A_540] : memref<4x2x128xi32, #tpu.memory_space<vmem>> -> memref<1x1x128xi32, #tpu.memory_space<vmem>>
      %dma_wait3A_542 = tpu.memref_squeeze %dma_wait3A_541 : memref<1x1x128xi32, #tpu.memory_space<vmem>> -> memref<128xi32, #tpu.memory_space<vmem>>
      %dma_wait3A_543 = arith.constant 0 : i32
      %dma_wait3A_544 = arith.constant 0 : i32
      %dma_wait3A_545 = tpu.memref_slice %arg2[%dma_wait3A_543, %dma_wait3A_544] : memref<10240x128xf32, #tpu.memory_space<hbm>> -> memref<10240x128xf32, #tpu.memory_space<hbm>>
      tpu.wait_indirect_dma semaphore(%arg12 : memref<!tpu.dma_semaphore, #tpu.memory_space<semaphore_mem>>) src(%dma_wait3A_545 : memref<10240x128xf32, #tpu.memory_space<hbm>>) dst(%dma_wait3A_539 : memref<128x128xf32, #tpu.memory_space<vmem>>)
      %run_scoped3A_546 = arith.constant 0 : i32
      %run_scoped3A_547 = arith.constant 2 : i32
      %run_scoped3A_548 = arith.constant 1 : i32
      "tpu.region"() ({
        %run_scoped3A_625 = tpu.sem_alloc : memref<!tpu.dma_semaphore, #tpu.memory_space<semaphore_mem>>
        %dma_start3A_626 = arith.constant 0 : i32
        %dma_start3A_627 = arith.constant 0 : i32
        %dma_start3A_628 = tpu.memref_slice %arg6[%run_scoped3A_546, %dma_start3A_626, %dma_start3A_627] : memref<2x128x128xf32, #tpu.memory_space<vmem>> -> memref<1x128x128xf32, #tpu.memory_space<vmem>>
        %dma_start3A_629 = tpu.memref_squeeze %dma_start3A_628 : memref<1x128x128xf32, #tpu.memory_space<vmem>> -> memref<128x128xf32, #tpu.memory_space<vmem>>
        %dma_start3A_630 = arith.constant 0 : i32
        %dma_start3A_631 = tpu.memref_slice %arg5[%run_scoped3A_547, %run_scoped3A_548, %dma_start3A_630] : memref<4x2x128xi32, #tpu.memory_space<vmem>> -> memref<1x1x128xi32, #tpu.memory_space<vmem>>
        %dma_start3A_632 = tpu.memref_squeeze %dma_start3A_631 : memref<1x1x128xi32, #tpu.memory_space<vmem>> -> memref<128xi32, #tpu.memory_space<vmem>>
        %dma_start3A_633 = arith.constant 0 : i32
        %dma_start3A_634 = arith.constant 0 : i32
        %dma_start3A_635 = tpu.memref_slice %arg7[%dma_start3A_633, %dma_start3A_634] : memref<10240x128xf32, #tpu.memory_space<vmem_shared>> -> memref<10240x128xf32, #tpu.memory_space<vmem_shared>>
        tpu.enqueue_indirect_dma source(%dma_start3A_629 : memref<128x128xf32, #tpu.memory_space<vmem>>) target(%dma_start3A_635 : memref<10240x128xf32, #tpu.memory_space<vmem_shared>>) offsets(%dma_start3A_632 : memref<128xi32, #tpu.memory_space<vmem>>) semaphore(%run_scoped3A_625 : memref<!tpu.dma_semaphore, #tpu.memory_space<semaphore_mem>>) {add = true}
        %dma_wait3A_636 = arith.constant 0 : i32
        %dma_wait3A_637 = arith.constant 0 : i32
        %dma_wait3A_638 = tpu.memref_slice %arg6[%run_scoped3A_546, %dma_wait3A_636, %dma_wait3A_637] : memref<2x128x128xf32, #tpu.memory_space<vmem>> -> memref<1x128x128xf32, #tpu.memory_space<vmem>>
        %dma_wait3A_639 = tpu.memref_squeeze %dma_wait3A_638 : memref<1x128x128xf32, #tpu.memory_space<vmem>> -> memref<128x128xf32, #tpu.memory_space<vmem>>
        %dma_wait3A_640 = arith.constant 0 : i32
        %dma_wait3A_641 = tpu.memref_slice %arg5[%run_scoped3A_547, %run_scoped3A_548, %dma_wait3A_640] : memref<4x2x128xi32, #tpu.memory_space<vmem>> -> memref<1x1x128xi32, #tpu.memory_space<vmem>>
        %dma_wait3A_642 = tpu.memref_squeeze %dma_wait3A_641 : memref<1x1x128xi32, #tpu.memory_space<vmem>> -> memref<128xi32, #tpu.memory_space<vmem>>
        %dma_wait3A_643 = arith.constant 0 : i32
        %dma_wait3A_644 = arith.constant 0 : i32
        %dma_wait3A_645 = tpu.memref_slice %arg7[%dma_wait3A_643, %dma_wait3A_644] : memref<10240x128xf32, #tpu.memory_space<vmem_shared>> -> memref<10240x128xf32, #tpu.memory_space<vmem_shared>>
        tpu.wait_indirect_dma semaphore(%run_scoped3A_625 : memref<!tpu.dma_semaphore, #tpu.memory_space<semaphore_mem>>) src(%dma_wait3A_639 : memref<128x128xf32, #tpu.memory_space<vmem>>) dst(%dma_wait3A_645 : memref<10240x128xf32, #tpu.memory_space<vmem_shared>>)
        tpu.yield
      }) : () -> ()
      %add3A_549 = arith.constant 6 : i32
      %add3A_550 = arith.addi %add3A_296, %add3A_549 : i32
      %lt3A_551 = arith.constant 78 : i32
      %lt3A_552 = arith.cmpi slt, %add3A_550, %lt3A_551 : i32
      %convert_element_type3A_553 = arith.extui %lt3A_552 : i1 to i32
      %cond3A_554 = arith.constant 0 : i32
      %cond3A_555 = arith.cmpi ne, %convert_element_type3A_553, %cond3A_554 : i32
      scf.if %cond3A_555 {
        %add3A_625 = arith.addi %mul3A_31, %add3A_296 : i32
        %add3A_626 = arith.constant 6 : i32
        %add3A_627 = arith.addi %add3A_625, %add3A_626 : i32
        %mul3A_628 = arith.constant 128 : i32
        %mul3A_629 = arith.muli %add3A_627, %mul3A_628 : i32
        %dma_start3A_630 = arith.constant 0 : i32
        %dma_start3A_631 = arith.constant 2 : i32
        %dma_start3A_632 = arith.constant 0 : i32
        %dma_start3A_633 = arith.constant 0 : i32
        %dma_start3A_634 = tpu.memref_slice %arg5[%dma_start3A_631, %dma_start3A_632, %dma_start3A_633] : memref<4x2x128xi32, #tpu.memory_space<vmem>> -> memref<1x1x128xi32, #tpu.memory_space<vmem>>
        %dma_start3A_635 = tpu.memref_squeeze %dma_start3A_634 : memref<1x1x128xi32, #tpu.memory_space<vmem>> -> memref<128xi32, #tpu.memory_space<vmem>>
        %dma_start3A_636 = tpu.memref_slice %arg3[%dma_start3A_630, %mul3A_629] : memref<2x320000xi32, #tpu.memory_space<hbm>> -> memref<1x128xi32, #tpu.memory_space<hbm>>
        %dma_start3A_637 = tpu.memref_squeeze %dma_start3A_636 : memref<1x128xi32, #tpu.memory_space<hbm>> -> memref<128xi32, #tpu.memory_space<hbm>>
        %dma_start3A_638 = arith.constant 0 : i32
        %dma_start3A_639 = tpu.memref_slice %arg5[%dma_start3A_631, %dma_start3A_632, %dma_start3A_638] : memref<4x2x128xi32, #tpu.memory_space<vmem>> -> memref<1x1x128xi32, #tpu.memory_space<vmem>>
        %dma_start3A_640 = tpu.memref_squeeze %dma_start3A_639 : memref<1x1x128xi32, #tpu.memory_space<vmem>> -> memref<128xi32, #tpu.memory_space<vmem>>
        %dma_start3A_641 = tpu.memref_slice %arg3[%dma_start3A_630, %mul3A_629] : memref<2x320000xi32, #tpu.memory_space<hbm>> -> memref<1x128xi32, #tpu.memory_space<hbm>>
        %dma_start3A_642 = tpu.memref_squeeze %dma_start3A_641 : memref<1x128xi32, #tpu.memory_space<hbm>> -> memref<128xi32, #tpu.memory_space<hbm>>
        tpu.enqueue_dma source(%dma_start3A_642 : memref<128xi32, #tpu.memory_space<hbm>>) target(%dma_start3A_640 : memref<128xi32, #tpu.memory_space<vmem>>) target_semaphore(%arg10 : memref<!tpu.dma_semaphore, #tpu.memory_space<semaphore_mem>>)
        %mul3A_643 = arith.constant 128 : i32
        %mul3A_644 = arith.muli %add3A_627, %mul3A_643 : i32
        %dma_start3A_645 = arith.constant 1 : i32
        %dma_start3A_646 = arith.constant 2 : i32
        %dma_start3A_647 = arith.constant 1 : i32
        %dma_start3A_648 = arith.constant 0 : i32
        %dma_start3A_649 = tpu.memref_slice %arg5[%dma_start3A_646, %dma_start3A_647, %dma_start3A_648] : memref<4x2x128xi32, #tpu.memory_space<vmem>> -> memref<1x1x128xi32, #tpu.memory_space<vmem>>
        %dma_start3A_650 = tpu.memref_squeeze %dma_start3A_649 : memref<1x1x128xi32, #tpu.memory_space<vmem>> -> memref<128xi32, #tpu.memory_space<vmem>>
        %dma_start3A_651 = tpu.memref_slice %arg3[%dma_start3A_645, %mul3A_644] : memref<2x320000xi32, #tpu.memory_space<hbm>> -> memref<1x128xi32, #tpu.memory_space<hbm>>
        %dma_start3A_652 = tpu.memref_squeeze %dma_start3A_651 : memref<1x128xi32, #tpu.memory_space<hbm>> -> memref<128xi32, #tpu.memory_space<hbm>>
        %dma_start3A_653 = arith.constant 0 : i32
        %dma_start3A_654 = tpu.memref_slice %arg5[%dma_start3A_646, %dma_start3A_647, %dma_start3A_653] : memref<4x2x128xi32, #tpu.memory_space<vmem>> -> memref<1x1x128xi32, #tpu.memory_space<vmem>>
        %dma_start3A_655 = tpu.memref_squeeze %dma_start3A_654 : memref<1x1x128xi32, #tpu.memory_space<vmem>> -> memref<128xi32, #tpu.memory_space<vmem>>
        %dma_start3A_656 = tpu.memref_slice %arg3[%dma_start3A_645, %mul3A_644] : memref<2x320000xi32, #tpu.memory_space<hbm>> -> memref<1x128xi32, #tpu.memory_space<hbm>>
        %dma_start3A_657 = tpu.memref_squeeze %dma_start3A_656 : memref<1x128xi32, #tpu.memory_space<hbm>> -> memref<128xi32, #tpu.memory_space<hbm>>
        tpu.enqueue_dma source(%dma_start3A_657 : memref<128xi32, #tpu.memory_space<hbm>>) target(%dma_start3A_655 : memref<128xi32, #tpu.memory_space<vmem>>) target_semaphore(%arg10 : memref<!tpu.dma_semaphore, #tpu.memory_space<semaphore_mem>>)
      } else {
      }
      %add3A_556 = arith.addi %mul3A_31, %add3A_296 : i32
      %add3A_557 = arith.constant 4 : i32
      %add3A_558 = arith.addi %add3A_556, %add3A_557 : i32
      %mul3A_559 = arith.constant 128 : i32
      %mul3A_560 = arith.muli %add3A_558, %mul3A_559 : i32
      %dma_wait3A_561 = arith.constant 0 : i32
      %dma_wait3A_562 = arith.constant 0 : i32
      %dma_wait3A_563 = arith.constant 0 : i32
      %dma_wait3A_564 = arith.constant 0 : i32
      %dma_wait3A_565 = tpu.memref_slice %arg5[%dma_wait3A_562, %dma_wait3A_563, %dma_wait3A_564] : memref<4x2x128xi32, #tpu.memory_space<vmem>> -> memref<1x1x128xi32, #tpu.memory_space<vmem>>
      %dma_wait3A_566 = tpu.memref_squeeze %dma_wait3A_565 : memref<1x1x128xi32, #tpu.memory_space<vmem>> -> memref<128xi32, #tpu.memory_space<vmem>>
      %dma_wait3A_567 = tpu.memref_slice %arg3[%dma_wait3A_561, %mul3A_560] : memref<2x320000xi32, #tpu.memory_space<hbm>> -> memref<1x128xi32, #tpu.memory_space<hbm>>
      %dma_wait3A_568 = tpu.memref_squeeze %dma_wait3A_567 : memref<1x128xi32, #tpu.memory_space<hbm>> -> memref<128xi32, #tpu.memory_space<hbm>>
      %dma_wait3A_569 = arith.constant 0 : i32
      %dma_wait3A_570 = tpu.memref_slice %arg5[%dma_wait3A_562, %dma_wait3A_563, %dma_wait3A_569] : memref<4x2x128xi32, #tpu.memory_space<vmem>> -> memref<1x1x128xi32, #tpu.memory_space<vmem>>
      %dma_wait3A_571 = tpu.memref_squeeze %dma_wait3A_570 : memref<1x1x128xi32, #tpu.memory_space<vmem>> -> memref<128xi32, #tpu.memory_space<vmem>>
      %dma_wait3A_572 = tpu.memref_slice %arg3[%dma_wait3A_561, %mul3A_560] : memref<2x320000xi32, #tpu.memory_space<hbm>> -> memref<1x128xi32, #tpu.memory_space<hbm>>
      %dma_wait3A_573 = tpu.memref_squeeze %dma_wait3A_572 : memref<1x128xi32, #tpu.memory_space<hbm>> -> memref<128xi32, #tpu.memory_space<hbm>>
      tpu.wait_dma2 semaphore(%arg8 : memref<!tpu.dma_semaphore, #tpu.memory_space<semaphore_mem>>) src(%dma_wait3A_573 : memref<128xi32, #tpu.memory_space<hbm>>) dst(%dma_wait3A_571 : memref<128xi32, #tpu.memory_space<vmem>>)
      %mul3A_574 = arith.constant 128 : i32
      %mul3A_575 = arith.muli %add3A_558, %mul3A_574 : i32
      %dma_wait3A_576 = arith.constant 1 : i32
      %dma_wait3A_577 = arith.constant 0 : i32
      %dma_wait3A_578 = arith.constant 1 : i32
      %dma_wait3A_579 = arith.constant 0 : i32
      %dma_wait3A_580 = tpu.memref_slice %arg5[%dma_wait3A_577, %dma_wait3A_578, %dma_wait3A_579] : memref<4x2x128xi32, #tpu.memory_space<vmem>> -> memref<1x1x128xi32, #tpu.memory_space<vmem>>
      %dma_wait3A_581 = tpu.memref_squeeze %dma_wait3A_580 : memref<1x1x128xi32, #tpu.memory_space<vmem>> -> memref<128xi32, #tpu.memory_space<vmem>>
      %dma_wait3A_582 = tpu.memref_slice %arg3[%dma_wait3A_576, %mul3A_575] : memref<2x320000xi32, #tpu.memory_space<hbm>> -> memref<1x128xi32, #tpu.memory_space<hbm>>
      %dma_wait3A_583 = tpu.memref_squeeze %dma_wait3A_582 : memref<1x128xi32, #tpu.memory_space<hbm>> -> memref<128xi32, #tpu.memory_space<hbm>>
      %dma_wait3A_584 = arith.constant 0 : i32
      %dma_wait3A_585 = tpu.memref_slice %arg5[%dma_wait3A_577, %dma_wait3A_578, %dma_wait3A_584] : memref<4x2x128xi32, #tpu.memory_space<vmem>> -> memref<1x1x128xi32, #tpu.memory_space<vmem>>
      %dma_wait3A_586 = tpu.memref_squeeze %dma_wait3A_585 : memref<1x1x128xi32, #tpu.memory_space<vmem>> -> memref<128xi32, #tpu.memory_space<vmem>>
      %dma_wait3A_587 = tpu.memref_slice %arg3[%dma_wait3A_576, %mul3A_575] : memref<2x320000xi32, #tpu.memory_space<hbm>> -> memref<1x128xi32, #tpu.memory_space<hbm>>
      %dma_wait3A_588 = tpu.memref_squeeze %dma_wait3A_587 : memref<1x128xi32, #tpu.memory_space<hbm>> -> memref<128xi32, #tpu.memory_space<hbm>>
      tpu.wait_dma2 semaphore(%arg8 : memref<!tpu.dma_semaphore, #tpu.memory_space<semaphore_mem>>) src(%dma_wait3A_588 : memref<128xi32, #tpu.memory_space<hbm>>) dst(%dma_wait3A_586 : memref<128xi32, #tpu.memory_space<vmem>>)
      %dma_start3A_589 = arith.constant 0 : i32
      %dma_start3A_590 = arith.constant 0 : i32
      %dma_start3A_591 = arith.constant 0 : i32
      %dma_start3A_592 = arith.constant 0 : i32
      %dma_start3A_593 = arith.constant 0 : i32
      %dma_start3A_594 = tpu.memref_slice %arg6[%dma_start3A_591, %dma_start3A_592, %dma_start3A_593] : memref<2x128x128xf32, #tpu.memory_space<vmem>> -> memref<1x128x128xf32, #tpu.memory_space<vmem>>
      %dma_start3A_595 = tpu.memref_squeeze %dma_start3A_594 : memref<1x128x128xf32, #tpu.memory_space<vmem>> -> memref<128x128xf32, #tpu.memory_space<vmem>>
      %dma_start3A_596 = arith.constant 0 : i32
      %dma_start3A_597 = tpu.memref_slice %arg5[%dma_start3A_589, %dma_start3A_590, %dma_start3A_596] : memref<4x2x128xi32, #tpu.memory_space<vmem>> -> memref<1x1x128xi32, #tpu.memory_space<vmem>>
      %dma_start3A_598 = tpu.memref_squeeze %dma_start3A_597 : memref<1x1x128xi32, #tpu.memory_space<vmem>> -> memref<128xi32, #tpu.memory_space<vmem>>
      %dma_start3A_599 = arith.constant 0 : i32
      %dma_start3A_600 = arith.constant 0 : i32
      %dma_start3A_601 = tpu.memref_slice %arg2[%dma_start3A_599, %dma_start3A_600] : memref<10240x128xf32, #tpu.memory_space<hbm>> -> memref<10240x128xf32, #tpu.memory_space<hbm>>
      tpu.enqueue_indirect_dma source(%dma_start3A_601 : memref<10240x128xf32, #tpu.memory_space<hbm>>) target(%dma_start3A_595 : memref<128x128xf32, #tpu.memory_space<vmem>>) offsets(%dma_start3A_598 : memref<128xi32, #tpu.memory_space<vmem>>) semaphore(%arg12 : memref<!tpu.dma_semaphore, #tpu.memory_space<semaphore_mem>>)
      %dma_wait3A_602 = arith.constant 3 : i32
      %dma_wait3A_603 = arith.constant 0 : i32
      %dma_wait3A_604 = arith.constant 1 : i32
      %dma_wait3A_605 = arith.constant 0 : i32
      %dma_wait3A_606 = arith.constant 0 : i32
      %dma_wait3A_607 = tpu.memref_slice %arg6[%dma_wait3A_604, %dma_wait3A_605, %dma_wait3A_606] : memref<2x128x128xf32, #tpu.memory_space<vmem>> -> memref<1x128x128xf32, #tpu.memory_space<vmem>>
      %dma_wait3A_608 = tpu.memref_squeeze %dma_wait3A_607 : memref<1x128x128xf32, #tpu.memory_space<vmem>> -> memref<128x128xf32, #tpu.memory_space<vmem>>
      %dma_wait3A_609 = arith.constant 0 : i32
      %dma_wait3A_610 = tpu.memref_slice %arg5[%dma_wait3A_602, %dma_wait3A_603, %dma_wait3A_609] : memref<4x2x128xi32, #tpu.memory_space<vmem>> -> memref<1x1x128xi32, #tpu.memory_space<vmem>>
      %dma_wait3A_611 = tpu.memref_squeeze %dma_wait3A_610 : memref<1x1x128xi32, #tpu.memory_space<vmem>> -> memref<128xi32, #tpu.memory_space<vmem>>
      %dma_wait3A_612 = arith.constant 0 : i32
      %dma_wait3A_613 = arith.constant 0 : i32
      %dma_wait3A_614 = tpu.memref_slice %arg2[%dma_wait3A_612, %dma_wait3A_613] : memref<10240x128xf32, #tpu.memory_space<hbm>> -> memref<10240x128xf32, #tpu.memory_space<hbm>>
      tpu.wait_indirect_dma semaphore(%arg13 : memref<!tpu.dma_semaphore, #tpu.memory_space<semaphore_mem>>) src(%dma_wait3A_614 : memref<10240x128xf32, #tpu.memory_space<hbm>>) dst(%dma_wait3A_608 : memref<128x128xf32, #tpu.memory_space<vmem>>)
      %run_scoped3A_615 = arith.constant 1 : i32
      %run_scoped3A_616 = arith.constant 3 : i32
      %run_scoped3A_617 = arith.constant 1 : i32
      "tpu.region"() ({
        %run_scoped3A_625 = tpu.sem_alloc : memref<!tpu.dma_semaphore, #tpu.memory_space<semaphore_mem>>
        %dma_start3A_626 = arith.constant 0 : i32
        %dma_start3A_627 = arith.constant 0 : i32
        %dma_start3A_628 = tpu.memref_slice %arg6[%run_scoped3A_615, %dma_start3A_626, %dma_start3A_627] : memref<2x128x128xf32, #tpu.memory_space<vmem>> -> memref<1x128x128xf32, #tpu.memory_space<vmem>>
        %dma_start3A_629 = tpu.memref_squeeze %dma_start3A_628 : memref<1x128x128xf32, #tpu.memory_space<vmem>> -> memref<128x128xf32, #tpu.memory_space<vmem>>
        %dma_start3A_630 = arith.constant 0 : i32
        %dma_start3A_631 = tpu.memref_slice %arg5[%run_scoped3A_616, %run_scoped3A_617, %dma_start3A_630] : memref<4x2x128xi32, #tpu.memory_space<vmem>> -> memref<1x1x128xi32, #tpu.memory_space<vmem>>
        %dma_start3A_632 = tpu.memref_squeeze %dma_start3A_631 : memref<1x1x128xi32, #tpu.memory_space<vmem>> -> memref<128xi32, #tpu.memory_space<vmem>>
        %dma_start3A_633 = arith.constant 0 : i32
        %dma_start3A_634 = arith.constant 0 : i32
        %dma_start3A_635 = tpu.memref_slice %arg7[%dma_start3A_633, %dma_start3A_634] : memref<10240x128xf32, #tpu.memory_space<vmem_shared>> -> memref<10240x128xf32, #tpu.memory_space<vmem_shared>>
        tpu.enqueue_indirect_dma source(%dma_start3A_629 : memref<128x128xf32, #tpu.memory_space<vmem>>) target(%dma_start3A_635 : memref<10240x128xf32, #tpu.memory_space<vmem_shared>>) offsets(%dma_start3A_632 : memref<128xi32, #tpu.memory_space<vmem>>) semaphore(%run_scoped3A_625 : memref<!tpu.dma_semaphore, #tpu.memory_space<semaphore_mem>>) {add = true}
        %dma_wait3A_636 = arith.constant 0 : i32
        %dma_wait3A_637 = arith.constant 0 : i32
        %dma_wait3A_638 = tpu.memref_slice %arg6[%run_scoped3A_615, %dma_wait3A_636, %dma_wait3A_637] : memref<2x128x128xf32, #tpu.memory_space<vmem>> -> memref<1x128x128xf32, #tpu.memory_space<vmem>>
        %dma_wait3A_639 = tpu.memref_squeeze %dma_wait3A_638 : memref<1x128x128xf32, #tpu.memory_space<vmem>> -> memref<128x128xf32, #tpu.memory_space<vmem>>
        %dma_wait3A_640 = arith.constant 0 : i32
        %dma_wait3A_641 = tpu.memref_slice %arg5[%run_scoped3A_616, %run_scoped3A_617, %dma_wait3A_640] : memref<4x2x128xi32, #tpu.memory_space<vmem>> -> memref<1x1x128xi32, #tpu.memory_space<vmem>>
        %dma_wait3A_642 = tpu.memref_squeeze %dma_wait3A_641 : memref<1x1x128xi32, #tpu.memory_space<vmem>> -> memref<128xi32, #tpu.memory_space<vmem>>
        %dma_wait3A_643 = arith.constant 0 : i32
        %dma_wait3A_644 = arith.constant 0 : i32
        %dma_wait3A_645 = tpu.memref_slice %arg7[%dma_wait3A_643, %dma_wait3A_644] : memref<10240x128xf32, #tpu.memory_space<vmem_shared>> -> memref<10240x128xf32, #tpu.memory_space<vmem_shared>>
        tpu.wait_indirect_dma semaphore(%run_scoped3A_625 : memref<!tpu.dma_semaphore, #tpu.memory_space<semaphore_mem>>) src(%dma_wait3A_639 : memref<128x128xf32, #tpu.memory_space<vmem>>) dst(%dma_wait3A_645 : memref<10240x128xf32, #tpu.memory_space<vmem_shared>>)
        tpu.yield
      }) : () -> ()
      %add3A_618 = arith.constant 7 : i32
      %add3A_619 = arith.addi %add3A_296, %add3A_618 : i32
      %lt3A_620 = arith.constant 78 : i32
      %lt3A_621 = arith.cmpi slt, %add3A_619, %lt3A_620 : i32
      %convert_element_type3A_622 = arith.extui %lt3A_621 : i1 to i32
      %cond3A_623 = arith.constant 0 : i32
      %cond3A_624 = arith.cmpi ne, %convert_element_type3A_622, %cond3A_623 : i32
      scf.if %cond3A_624 {
        %add3A_625 = arith.addi %mul3A_31, %add3A_296 : i32
        %add3A_626 = arith.constant 7 : i32
        %add3A_627 = arith.addi %add3A_625, %add3A_626 : i32
        %mul3A_628 = arith.constant 128 : i32
        %mul3A_629 = arith.muli %add3A_627, %mul3A_628 : i32
        %dma_start3A_630 = arith.constant 0 : i32
        %dma_start3A_631 = arith.constant 3 : i32
        %dma_start3A_632 = arith.constant 0 : i32
        %dma_start3A_633 = arith.constant 0 : i32
        %dma_start3A_634 = tpu.memref_slice %arg5[%dma_start3A_631, %dma_start3A_632, %dma_start3A_633] : memref<4x2x128xi32, #tpu.memory_space<vmem>> -> memref<1x1x128xi32, #tpu.memory_space<vmem>>
        %dma_start3A_635 = tpu.memref_squeeze %dma_start3A_634 : memref<1x1x128xi32, #tpu.memory_space<vmem>> -> memref<128xi32, #tpu.memory_space<vmem>>
        %dma_start3A_636 = tpu.memref_slice %arg3[%dma_start3A_630, %mul3A_629] : memref<2x320000xi32, #tpu.memory_space<hbm>> -> memref<1x128xi32, #tpu.memory_space<hbm>>
        %dma_start3A_637 = tpu.memref_squeeze %dma_start3A_636 : memref<1x128xi32, #tpu.memory_space<hbm>> -> memref<128xi32, #tpu.memory_space<hbm>>
        %dma_start3A_638 = arith.constant 0 : i32
        %dma_start3A_639 = tpu.memref_slice %arg5[%dma_start3A_631, %dma_start3A_632, %dma_start3A_638] : memref<4x2x128xi32, #tpu.memory_space<vmem>> -> memref<1x1x128xi32, #tpu.memory_space<vmem>>
        %dma_start3A_640 = tpu.memref_squeeze %dma_start3A_639 : memref<1x1x128xi32, #tpu.memory_space<vmem>> -> memref<128xi32, #tpu.memory_space<vmem>>
        %dma_start3A_641 = tpu.memref_slice %arg3[%dma_start3A_630, %mul3A_629] : memref<2x320000xi32, #tpu.memory_space<hbm>> -> memref<1x128xi32, #tpu.memory_space<hbm>>
        %dma_start3A_642 = tpu.memref_squeeze %dma_start3A_641 : memref<1x128xi32, #tpu.memory_space<hbm>> -> memref<128xi32, #tpu.memory_space<hbm>>
        tpu.enqueue_dma source(%dma_start3A_642 : memref<128xi32, #tpu.memory_space<hbm>>) target(%dma_start3A_640 : memref<128xi32, #tpu.memory_space<vmem>>) target_semaphore(%arg11 : memref<!tpu.dma_semaphore, #tpu.memory_space<semaphore_mem>>)
        %mul3A_643 = arith.constant 128 : i32
        %mul3A_644 = arith.muli %add3A_627, %mul3A_643 : i32
        %dma_start3A_645 = arith.constant 1 : i32
        %dma_start3A_646 = arith.constant 3 : i32
        %dma_start3A_647 = arith.constant 1 : i32
        %dma_start3A_648 = arith.constant 0 : i32
        %dma_start3A_649 = tpu.memref_slice %arg5[%dma_start3A_646, %dma_start3A_647, %dma_start3A_648] : memref<4x2x128xi32, #tpu.memory_space<vmem>> -> memref<1x1x128xi32, #tpu.memory_space<vmem>>
        %dma_start3A_650 = tpu.memref_squeeze %dma_start3A_649 : memref<1x1x128xi32, #tpu.memory_space<vmem>> -> memref<128xi32, #tpu.memory_space<vmem>>
        %dma_start3A_651 = tpu.memref_slice %arg3[%dma_start3A_645, %mul3A_644] : memref<2x320000xi32, #tpu.memory_space<hbm>> -> memref<1x128xi32, #tpu.memory_space<hbm>>
        %dma_start3A_652 = tpu.memref_squeeze %dma_start3A_651 : memref<1x128xi32, #tpu.memory_space<hbm>> -> memref<128xi32, #tpu.memory_space<hbm>>
        %dma_start3A_653 = arith.constant 0 : i32
        %dma_start3A_654 = tpu.memref_slice %arg5[%dma_start3A_646, %dma_start3A_647, %dma_start3A_653] : memref<4x2x128xi32, #tpu.memory_space<vmem>> -> memref<1x1x128xi32, #tpu.memory_space<vmem>>
        %dma_start3A_655 = tpu.memref_squeeze %dma_start3A_654 : memref<1x1x128xi32, #tpu.memory_space<vmem>> -> memref<128xi32, #tpu.memory_space<vmem>>
        %dma_start3A_656 = tpu.memref_slice %arg3[%dma_start3A_645, %mul3A_644] : memref<2x320000xi32, #tpu.memory_space<hbm>> -> memref<1x128xi32, #tpu.memory_space<hbm>>
        %dma_start3A_657 = tpu.memref_squeeze %dma_start3A_656 : memref<1x128xi32, #tpu.memory_space<hbm>> -> memref<128xi32, #tpu.memory_space<hbm>>
        tpu.enqueue_dma source(%dma_start3A_657 : memref<128xi32, #tpu.memory_space<hbm>>) target(%dma_start3A_655 : memref<128xi32, #tpu.memory_space<vmem>>) target_semaphore(%arg11 : memref<!tpu.dma_semaphore, #tpu.memory_space<semaphore_mem>>)
      } else {
      }
    }
    %scan3A_205 = arith.constant 19 : i32
    %add3A_206 = arith.constant 76 : i32
    %add3A_207 = arith.addi %mul3A_31, %add3A_206 : i32
    %add3A_208 = arith.constant 1 : i32
    %add3A_209 = arith.addi %add3A_207, %add3A_208 : i32
    %mul3A_210 = arith.constant 128 : i32
    %mul3A_211 = arith.muli %add3A_209, %mul3A_210 : i32
    %dma_wait3A_212 = arith.constant 0 : i32
    %dma_wait3A_213 = arith.constant 1 : i32
    %dma_wait3A_214 = arith.constant 0 : i32
    %dma_wait3A_215 = arith.constant 0 : i32
    %dma_wait3A_216 = tpu.memref_slice %arg5[%dma_wait3A_213, %dma_wait3A_214, %dma_wait3A_215] : memref<4x2x128xi32, #tpu.memory_space<vmem>> -> memref<1x1x128xi32, #tpu.memory_space<vmem>>
    %dma_wait3A_217 = tpu.memref_squeeze %dma_wait3A_216 : memref<1x1x128xi32, #tpu.memory_space<vmem>> -> memref<128xi32, #tpu.memory_space<vmem>>
    %dma_wait3A_218 = tpu.memref_slice %arg3[%dma_wait3A_212, %mul3A_211] : memref<2x320000xi32, #tpu.memory_space<hbm>> -> memref<1x128xi32, #tpu.memory_space<hbm>>
    %dma_wait3A_219 = tpu.memref_squeeze %dma_wait3A_218 : memref<1x128xi32, #tpu.memory_space<hbm>> -> memref<128xi32, #tpu.memory_space<hbm>>
    %dma_wait3A_220 = arith.constant 0 : i32
    %dma_wait3A_221 = tpu.memref_slice %arg5[%dma_wait3A_213, %dma_wait3A_214, %dma_wait3A_220] : memref<4x2x128xi32, #tpu.memory_space<vmem>> -> memref<1x1x128xi32, #tpu.memory_space<vmem>>
    %dma_wait3A_222 = tpu.memref_squeeze %dma_wait3A_221 : memref<1x1x128xi32, #tpu.memory_space<vmem>> -> memref<128xi32, #tpu.memory_space<vmem>>
    %dma_wait3A_223 = tpu.memref_slice %arg3[%dma_wait3A_212, %mul3A_211] : memref<2x320000xi32, #tpu.memory_space<hbm>> -> memref<1x128xi32, #tpu.memory_space<hbm>>
    %dma_wait3A_224 = tpu.memref_squeeze %dma_wait3A_223 : memref<1x128xi32, #tpu.memory_space<hbm>> -> memref<128xi32, #tpu.memory_space<hbm>>
    tpu.wait_dma2 semaphore(%arg9 : memref<!tpu.dma_semaphore, #tpu.memory_space<semaphore_mem>>) src(%dma_wait3A_224 : memref<128xi32, #tpu.memory_space<hbm>>) dst(%dma_wait3A_222 : memref<128xi32, #tpu.memory_space<vmem>>)
    %mul3A_225 = arith.constant 128 : i32
    %mul3A_226 = arith.muli %add3A_209, %mul3A_225 : i32
    %dma_wait3A_227 = arith.constant 1 : i32
    %dma_wait3A_228 = arith.constant 1 : i32
    %dma_wait3A_229 = arith.constant 1 : i32
    %dma_wait3A_230 = arith.constant 0 : i32
    %dma_wait3A_231 = tpu.memref_slice %arg5[%dma_wait3A_228, %dma_wait3A_229, %dma_wait3A_230] : memref<4x2x128xi32, #tpu.memory_space<vmem>> -> memref<1x1x128xi32, #tpu.memory_space<vmem>>
    %dma_wait3A_232 = tpu.memref_squeeze %dma_wait3A_231 : memref<1x1x128xi32, #tpu.memory_space<vmem>> -> memref<128xi32, #tpu.memory_space<vmem>>
    %dma_wait3A_233 = tpu.memref_slice %arg3[%dma_wait3A_227, %mul3A_226] : memref<2x320000xi32, #tpu.memory_space<hbm>> -> memref<1x128xi32, #tpu.memory_space<hbm>>
    %dma_wait3A_234 = tpu.memref_squeeze %dma_wait3A_233 : memref<1x128xi32, #tpu.memory_space<hbm>> -> memref<128xi32, #tpu.memory_space<hbm>>
    %dma_wait3A_235 = arith.constant 0 : i32
    %dma_wait3A_236 = tpu.memref_slice %arg5[%dma_wait3A_228, %dma_wait3A_229, %dma_wait3A_235] : memref<4x2x128xi32, #tpu.memory_space<vmem>> -> memref<1x1x128xi32, #tpu.memory_space<vmem>>
    %dma_wait3A_237 = tpu.memref_squeeze %dma_wait3A_236 : memref<1x1x128xi32, #tpu.memory_space<vmem>> -> memref<128xi32, #tpu.memory_space<vmem>>
    %dma_wait3A_238 = tpu.memref_slice %arg3[%dma_wait3A_227, %mul3A_226] : memref<2x320000xi32, #tpu.memory_space<hbm>> -> memref<1x128xi32, #tpu.memory_space<hbm>>
    %dma_wait3A_239 = tpu.memref_squeeze %dma_wait3A_238 : memref<1x128xi32, #tpu.memory_space<hbm>> -> memref<128xi32, #tpu.memory_space<hbm>>
    tpu.wait_dma2 semaphore(%arg9 : memref<!tpu.dma_semaphore, #tpu.memory_space<semaphore_mem>>) src(%dma_wait3A_239 : memref<128xi32, #tpu.memory_space<hbm>>) dst(%dma_wait3A_237 : memref<128xi32, #tpu.memory_space<vmem>>)
    %dma_start3A_240 = arith.constant 1 : i32
    %dma_start3A_241 = arith.constant 0 : i32
    %dma_start3A_242 = arith.constant 1 : i32
    %dma_start3A_243 = arith.constant 0 : i32
    %dma_start3A_244 = arith.constant 0 : i32
    %dma_start3A_245 = tpu.memref_slice %arg6[%dma_start3A_242, %dma_start3A_243, %dma_start3A_244] : memref<2x128x128xf32, #tpu.memory_space<vmem>> -> memref<1x128x128xf32, #tpu.memory_space<vmem>>
    %dma_start3A_246 = tpu.memref_squeeze %dma_start3A_245 : memref<1x128x128xf32, #tpu.memory_space<vmem>> -> memref<128x128xf32, #tpu.memory_space<vmem>>
    %dma_start3A_247 = arith.constant 0 : i32
    %dma_start3A_248 = tpu.memref_slice %arg5[%dma_start3A_240, %dma_start3A_241, %dma_start3A_247] : memref<4x2x128xi32, #tpu.memory_space<vmem>> -> memref<1x1x128xi32, #tpu.memory_space<vmem>>
    %dma_start3A_249 = tpu.memref_squeeze %dma_start3A_248 : memref<1x1x128xi32, #tpu.memory_space<vmem>> -> memref<128xi32, #tpu.memory_space<vmem>>
    %dma_start3A_250 = arith.constant 0 : i32
    %dma_start3A_251 = arith.constant 0 : i32
    %dma_start3A_252 = tpu.memref_slice %arg2[%dma_start3A_250, %dma_start3A_251] : memref<10240x128xf32, #tpu.memory_space<hbm>> -> memref<10240x128xf32, #tpu.memory_space<hbm>>
    tpu.enqueue_indirect_dma source(%dma_start3A_252 : memref<10240x128xf32, #tpu.memory_space<hbm>>) target(%dma_start3A_246 : memref<128x128xf32, #tpu.memory_space<vmem>>) offsets(%dma_start3A_249 : memref<128xi32, #tpu.memory_space<vmem>>) semaphore(%arg13 : memref<!tpu.dma_semaphore, #tpu.memory_space<semaphore_mem>>)
    %dma_wait3A_253 = arith.constant 0 : i32
    %dma_wait3A_254 = arith.constant 0 : i32
    %dma_wait3A_255 = arith.constant 0 : i32
    %dma_wait3A_256 = arith.constant 0 : i32
    %dma_wait3A_257 = arith.constant 0 : i32
    %dma_wait3A_258 = tpu.memref_slice %arg6[%dma_wait3A_255, %dma_wait3A_256, %dma_wait3A_257] : memref<2x128x128xf32, #tpu.memory_space<vmem>> -> memref<1x128x128xf32, #tpu.memory_space<vmem>>
    %dma_wait3A_259 = tpu.memref_squeeze %dma_wait3A_258 : memref<1x128x128xf32, #tpu.memory_space<vmem>> -> memref<128x128xf32, #tpu.memory_space<vmem>>
    %dma_wait3A_260 = arith.constant 0 : i32
    %dma_wait3A_261 = tpu.memref_slice %arg5[%dma_wait3A_253, %dma_wait3A_254, %dma_wait3A_260] : memref<4x2x128xi32, #tpu.memory_space<vmem>> -> memref<1x1x128xi32, #tpu.memory_space<vmem>>
    %dma_wait3A_262 = tpu.memref_squeeze %dma_wait3A_261 : memref<1x1x128xi32, #tpu.memory_space<vmem>> -> memref<128xi32, #tpu.memory_space<vmem>>
    %dma_wait3A_263 = arith.constant 0 : i32
    %dma_wait3A_264 = arith.constant 0 : i32
    %dma_wait3A_265 = tpu.memref_slice %arg2[%dma_wait3A_263, %dma_wait3A_264] : memref<10240x128xf32, #tpu.memory_space<hbm>> -> memref<10240x128xf32, #tpu.memory_space<hbm>>
    tpu.wait_indirect_dma semaphore(%arg12 : memref<!tpu.dma_semaphore, #tpu.memory_space<semaphore_mem>>) src(%dma_wait3A_265 : memref<10240x128xf32, #tpu.memory_space<hbm>>) dst(%dma_wait3A_259 : memref<128x128xf32, #tpu.memory_space<vmem>>)
    %run_scoped3A_266 = arith.constant 0 : i32
    %run_scoped3A_267 = arith.constant 0 : i32
    %run_scoped3A_268 = arith.constant 1 : i32
    "tpu.region"() ({
      %run_scoped3A_292 = tpu.sem_alloc : memref<!tpu.dma_semaphore, #tpu.memory_space<semaphore_mem>>
      %dma_start3A_293 = arith.constant 0 : i32
      %dma_start3A_294 = arith.constant 0 : i32
      %dma_start3A_295 = tpu.memref_slice %arg6[%run_scoped3A_266, %dma_start3A_293, %dma_start3A_294] : memref<2x128x128xf32, #tpu.memory_space<vmem>> -> memref<1x128x128xf32, #tpu.memory_space<vmem>>
      %dma_start3A_296 = tpu.memref_squeeze %dma_start3A_295 : memref<1x128x128xf32, #tpu.memory_space<vmem>> -> memref<128x128xf32, #tpu.memory_space<vmem>>
      %dma_start3A_297 = arith.constant 0 : i32
      %dma_start3A_298 = tpu.memref_slice %arg5[%run_scoped3A_267, %run_scoped3A_268, %dma_start3A_297] : memref<4x2x128xi32, #tpu.memory_space<vmem>> -> memref<1x1x128xi32, #tpu.memory_space<vmem>>
      %dma_start3A_299 = tpu.memref_squeeze %dma_start3A_298 : memref<1x1x128xi32, #tpu.memory_space<vmem>> -> memref<128xi32, #tpu.memory_space<vmem>>
      %dma_start3A_300 = arith.constant 0 : i32
      %dma_start3A_301 = arith.constant 0 : i32
      %dma_start3A_302 = tpu.memref_slice %arg7[%dma_start3A_300, %dma_start3A_301] : memref<10240x128xf32, #tpu.memory_space<vmem_shared>> -> memref<10240x128xf32, #tpu.memory_space<vmem_shared>>
      tpu.enqueue_indirect_dma source(%dma_start3A_296 : memref<128x128xf32, #tpu.memory_space<vmem>>) target(%dma_start3A_302 : memref<10240x128xf32, #tpu.memory_space<vmem_shared>>) offsets(%dma_start3A_299 : memref<128xi32, #tpu.memory_space<vmem>>) semaphore(%run_scoped3A_292 : memref<!tpu.dma_semaphore, #tpu.memory_space<semaphore_mem>>) {add = true}
      %dma_wait3A_303 = arith.constant 0 : i32
      %dma_wait3A_304 = arith.constant 0 : i32
      %dma_wait3A_305 = tpu.memref_slice %arg6[%run_scoped3A_266, %dma_wait3A_303, %dma_wait3A_304] : memref<2x128x128xf32, #tpu.memory_space<vmem>> -> memref<1x128x128xf32, #tpu.memory_space<vmem>>
      %dma_wait3A_306 = tpu.memref_squeeze %dma_wait3A_305 : memref<1x128x128xf32, #tpu.memory_space<vmem>> -> memref<128x128xf32, #tpu.memory_space<vmem>>
      %dma_wait3A_307 = arith.constant 0 : i32
      %dma_wait3A_308 = tpu.memref_slice %arg5[%run_scoped3A_267, %run_scoped3A_268, %dma_wait3A_307] : memref<4x2x128xi32, #tpu.memory_space<vmem>> -> memref<1x1x128xi32, #tpu.memory_space<vmem>>
      %dma_wait3A_309 = tpu.memref_squeeze %dma_wait3A_308 : memref<1x1x128xi32, #tpu.memory_space<vmem>> -> memref<128xi32, #tpu.memory_space<vmem>>
      %dma_wait3A_310 = arith.constant 0 : i32
      %dma_wait3A_311 = arith.constant 0 : i32
      %dma_wait3A_312 = tpu.memref_slice %arg7[%dma_wait3A_310, %dma_wait3A_311] : memref<10240x128xf32, #tpu.memory_space<vmem_shared>> -> memref<10240x128xf32, #tpu.memory_space<vmem_shared>>
      tpu.wait_indirect_dma semaphore(%run_scoped3A_292 : memref<!tpu.dma_semaphore, #tpu.memory_space<semaphore_mem>>) src(%dma_wait3A_306 : memref<128x128xf32, #tpu.memory_space<vmem>>) dst(%dma_wait3A_312 : memref<10240x128xf32, #tpu.memory_space<vmem_shared>>)
      tpu.yield
    }) : () -> ()
    %dma_wait3A_269 = arith.constant 1 : i32
    %dma_wait3A_270 = arith.constant 0 : i32
    %dma_wait3A_271 = arith.constant 1 : i32
    %dma_wait3A_272 = arith.constant 0 : i32
    %dma_wait3A_273 = arith.constant 0 : i32
    %dma_wait3A_274 = tpu.memref_slice %arg6[%dma_wait3A_271, %dma_wait3A_272, %dma_wait3A_273] : memref<2x128x128xf32, #tpu.memory_space<vmem>> -> memref<1x128x128xf32, #tpu.memory_space<vmem>>
    %dma_wait3A_275 = tpu.memref_squeeze %dma_wait3A_274 : memref<1x128x128xf32, #tpu.memory_space<vmem>> -> memref<128x128xf32, #tpu.memory_space<vmem>>
    %dma_wait3A_276 = arith.constant 0 : i32
    %dma_wait3A_277 = tpu.memref_slice %arg5[%dma_wait3A_269, %dma_wait3A_270, %dma_wait3A_276] : memref<4x2x128xi32, #tpu.memory_space<vmem>> -> memref<1x1x128xi32, #tpu.memory_space<vmem>>
    %dma_wait3A_278 = tpu.memref_squeeze %dma_wait3A_277 : memref<1x1x128xi32, #tpu.memory_space<vmem>> -> memref<128xi32, #tpu.memory_space<vmem>>
    %dma_wait3A_279 = arith.constant 0 : i32
    %dma_wait3A_280 = arith.constant 0 : i32
    %dma_wait3A_281 = tpu.memref_slice %arg2[%dma_wait3A_279, %dma_wait3A_280] : memref<10240x128xf32, #tpu.memory_space<hbm>> -> memref<10240x128xf32, #tpu.memory_space<hbm>>
    tpu.wait_indirect_dma semaphore(%arg13 : memref<!tpu.dma_semaphore, #tpu.memory_space<semaphore_mem>>) src(%dma_wait3A_281 : memref<10240x128xf32, #tpu.memory_space<hbm>>) dst(%dma_wait3A_275 : memref<128x128xf32, #tpu.memory_space<vmem>>)
    %run_scoped3A_282 = arith.constant 1 : i32
    %run_scoped3A_283 = arith.constant 1 : i32
    %run_scoped3A_284 = arith.constant 1 : i32
    "tpu.region"() ({
      %run_scoped3A_292 = tpu.sem_alloc : memref<!tpu.dma_semaphore, #tpu.memory_space<semaphore_mem>>
      %dma_start3A_293 = arith.constant 0 : i32
      %dma_start3A_294 = arith.constant 0 : i32
      %dma_start3A_295 = tpu.memref_slice %arg6[%run_scoped3A_282, %dma_start3A_293, %dma_start3A_294] : memref<2x128x128xf32, #tpu.memory_space<vmem>> -> memref<1x128x128xf32, #tpu.memory_space<vmem>>
      %dma_start3A_296 = tpu.memref_squeeze %dma_start3A_295 : memref<1x128x128xf32, #tpu.memory_space<vmem>> -> memref<128x128xf32, #tpu.memory_space<vmem>>
      %dma_start3A_297 = arith.constant 0 : i32
      %dma_start3A_298 = tpu.memref_slice %arg5[%run_scoped3A_283, %run_scoped3A_284, %dma_start3A_297] : memref<4x2x128xi32, #tpu.memory_space<vmem>> -> memref<1x1x128xi32, #tpu.memory_space<vmem>>
      %dma_start3A_299 = tpu.memref_squeeze %dma_start3A_298 : memref<1x1x128xi32, #tpu.memory_space<vmem>> -> memref<128xi32, #tpu.memory_space<vmem>>
      %dma_start3A_300 = arith.constant 0 : i32
      %dma_start3A_301 = arith.constant 0 : i32
      %dma_start3A_302 = tpu.memref_slice %arg7[%dma_start3A_300, %dma_start3A_301] : memref<10240x128xf32, #tpu.memory_space<vmem_shared>> -> memref<10240x128xf32, #tpu.memory_space<vmem_shared>>
      tpu.enqueue_indirect_dma source(%dma_start3A_296 : memref<128x128xf32, #tpu.memory_space<vmem>>) target(%dma_start3A_302 : memref<10240x128xf32, #tpu.memory_space<vmem_shared>>) offsets(%dma_start3A_299 : memref<128xi32, #tpu.memory_space<vmem>>) semaphore(%run_scoped3A_292 : memref<!tpu.dma_semaphore, #tpu.memory_space<semaphore_mem>>) {add = true}
      %dma_wait3A_303 = arith.constant 0 : i32
      %dma_wait3A_304 = arith.constant 0 : i32
      %dma_wait3A_305 = tpu.memref_slice %arg6[%run_scoped3A_282, %dma_wait3A_303, %dma_wait3A_304] : memref<2x128x128xf32, #tpu.memory_space<vmem>> -> memref<1x128x128xf32, #tpu.memory_space<vmem>>
      %dma_wait3A_306 = tpu.memref_squeeze %dma_wait3A_305 : memref<1x128x128xf32, #tpu.memory_space<vmem>> -> memref<128x128xf32, #tpu.memory_space<vmem>>
      %dma_wait3A_307 = arith.constant 0 : i32
      %dma_wait3A_308 = tpu.memref_slice %arg5[%run_scoped3A_283, %run_scoped3A_284, %dma_wait3A_307] : memref<4x2x128xi32, #tpu.memory_space<vmem>> -> memref<1x1x128xi32, #tpu.memory_space<vmem>>
      %dma_wait3A_309 = tpu.memref_squeeze %dma_wait3A_308 : memref<1x1x128xi32, #tpu.memory_space<vmem>> -> memref<128xi32, #tpu.memory_space<vmem>>
      %dma_wait3A_310 = arith.constant 0 : i32
      %dma_wait3A_311 = arith.constant 0 : i32
      %dma_wait3A_312 = tpu.memref_slice %arg7[%dma_wait3A_310, %dma_wait3A_311] : memref<10240x128xf32, #tpu.memory_space<vmem_shared>> -> memref<10240x128xf32, #tpu.memory_space<vmem_shared>>
      tpu.wait_indirect_dma semaphore(%run_scoped3A_292 : memref<!tpu.dma_semaphore, #tpu.memory_space<semaphore_mem>>) src(%dma_wait3A_306 : memref<128x128xf32, #tpu.memory_space<vmem>>) dst(%dma_wait3A_312 : memref<10240x128xf32, #tpu.memory_space<vmem_shared>>)
      tpu.yield
    }) : () -> ()
    %lt3A = arith.constant 4 : i32
    %lt3A_285 = arith.cmpi slt, %add3A, %lt3A : i32
    %convert_element_type3A = arith.extui %lt3A_285 : i1 to i32
    %cond3A = arith.constant 0 : i32
    %cond3A_286 = arith.cmpi ne, %convert_element_type3A, %cond3A : i32
    scf.if %cond3A_286 {
      %add3A_292 = arith.constant 2496 : i32
      %add3A_293 = arith.addi %add3A_292, %add3A : i32
      %mul3A_294 = arith.constant 128 : i32
      %mul3A_295 = arith.muli %add3A_293, %mul3A_294 : i32
      %dma_start3A_296 = arith.constant 0 : i32
      %dma_start3A_297 = arith.constant 0 : i32
      %dma_start3A_298 = arith.constant 0 : i32
      %dma_start3A_299 = arith.constant 0 : i32
      %dma_start3A_300 = tpu.memref_slice %arg5[%dma_start3A_297, %dma_start3A_298, %dma_start3A_299] : memref<4x2x128xi32, #tpu.memory_space<vmem>> -> memref<1x1x128xi32, #tpu.memory_space<vmem>>
      %dma_start3A_301 = tpu.memref_squeeze %dma_start3A_300 : memref<1x1x128xi32, #tpu.memory_space<vmem>> -> memref<128xi32, #tpu.memory_space<vmem>>
      %dma_start3A_302 = tpu.memref_slice %arg3[%dma_start3A_296, %mul3A_295] : memref<2x320000xi32, #tpu.memory_space<hbm>> -> memref<1x128xi32, #tpu.memory_space<hbm>>
      %dma_start3A_303 = tpu.memref_squeeze %dma_start3A_302 : memref<1x128xi32, #tpu.memory_space<hbm>> -> memref<128xi32, #tpu.memory_space<hbm>>
      %dma_start3A_304 = arith.constant 0 : i32
      %dma_start3A_305 = tpu.memref_slice %arg5[%dma_start3A_297, %dma_start3A_298, %dma_start3A_304] : memref<4x2x128xi32, #tpu.memory_space<vmem>> -> memref<1x1x128xi32, #tpu.memory_space<vmem>>
      %dma_start3A_306 = tpu.memref_squeeze %dma_start3A_305 : memref<1x1x128xi32, #tpu.memory_space<vmem>> -> memref<128xi32, #tpu.memory_space<vmem>>
      %dma_start3A_307 = tpu.memref_slice %arg3[%dma_start3A_296, %mul3A_295] : memref<2x320000xi32, #tpu.memory_space<hbm>> -> memref<1x128xi32, #tpu.memory_space<hbm>>
      %dma_start3A_308 = tpu.memref_squeeze %dma_start3A_307 : memref<1x128xi32, #tpu.memory_space<hbm>> -> memref<128xi32, #tpu.memory_space<hbm>>
      tpu.enqueue_dma source(%dma_start3A_308 : memref<128xi32, #tpu.memory_space<hbm>>) target(%dma_start3A_306 : memref<128xi32, #tpu.memory_space<vmem>>) target_semaphore(%arg8 : memref<!tpu.dma_semaphore, #tpu.memory_space<semaphore_mem>>)
      %mul3A_309 = arith.constant 128 : i32
      %mul3A_310 = arith.muli %add3A_293, %mul3A_309 : i32
      %dma_start3A_311 = arith.constant 1 : i32
      %dma_start3A_312 = arith.constant 0 : i32
      %dma_start3A_313 = arith.constant 1 : i32
      %dma_start3A_314 = arith.constant 0 : i32
      %dma_start3A_315 = tpu.memref_slice %arg5[%dma_start3A_312, %dma_start3A_313, %dma_start3A_314] : memref<4x2x128xi32, #tpu.memory_space<vmem>> -> memref<1x1x128xi32, #tpu.memory_space<vmem>>
      %dma_start3A_316 = tpu.memref_squeeze %dma_start3A_315 : memref<1x1x128xi32, #tpu.memory_space<vmem>> -> memref<128xi32, #tpu.memory_space<vmem>>
      %dma_start3A_317 = tpu.memref_slice %arg3[%dma_start3A_311, %mul3A_310] : memref<2x320000xi32, #tpu.memory_space<hbm>> -> memref<1x128xi32, #tpu.memory_space<hbm>>
      %dma_start3A_318 = tpu.memref_squeeze %dma_start3A_317 : memref<1x128xi32, #tpu.memory_space<hbm>> -> memref<128xi32, #tpu.memory_space<hbm>>
      %dma_start3A_319 = arith.constant 0 : i32
      %dma_start3A_320 = tpu.memref_slice %arg5[%dma_start3A_312, %dma_start3A_313, %dma_start3A_319] : memref<4x2x128xi32, #tpu.memory_space<vmem>> -> memref<1x1x128xi32, #tpu.memory_space<vmem>>
      %dma_start3A_321 = tpu.memref_squeeze %dma_start3A_320 : memref<1x1x128xi32, #tpu.memory_space<vmem>> -> memref<128xi32, #tpu.memory_space<vmem>>
      %dma_start3A_322 = tpu.memref_slice %arg3[%dma_start3A_311, %mul3A_310] : memref<2x320000xi32, #tpu.memory_space<hbm>> -> memref<1x128xi32, #tpu.memory_space<hbm>>
      %dma_start3A_323 = tpu.memref_squeeze %dma_start3A_322 : memref<1x128xi32, #tpu.memory_space<hbm>> -> memref<128xi32, #tpu.memory_space<hbm>>
      tpu.enqueue_dma source(%dma_start3A_323 : memref<128xi32, #tpu.memory_space<hbm>>) target(%dma_start3A_321 : memref<128xi32, #tpu.memory_space<vmem>>) target_semaphore(%arg8 : memref<!tpu.dma_semaphore, #tpu.memory_space<semaphore_mem>>)
      %mul3A_324 = arith.constant 128 : i32
      %mul3A_325 = arith.muli %add3A_293, %mul3A_324 : i32
      %dma_wait3A_326 = arith.constant 0 : i32
      %dma_wait3A_327 = arith.constant 0 : i32
      %dma_wait3A_328 = arith.constant 0 : i32
      %dma_wait3A_329 = arith.constant 0 : i32
      %dma_wait3A_330 = tpu.memref_slice %arg5[%dma_wait3A_327, %dma_wait3A_328, %dma_wait3A_329] : memref<4x2x128xi32, #tpu.memory_space<vmem>> -> memref<1x1x128xi32, #tpu.memory_space<vmem>>
      %dma_wait3A_331 = tpu.memref_squeeze %dma_wait3A_330 : memref<1x1x128xi32, #tpu.memory_space<vmem>> -> memref<128xi32, #tpu.memory_space<vmem>>
      %dma_wait3A_332 = tpu.memref_slice %arg3[%dma_wait3A_326, %mul3A_325] : memref<2x320000xi32, #tpu.memory_space<hbm>> -> memref<1x128xi32, #tpu.memory_space<hbm>>
      %dma_wait3A_333 = tpu.memref_squeeze %dma_wait3A_332 : memref<1x128xi32, #tpu.memory_space<hbm>> -> memref<128xi32, #tpu.memory_space<hbm>>
      %dma_wait3A_334 = arith.constant 0 : i32
      %dma_wait3A_335 = tpu.memref_slice %arg5[%dma_wait3A_327, %dma_wait3A_328, %dma_wait3A_334] : memref<4x2x128xi32, #tpu.memory_space<vmem>> -> memref<1x1x128xi32, #tpu.memory_space<vmem>>
      %dma_wait3A_336 = tpu.memref_squeeze %dma_wait3A_335 : memref<1x1x128xi32, #tpu.memory_space<vmem>> -> memref<128xi32, #tpu.memory_space<vmem>>
      %dma_wait3A_337 = tpu.memref_slice %arg3[%dma_wait3A_326, %mul3A_325] : memref<2x320000xi32, #tpu.memory_space<hbm>> -> memref<1x128xi32, #tpu.memory_space<hbm>>
      %dma_wait3A_338 = tpu.memref_squeeze %dma_wait3A_337 : memref<1x128xi32, #tpu.memory_space<hbm>> -> memref<128xi32, #tpu.memory_space<hbm>>
      tpu.wait_dma2 semaphore(%arg8 : memref<!tpu.dma_semaphore, #tpu.memory_space<semaphore_mem>>) src(%dma_wait3A_338 : memref<128xi32, #tpu.memory_space<hbm>>) dst(%dma_wait3A_336 : memref<128xi32, #tpu.memory_space<vmem>>)
      %mul3A_339 = arith.constant 128 : i32
      %mul3A_340 = arith.muli %add3A_293, %mul3A_339 : i32
      %dma_wait3A_341 = arith.constant 1 : i32
      %dma_wait3A_342 = arith.constant 0 : i32
      %dma_wait3A_343 = arith.constant 1 : i32
      %dma_wait3A_344 = arith.constant 0 : i32
      %dma_wait3A_345 = tpu.memref_slice %arg5[%dma_wait3A_342, %dma_wait3A_343, %dma_wait3A_344] : memref<4x2x128xi32, #tpu.memory_space<vmem>> -> memref<1x1x128xi32, #tpu.memory_space<vmem>>
      %dma_wait3A_346 = tpu.memref_squeeze %dma_wait3A_345 : memref<1x1x128xi32, #tpu.memory_space<vmem>> -> memref<128xi32, #tpu.memory_space<vmem>>
      %dma_wait3A_347 = tpu.memref_slice %arg3[%dma_wait3A_341, %mul3A_340] : memref<2x320000xi32, #tpu.memory_space<hbm>> -> memref<1x128xi32, #tpu.memory_space<hbm>>
      %dma_wait3A_348 = tpu.memref_squeeze %dma_wait3A_347 : memref<1x128xi32, #tpu.memory_space<hbm>> -> memref<128xi32, #tpu.memory_space<hbm>>
      %dma_wait3A_349 = arith.constant 0 : i32
      %dma_wait3A_350 = tpu.memref_slice %arg5[%dma_wait3A_342, %dma_wait3A_343, %dma_wait3A_349] : memref<4x2x128xi32, #tpu.memory_space<vmem>> -> memref<1x1x128xi32, #tpu.memory_space<vmem>>
      %dma_wait3A_351 = tpu.memref_squeeze %dma_wait3A_350 : memref<1x1x128xi32, #tpu.memory_space<vmem>> -> memref<128xi32, #tpu.memory_space<vmem>>
      %dma_wait3A_352 = tpu.memref_slice %arg3[%dma_wait3A_341, %mul3A_340] : memref<2x320000xi32, #tpu.memory_space<hbm>> -> memref<1x128xi32, #tpu.memory_space<hbm>>
      %dma_wait3A_353 = tpu.memref_squeeze %dma_wait3A_352 : memref<1x128xi32, #tpu.memory_space<hbm>> -> memref<128xi32, #tpu.memory_space<hbm>>
      tpu.wait_dma2 semaphore(%arg8 : memref<!tpu.dma_semaphore, #tpu.memory_space<semaphore_mem>>) src(%dma_wait3A_353 : memref<128xi32, #tpu.memory_space<hbm>>) dst(%dma_wait3A_351 : memref<128xi32, #tpu.memory_space<vmem>>)
      %dma_start3A_354 = arith.constant 0 : i32
      %dma_start3A_355 = arith.constant 0 : i32
      %dma_start3A_356 = arith.constant 0 : i32
      %dma_start3A_357 = arith.constant 0 : i32
      %dma_start3A_358 = arith.constant 0 : i32
      %dma_start3A_359 = tpu.memref_slice %arg6[%dma_start3A_356, %dma_start3A_357, %dma_start3A_358] : memref<2x128x128xf32, #tpu.memory_space<vmem>> -> memref<1x128x128xf32, #tpu.memory_space<vmem>>
      %dma_start3A_360 = tpu.memref_squeeze %dma_start3A_359 : memref<1x128x128xf32, #tpu.memory_space<vmem>> -> memref<128x128xf32, #tpu.memory_space<vmem>>
      %dma_start3A_361 = arith.constant 0 : i32
      %dma_start3A_362 = tpu.memref_slice %arg5[%dma_start3A_354, %dma_start3A_355, %dma_start3A_361] : memref<4x2x128xi32, #tpu.memory_space<vmem>> -> memref<1x1x128xi32, #tpu.memory_space<vmem>>
      %dma_start3A_363 = tpu.memref_squeeze %dma_start3A_362 : memref<1x1x128xi32, #tpu.memory_space<vmem>> -> memref<128xi32, #tpu.memory_space<vmem>>
      %dma_start3A_364 = arith.constant 0 : i32
      %dma_start3A_365 = arith.constant 0 : i32
      %dma_start3A_366 = tpu.memref_slice %arg2[%dma_start3A_364, %dma_start3A_365] : memref<10240x128xf32, #tpu.memory_space<hbm>> -> memref<10240x128xf32, #tpu.memory_space<hbm>>
      tpu.enqueue_indirect_dma source(%dma_start3A_366 : memref<10240x128xf32, #tpu.memory_space<hbm>>) target(%dma_start3A_360 : memref<128x128xf32, #tpu.memory_space<vmem>>) offsets(%dma_start3A_363 : memref<128xi32, #tpu.memory_space<vmem>>) semaphore(%arg12 : memref<!tpu.dma_semaphore, #tpu.memory_space<semaphore_mem>>)
      %dma_wait3A_367 = arith.constant 0 : i32
      %dma_wait3A_368 = arith.constant 0 : i32
      %dma_wait3A_369 = arith.constant 0 : i32
      %dma_wait3A_370 = arith.constant 0 : i32
      %dma_wait3A_371 = arith.constant 0 : i32
      %dma_wait3A_372 = tpu.memref_slice %arg6[%dma_wait3A_369, %dma_wait3A_370, %dma_wait3A_371] : memref<2x128x128xf32, #tpu.memory_space<vmem>> -> memref<1x128x128xf32, #tpu.memory_space<vmem>>
      %dma_wait3A_373 = tpu.memref_squeeze %dma_wait3A_372 : memref<1x128x128xf32, #tpu.memory_space<vmem>> -> memref<128x128xf32, #tpu.memory_space<vmem>>
      %dma_wait3A_374 = arith.constant 0 : i32
      %dma_wait3A_375 = tpu.memref_slice %arg5[%dma_wait3A_367, %dma_wait3A_368, %dma_wait3A_374] : memref<4x2x128xi32, #tpu.memory_space<vmem>> -> memref<1x1x128xi32, #tpu.memory_space<vmem>>
      %dma_wait3A_376 = tpu.memref_squeeze %dma_wait3A_375 : memref<1x1x128xi32, #tpu.memory_space<vmem>> -> memref<128xi32, #tpu.memory_space<vmem>>
      %dma_wait3A_377 = arith.constant 0 : i32
      %dma_wait3A_378 = arith.constant 0 : i32
      %dma_wait3A_379 = tpu.memref_slice %arg2[%dma_wait3A_377, %dma_wait3A_378] : memref<10240x128xf32, #tpu.memory_space<hbm>> -> memref<10240x128xf32, #tpu.memory_space<hbm>>
      tpu.wait_indirect_dma semaphore(%arg12 : memref<!tpu.dma_semaphore, #tpu.memory_space<semaphore_mem>>) src(%dma_wait3A_379 : memref<10240x128xf32, #tpu.memory_space<hbm>>) dst(%dma_wait3A_373 : memref<128x128xf32, #tpu.memory_space<vmem>>)
      %run_scoped3A_380 = arith.constant 0 : i32
      %run_scoped3A_381 = arith.constant 0 : i32
      %run_scoped3A_382 = arith.constant 1 : i32
      "tpu.region"() ({
        %run_scoped3A_383 = tpu.sem_alloc : memref<!tpu.dma_semaphore, #tpu.memory_space<semaphore_mem>>
        %dma_start3A_384 = arith.constant 0 : i32
        %dma_start3A_385 = arith.constant 0 : i32
        %dma_start3A_386 = tpu.memref_slice %arg6[%run_scoped3A_380, %dma_start3A_384, %dma_start3A_385] : memref<2x128x128xf32, #tpu.memory_space<vmem>> -> memref<1x128x128xf32, #tpu.memory_space<vmem>>
        %dma_start3A_387 = tpu.memref_squeeze %dma_start3A_386 : memref<1x128x128xf32, #tpu.memory_space<vmem>> -> memref<128x128xf32, #tpu.memory_space<vmem>>
        %dma_start3A_388 = arith.constant 0 : i32
        %dma_start3A_389 = tpu.memref_slice %arg5[%run_scoped3A_381, %run_scoped3A_382, %dma_start3A_388] : memref<4x2x128xi32, #tpu.memory_space<vmem>> -> memref<1x1x128xi32, #tpu.memory_space<vmem>>
        %dma_start3A_390 = tpu.memref_squeeze %dma_start3A_389 : memref<1x1x128xi32, #tpu.memory_space<vmem>> -> memref<128xi32, #tpu.memory_space<vmem>>
        %dma_start3A_391 = arith.constant 0 : i32
        %dma_start3A_392 = arith.constant 0 : i32
        %dma_start3A_393 = tpu.memref_slice %arg7[%dma_start3A_391, %dma_start3A_392] : memref<10240x128xf32, #tpu.memory_space<vmem_shared>> -> memref<10240x128xf32, #tpu.memory_space<vmem_shared>>
        tpu.enqueue_indirect_dma source(%dma_start3A_387 : memref<128x128xf32, #tpu.memory_space<vmem>>) target(%dma_start3A_393 : memref<10240x128xf32, #tpu.memory_space<vmem_shared>>) offsets(%dma_start3A_390 : memref<128xi32, #tpu.memory_space<vmem>>) semaphore(%run_scoped3A_383 : memref<!tpu.dma_semaphore, #tpu.memory_space<semaphore_mem>>) {add = true}
        %dma_wait3A_394 = arith.constant 0 : i32
        %dma_wait3A_395 = arith.constant 0 : i32
        %dma_wait3A_396 = tpu.memref_slice %arg6[%run_scoped3A_380, %dma_wait3A_394, %dma_wait3A_395] : memref<2x128x128xf32, #tpu.memory_space<vmem>> -> memref<1x128x128xf32, #tpu.memory_space<vmem>>
        %dma_wait3A_397 = tpu.memref_squeeze %dma_wait3A_396 : memref<1x128x128xf32, #tpu.memory_space<vmem>> -> memref<128x128xf32, #tpu.memory_space<vmem>>
        %dma_wait3A_398 = arith.constant 0 : i32
        %dma_wait3A_399 = tpu.memref_slice %arg5[%run_scoped3A_381, %run_scoped3A_382, %dma_wait3A_398] : memref<4x2x128xi32, #tpu.memory_space<vmem>> -> memref<1x1x128xi32, #tpu.memory_space<vmem>>
        %dma_wait3A_400 = tpu.memref_squeeze %dma_wait3A_399 : memref<1x1x128xi32, #tpu.memory_space<vmem>> -> memref<128xi32, #tpu.memory_space<vmem>>
        %dma_wait3A_401 = arith.constant 0 : i32
        %dma_wait3A_402 = arith.constant 0 : i32
        %dma_wait3A_403 = tpu.memref_slice %arg7[%dma_wait3A_401, %dma_wait3A_402] : memref<10240x128xf32, #tpu.memory_space<vmem_shared>> -> memref<10240x128xf32, #tpu.memory_space<vmem_shared>>
        tpu.wait_indirect_dma semaphore(%run_scoped3A_383 : memref<!tpu.dma_semaphore, #tpu.memory_space<semaphore_mem>>) src(%dma_wait3A_397 : memref<128x128xf32, #tpu.memory_space<vmem>>) dst(%dma_wait3A_403 : memref<10240x128xf32, #tpu.memory_space<vmem_shared>>)
        tpu.yield
      }) : () -> ()
    } else {
    }
    %barrier3A_287 = arith.constant 0 : index
    tpu.barrier barrier_id(%barrier3A_287)
    %mul3A_288 = arith.constant 640 : i32
    %mul3A_289 = arith.muli %arg1, %mul3A_288 : i32
    %mul3A_290 = arith.constant 640 : i32
    %mul3A_291 = arith.muli %arg1, %mul3A_290 : i32
    "tpu.region"() ({
      %run_scoped3A_292 = tpu.sem_alloc : memref<!tpu.dma_semaphore, #tpu.memory_space<semaphore_mem>>
      %dma_start3A_293 = arith.constant 0 : i32
      %dma_start3A_294 = tpu.memref_slice %arg4[%arg0, %mul3A_291, %dma_start3A_293] : memref<2x10240x128xf32, #tpu.memory_space<hbm>> -> memref<1x640x128xf32, #tpu.memory_space<hbm>>
      %dma_start3A_295 = tpu.memref_squeeze %dma_start3A_294 : memref<1x640x128xf32, #tpu.memory_space<hbm>> -> memref<640x128xf32, #tpu.memory_space<hbm>>
      %dma_start3A_296 = arith.constant 0 : i32
      %dma_start3A_297 = tpu.memref_slice %arg7[%mul3A_289, %dma_start3A_296] : memref<10240x128xf32, #tpu.memory_space<vmem_shared>> -> memref<640x128xf32, #tpu.memory_space<vmem_shared>>
      tpu.enqueue_dma source(%dma_start3A_297 : memref<640x128xf32, #tpu.memory_space<vmem_shared>>) target(%dma_start3A_295 : memref<640x128xf32, #tpu.memory_space<hbm>>) target_semaphore(%run_scoped3A_292 : memref<!tpu.dma_semaphore, #tpu.memory_space<semaphore_mem>>)
      %dma_wait3A_298 = arith.constant 0 : i32
      %dma_wait3A_299 = tpu.memref_slice %arg4[%arg0, %mul3A_291, %dma_wait3A_298] : memref<2x10240x128xf32, #tpu.memory_space<hbm>> -> memref<1x640x128xf32, #tpu.memory_space<hbm>>
      %dma_wait3A_300 = tpu.memref_squeeze %dma_wait3A_299 : memref<1x640x128xf32, #tpu.memory_space<hbm>> -> memref<640x128xf32, #tpu.memory_space<hbm>>
      %dma_wait3A_301 = arith.constant 0 : i32
      %dma_wait3A_302 = tpu.memref_slice %arg7[%mul3A_289, %dma_wait3A_301] : memref<10240x128xf32, #tpu.memory_space<vmem_shared>> -> memref<640x128xf32, #tpu.memory_space<vmem_shared>>
      tpu.wait_dma2 semaphore(%run_scoped3A_292 : memref<!tpu.dma_semaphore, #tpu.memory_space<semaphore_mem>>) src(%dma_wait3A_302 : memref<640x128xf32, #tpu.memory_space<vmem_shared>>) dst(%dma_wait3A_300 : memref<640x128xf32, #tpu.memory_space<hbm>>)
      tpu.yield
    }) : () -> ()
    return
  }
}

#map = affine_map<(d0, d1) -> (0, 0)>
module attributes {stable_mosaic.version = 14 : i64} {
  func.func @hist_kernel(%arg0: i32, %arg1: i32, %arg2: memref<2x320000xi32, #tpu.memory_space<hbm>>, %arg3: memref<2x10240xf32, #tpu.memory_space<hbm>>, %arg4: memref<9984xi32, #tpu.memory_space<vmem>>, %arg5: memref<79x128xi32, #tpu.memory_space<vmem>>, %arg6: memref<128xf32, #tpu.memory_space<vmem>>, %arg7: memref<640xf32, #tpu.memory_space<vmem>>, %arg8: memref<10240xf32, #tpu.memory_space<vmem_shared>>, %arg9: memref<!tpu.dma_semaphore, #tpu.memory_space<semaphore_mem>>) attributes {dimension_semantics = [#tpu.dimension_semantics<core_parallel>, #tpu.dimension_semantics<subcore_parallel>], iteration_bounds = array<i64: 2, 16>, scalar_prefetch = 0 : i64, scratch_operands = 6 : i64, tpu.core_type = #tpu.core_type<sc_vector_subcore>, window_params = [{transform_indices = #map}, {transform_indices = #map}]} {
    %mul3A = arith.constant 16 : i32
    %mul3A_0 = arith.muli %arg0, %mul3A : i32
    %add3A = arith.addi %mul3A_0, %arg1 : i32
    %mul3A_1 = arith.constant 78 : i32
    %mul3A_2 = arith.muli %add3A, %mul3A_1 : i32
    %mul3A_3 = arith.constant 128 : i32
    %mul3A_4 = arith.muli %mul3A_2, %mul3A_3 : i32
    %dma_start3A = arith.constant 1 : i32
    %dma_start3A_5 = tpu.memref_slice %arg2[%dma_start3A, %mul3A_4] : memref<2x320000xi32, #tpu.memory_space<hbm>> -> memref<1x9984xi32, #tpu.memory_space<hbm>>
    %dma_start3A_6 = tpu.memref_squeeze %dma_start3A_5 : memref<1x9984xi32, #tpu.memory_space<hbm>> -> memref<9984xi32, #tpu.memory_space<hbm>>
    %dma_start3A_7 = tpu.memref_slice %arg2[%dma_start3A, %mul3A_4] : memref<2x320000xi32, #tpu.memory_space<hbm>> -> memref<1x9984xi32, #tpu.memory_space<hbm>>
    %dma_start3A_8 = tpu.memref_squeeze %dma_start3A_7 : memref<1x9984xi32, #tpu.memory_space<hbm>> -> memref<9984xi32, #tpu.memory_space<hbm>>
    tpu.enqueue_dma source(%dma_start3A_8 : memref<9984xi32, #tpu.memory_space<hbm>>) target(%arg4 : memref<9984xi32, #tpu.memory_space<vmem>>) target_semaphore(%arg9 : memref<!tpu.dma_semaphore, #tpu.memory_space<semaphore_mem>>)
    %broadcast_in_dim3A = arith.constant 1.000000e+00 : f32
    %broadcast_in_dim3A_9 = vector.broadcast %broadcast_in_dim3A : f32 to vector<16xf32>
    %broadcast_in_dim3A_10 = arith.constant 0.000000e+00 : f32
    %broadcast_in_dim3A_11 = vector.broadcast %broadcast_in_dim3A_10 : f32 to vector<16xf32>
    %swap3A = arith.constant 0 : index
    %swap3A_12 = tpu.vector_load %arg6[%swap3A] {strides = array<i32>} : memref<128xf32, #tpu.memory_space<vmem>>, vector<16xf32>,
    %swap3A_13 = vector.shape_cast %swap3A_12 : vector<16xf32> to vector<16xf32>
    %swap3A_14 = vector.shape_cast %broadcast_in_dim3A_9 : vector<16xf32> to vector<16xf32>
    tpu.vector_store %arg6[%swap3A], %swap3A_14 {strides = array<i32>} : memref<128xf32, #tpu.memory_space<vmem>>, vector<16xf32>,
    %swap3A_15 = arith.constant 16 : index
    %swap3A_16 = tpu.vector_load %arg6[%swap3A_15] {strides = array<i32>} : memref<128xf32, #tpu.memory_space<vmem>>, vector<16xf32>,
    %swap3A_17 = vector.shape_cast %swap3A_16 : vector<16xf32> to vector<16xf32>
    %swap3A_18 = vector.shape_cast %broadcast_in_dim3A_9 : vector<16xf32> to vector<16xf32>
    tpu.vector_store %arg6[%swap3A_15], %swap3A_18 {strides = array<i32>} : memref<128xf32, #tpu.memory_space<vmem>>, vector<16xf32>,
    %swap3A_19 = arith.constant 32 : index
    %swap3A_20 = tpu.vector_load %arg6[%swap3A_19] {strides = array<i32>} : memref<128xf32, #tpu.memory_space<vmem>>, vector<16xf32>,
    %swap3A_21 = vector.shape_cast %swap3A_20 : vector<16xf32> to vector<16xf32>
    %swap3A_22 = vector.shape_cast %broadcast_in_dim3A_9 : vector<16xf32> to vector<16xf32>
    tpu.vector_store %arg6[%swap3A_19], %swap3A_22 {strides = array<i32>} : memref<128xf32, #tpu.memory_space<vmem>>, vector<16xf32>,
    %swap3A_23 = arith.constant 48 : index
    %swap3A_24 = tpu.vector_load %arg6[%swap3A_23] {strides = array<i32>} : memref<128xf32, #tpu.memory_space<vmem>>, vector<16xf32>,
    %swap3A_25 = vector.shape_cast %swap3A_24 : vector<16xf32> to vector<16xf32>
    %swap3A_26 = vector.shape_cast %broadcast_in_dim3A_9 : vector<16xf32> to vector<16xf32>
    tpu.vector_store %arg6[%swap3A_23], %swap3A_26 {strides = array<i32>} : memref<128xf32, #tpu.memory_space<vmem>>, vector<16xf32>,
    %swap3A_27 = arith.constant 64 : index
    %swap3A_28 = tpu.vector_load %arg6[%swap3A_27] {strides = array<i32>} : memref<128xf32, #tpu.memory_space<vmem>>, vector<16xf32>,
    %swap3A_29 = vector.shape_cast %swap3A_28 : vector<16xf32> to vector<16xf32>
    %swap3A_30 = vector.shape_cast %broadcast_in_dim3A_9 : vector<16xf32> to vector<16xf32>
    tpu.vector_store %arg6[%swap3A_27], %swap3A_30 {strides = array<i32>} : memref<128xf32, #tpu.memory_space<vmem>>, vector<16xf32>,
    %swap3A_31 = arith.constant 80 : index
    %swap3A_32 = tpu.vector_load %arg6[%swap3A_31] {strides = array<i32>} : memref<128xf32, #tpu.memory_space<vmem>>, vector<16xf32>,
    %swap3A_33 = vector.shape_cast %swap3A_32 : vector<16xf32> to vector<16xf32>
    %swap3A_34 = vector.shape_cast %broadcast_in_dim3A_9 : vector<16xf32> to vector<16xf32>
    tpu.vector_store %arg6[%swap3A_31], %swap3A_34 {strides = array<i32>} : memref<128xf32, #tpu.memory_space<vmem>>, vector<16xf32>,
    %swap3A_35 = arith.constant 96 : index
    %swap3A_36 = tpu.vector_load %arg6[%swap3A_35] {strides = array<i32>} : memref<128xf32, #tpu.memory_space<vmem>>, vector<16xf32>,
    %swap3A_37 = vector.shape_cast %swap3A_36 : vector<16xf32> to vector<16xf32>
    %swap3A_38 = vector.shape_cast %broadcast_in_dim3A_9 : vector<16xf32> to vector<16xf32>
    tpu.vector_store %arg6[%swap3A_35], %swap3A_38 {strides = array<i32>} : memref<128xf32, #tpu.memory_space<vmem>>, vector<16xf32>,
    %swap3A_39 = arith.constant 112 : index
    %swap3A_40 = tpu.vector_load %arg6[%swap3A_39] {strides = array<i32>} : memref<128xf32, #tpu.memory_space<vmem>>, vector<16xf32>,
    %swap3A_41 = vector.shape_cast %swap3A_40 : vector<16xf32> to vector<16xf32>
    %swap3A_42 = vector.shape_cast %broadcast_in_dim3A_9 : vector<16xf32> to vector<16xf32>
    tpu.vector_store %arg6[%swap3A_39], %swap3A_42 {strides = array<i32>} : memref<128xf32, #tpu.memory_space<vmem>>, vector<16xf32>,
    %scan3A = arith.constant 0 : i32
    %scan3A_43 = arith.constant 40 : i32
    %scan3A_44 = arith.addi %scan3A, %scan3A_43 : i32
    %scan3A_45 = arith.constant 1 : i32
    scf.for %scan3A_87 = %scan3A to %scan3A_44 step %scan3A_45  : i32 {
      %mul3A_88 = arith.constant 1 : i32
      %mul3A_89 = arith.muli %scan3A_87, %mul3A_88 : i32
      %add3A_90 = arith.constant 0 : i32
      %add3A_91 = arith.addi %add3A_90, %mul3A_89 : i32
      %mul3A_92 = arith.constant 16 : i32
      %mul3A_93 = arith.muli %add3A_91, %mul3A_92 : i32
      %swap3A_94 = arith.index_cast %mul3A_93 : i32 to index
      %swap3A_95 = tpu.vector_load %arg7[%swap3A_94] {strides = array<i32>} : memref<640xf32, #tpu.memory_space<vmem>>, vector<16xf32>,
      %swap3A_96 = vector.shape_cast %swap3A_95 : vector<16xf32> to vector<16xf32>
      %swap3A_97 = vector.shape_cast %broadcast_in_dim3A_11 : vector<16xf32> to vector<16xf32>
      tpu.vector_store %arg7[%swap3A_94], %swap3A_97 {strides = array<i32>} : memref<640xf32, #tpu.memory_space<vmem>>, vector<16xf32>,
    }
    %scan3A_46 = arith.constant 40 : i32
    %mul3A_47 = arith.constant 640 : i32
    %mul3A_48 = arith.muli %arg1, %mul3A_47 : i32
    "tpu.region"() ({
      %run_scoped3A = tpu.sem_alloc : memref<!tpu.dma_semaphore, #tpu.memory_space<semaphore_mem>>
      %dma_start3A_87 = tpu.memref_slice %arg8[%mul3A_48] : memref<10240xf32, #tpu.memory_space<vmem_shared>> -> memref<640xf32, #tpu.memory_space<vmem_shared>>
      %dma_start3A_88 = tpu.memref_slice %arg8[%mul3A_48] : memref<10240xf32, #tpu.memory_space<vmem_shared>> -> memref<640xf32, #tpu.memory_space<vmem_shared>>
      tpu.enqueue_dma source(%arg7 : memref<640xf32, #tpu.memory_space<vmem>>) target(%dma_start3A_88 : memref<640xf32, #tpu.memory_space<vmem_shared>>) target_semaphore(%run_scoped3A : memref<!tpu.dma_semaphore, #tpu.memory_space<semaphore_mem>>)
      %dma_wait3A_89 = tpu.memref_slice %arg8[%mul3A_48] : memref<10240xf32, #tpu.memory_space<vmem_shared>> -> memref<640xf32, #tpu.memory_space<vmem_shared>>
      %dma_wait3A_90 = tpu.memref_slice %arg8[%mul3A_48] : memref<10240xf32, #tpu.memory_space<vmem_shared>> -> memref<640xf32, #tpu.memory_space<vmem_shared>>
      tpu.wait_dma2 semaphore(%run_scoped3A : memref<!tpu.dma_semaphore, #tpu.memory_space<semaphore_mem>>) src(%arg7 : memref<640xf32, #tpu.memory_space<vmem>>) dst(%dma_wait3A_90 : memref<640xf32, #tpu.memory_space<vmem_shared>>)
      tpu.yield
    }) : () -> ()
    %mul3A_49 = arith.constant 128 : i32
    %mul3A_50 = arith.muli %mul3A_2, %mul3A_49 : i32
    %dma_wait3A = arith.constant 1 : i32
    %dma_wait3A_51 = tpu.memref_slice %arg2[%dma_wait3A, %mul3A_50] : memref<2x320000xi32, #tpu.memory_space<hbm>> -> memref<1x9984xi32, #tpu.memory_space<hbm>>
    %dma_wait3A_52 = tpu.memref_squeeze %dma_wait3A_51 : memref<1x9984xi32, #tpu.memory_space<hbm>> -> memref<9984xi32, #tpu.memory_space<hbm>>
    %dma_wait3A_53 = tpu.memref_slice %arg2[%dma_wait3A, %mul3A_50] : memref<2x320000xi32, #tpu.memory_space<hbm>> -> memref<1x9984xi32, #tpu.memory_space<hbm>>
    %dma_wait3A_54 = tpu.memref_squeeze %dma_wait3A_53 : memref<1x9984xi32, #tpu.memory_space<hbm>> -> memref<9984xi32, #tpu.memory_space<hbm>>
    tpu.wait_dma2 semaphore(%arg9 : memref<!tpu.dma_semaphore, #tpu.memory_space<semaphore_mem>>) src(%dma_wait3A_54 : memref<9984xi32, #tpu.memory_space<hbm>>) dst(%arg4 : memref<9984xi32, #tpu.memory_space<vmem>>)
    %scan3A_55 = arith.constant 0 : i32
    %scan3A_56 = arith.constant 78 : i32
    %scan3A_57 = arith.addi %scan3A_55, %scan3A_56 : i32
    %scan3A_58 = arith.constant 1 : i32
    scf.for %scan3A_87 = %scan3A_55 to %scan3A_57 step %scan3A_58  : i32 {
      %mul3A_88 = arith.constant 1 : i32
      %mul3A_89 = arith.muli %scan3A_87, %mul3A_88 : i32
      %add3A_90 = arith.constant 0 : i32
      %add3A_91 = arith.addi %add3A_90, %mul3A_89 : i32
      %mul3A_92 = arith.constant 128 : i32
      %mul3A_93 = arith.muli %add3A_91, %mul3A_92 : i32
      %add3A_94 = arith.constant 0 : i32
      %add3A_95 = arith.addi %mul3A_93, %add3A_94 : i32
      %get3A = arith.index_cast %add3A_95 : i32 to index
      %get3A_96 = tpu.vector_load %arg4[%get3A] {strides = array<i32>} : memref<9984xi32, #tpu.memory_space<vmem>>, vector<16xi32>,
      %get3A_97 = vector.shape_cast %get3A_96 : vector<16xi32> to vector<16xi32>
      %swap3A_98 = arith.index_cast %add3A_91 : i32 to index
      %swap3A_99 = arith.constant 0 : index
      %swap3A_100 = tpu.vector_load %arg5[%swap3A_98, %swap3A_99] {strides = array<i32>} : memref<79x128xi32, #tpu.memory_space<vmem>>, vector<1x16xi32>,
      %swap3A_101 = vector.shape_cast %swap3A_100 : vector<1x16xi32> to vector<16xi32>
      %swap3A_102 = vector.shape_cast %get3A_97 : vector<16xi32> to vector<1x16xi32>
      tpu.vector_store %arg5[%swap3A_98, %swap3A_99], %swap3A_102 {strides = array<i32>} : memref<79x128xi32, #tpu.memory_space<vmem>>, vector<1x16xi32>,
      %mul3A_103 = arith.constant 128 : i32
      %mul3A_104 = arith.muli %add3A_91, %mul3A_103 : i32
      %add3A_105 = arith.constant 16 : i32
      %add3A_106 = arith.addi %mul3A_104, %add3A_105 : i32
      %get3A_107 = arith.index_cast %add3A_106 : i32 to index
      %get3A_108 = tpu.vector_load %arg4[%get3A_107] {strides = array<i32>} : memref<9984xi32, #tpu.memory_space<vmem>>, vector<16xi32>,
      %get3A_109 = vector.shape_cast %get3A_108 : vector<16xi32> to vector<16xi32>
      %swap3A_110 = arith.index_cast %add3A_91 : i32 to index
      %swap3A_111 = arith.constant 16 : index
      %swap3A_112 = tpu.vector_load %arg5[%swap3A_110, %swap3A_111] {strides = array<i32>} : memref<79x128xi32, #tpu.memory_space<vmem>>, vector<1x16xi32>,
      %swap3A_113 = vector.shape_cast %swap3A_112 : vector<1x16xi32> to vector<16xi32>
      %swap3A_114 = vector.shape_cast %get3A_109 : vector<16xi32> to vector<1x16xi32>
      tpu.vector_store %arg5[%swap3A_110, %swap3A_111], %swap3A_114 {strides = array<i32>} : memref<79x128xi32, #tpu.memory_space<vmem>>, vector<1x16xi32>,
      %mul3A_115 = arith.constant 128 : i32
      %mul3A_116 = arith.muli %add3A_91, %mul3A_115 : i32
      %add3A_117 = arith.constant 32 : i32
      %add3A_118 = arith.addi %mul3A_116, %add3A_117 : i32
      %get3A_119 = arith.index_cast %add3A_118 : i32 to index
      %get3A_120 = tpu.vector_load %arg4[%get3A_119] {strides = array<i32>} : memref<9984xi32, #tpu.memory_space<vmem>>, vector<16xi32>,
      %get3A_121 = vector.shape_cast %get3A_120 : vector<16xi32> to vector<16xi32>
      %swap3A_122 = arith.index_cast %add3A_91 : i32 to index
      %swap3A_123 = arith.constant 32 : index
      %swap3A_124 = tpu.vector_load %arg5[%swap3A_122, %swap3A_123] {strides = array<i32>} : memref<79x128xi32, #tpu.memory_space<vmem>>, vector<1x16xi32>,
      %swap3A_125 = vector.shape_cast %swap3A_124 : vector<1x16xi32> to vector<16xi32>
      %swap3A_126 = vector.shape_cast %get3A_121 : vector<16xi32> to vector<1x16xi32>
      tpu.vector_store %arg5[%swap3A_122, %swap3A_123], %swap3A_126 {strides = array<i32>} : memref<79x128xi32, #tpu.memory_space<vmem>>, vector<1x16xi32>,
      %mul3A_127 = arith.constant 128 : i32
      %mul3A_128 = arith.muli %add3A_91, %mul3A_127 : i32
      %add3A_129 = arith.constant 48 : i32
      %add3A_130 = arith.addi %mul3A_128, %add3A_129 : i32
      %get3A_131 = arith.index_cast %add3A_130 : i32 to index
      %get3A_132 = tpu.vector_load %arg4[%get3A_131] {strides = array<i32>} : memref<9984xi32, #tpu.memory_space<vmem>>, vector<16xi32>,
      %get3A_133 = vector.shape_cast %get3A_132 : vector<16xi32> to vector<16xi32>
      %swap3A_134 = arith.index_cast %add3A_91 : i32 to index
      %swap3A_135 = arith.constant 48 : index
      %swap3A_136 = tpu.vector_load %arg5[%swap3A_134, %swap3A_135] {strides = array<i32>} : memref<79x128xi32, #tpu.memory_space<vmem>>, vector<1x16xi32>,
      %swap3A_137 = vector.shape_cast %swap3A_136 : vector<1x16xi32> to vector<16xi32>
      %swap3A_138 = vector.shape_cast %get3A_133 : vector<16xi32> to vector<1x16xi32>
      tpu.vector_store %arg5[%swap3A_134, %swap3A_135], %swap3A_138 {strides = array<i32>} : memref<79x128xi32, #tpu.memory_space<vmem>>, vector<1x16xi32>,
      %mul3A_139 = arith.constant 128 : i32
      %mul3A_140 = arith.muli %add3A_91, %mul3A_139 : i32
      %add3A_141 = arith.constant 64 : i32
      %add3A_142 = arith.addi %mul3A_140, %add3A_141 : i32
      %get3A_143 = arith.index_cast %add3A_142 : i32 to index
      %get3A_144 = tpu.vector_load %arg4[%get3A_143] {strides = array<i32>} : memref<9984xi32, #tpu.memory_space<vmem>>, vector<16xi32>,
      %get3A_145 = vector.shape_cast %get3A_144 : vector<16xi32> to vector<16xi32>
      %swap3A_146 = arith.index_cast %add3A_91 : i32 to index
      %swap3A_147 = arith.constant 64 : index
      %swap3A_148 = tpu.vector_load %arg5[%swap3A_146, %swap3A_147] {strides = array<i32>} : memref<79x128xi32, #tpu.memory_space<vmem>>, vector<1x16xi32>,
      %swap3A_149 = vector.shape_cast %swap3A_148 : vector<1x16xi32> to vector<16xi32>
      %swap3A_150 = vector.shape_cast %get3A_145 : vector<16xi32> to vector<1x16xi32>
      tpu.vector_store %arg5[%swap3A_146, %swap3A_147], %swap3A_150 {strides = array<i32>} : memref<79x128xi32, #tpu.memory_space<vmem>>, vector<1x16xi32>,
      %mul3A_151 = arith.constant 128 : i32
      %mul3A_152 = arith.muli %add3A_91, %mul3A_151 : i32
      %add3A_153 = arith.constant 80 : i32
      %add3A_154 = arith.addi %mul3A_152, %add3A_153 : i32
      %get3A_155 = arith.index_cast %add3A_154 : i32 to index
      %get3A_156 = tpu.vector_load %arg4[%get3A_155] {strides = array<i32>} : memref<9984xi32, #tpu.memory_space<vmem>>, vector<16xi32>,
      %get3A_157 = vector.shape_cast %get3A_156 : vector<16xi32> to vector<16xi32>
      %swap3A_158 = arith.index_cast %add3A_91 : i32 to index
      %swap3A_159 = arith.constant 80 : index
      %swap3A_160 = tpu.vector_load %arg5[%swap3A_158, %swap3A_159] {strides = array<i32>} : memref<79x128xi32, #tpu.memory_space<vmem>>, vector<1x16xi32>,
      %swap3A_161 = vector.shape_cast %swap3A_160 : vector<1x16xi32> to vector<16xi32>
      %swap3A_162 = vector.shape_cast %get3A_157 : vector<16xi32> to vector<1x16xi32>
      tpu.vector_store %arg5[%swap3A_158, %swap3A_159], %swap3A_162 {strides = array<i32>} : memref<79x128xi32, #tpu.memory_space<vmem>>, vector<1x16xi32>,
      %mul3A_163 = arith.constant 128 : i32
      %mul3A_164 = arith.muli %add3A_91, %mul3A_163 : i32
      %add3A_165 = arith.constant 96 : i32
      %add3A_166 = arith.addi %mul3A_164, %add3A_165 : i32
      %get3A_167 = arith.index_cast %add3A_166 : i32 to index
      %get3A_168 = tpu.vector_load %arg4[%get3A_167] {strides = array<i32>} : memref<9984xi32, #tpu.memory_space<vmem>>, vector<16xi32>,
      %get3A_169 = vector.shape_cast %get3A_168 : vector<16xi32> to vector<16xi32>
      %swap3A_170 = arith.index_cast %add3A_91 : i32 to index
      %swap3A_171 = arith.constant 96 : index
      %swap3A_172 = tpu.vector_load %arg5[%swap3A_170, %swap3A_171] {strides = array<i32>} : memref<79x128xi32, #tpu.memory_space<vmem>>, vector<1x16xi32>,
      %swap3A_173 = vector.shape_cast %swap3A_172 : vector<1x16xi32> to vector<16xi32>
      %swap3A_174 = vector.shape_cast %get3A_169 : vector<16xi32> to vector<1x16xi32>
      tpu.vector_store %arg5[%swap3A_170, %swap3A_171], %swap3A_174 {strides = array<i32>} : memref<79x128xi32, #tpu.memory_space<vmem>>, vector<1x16xi32>,
      %mul3A_175 = arith.constant 128 : i32
      %mul3A_176 = arith.muli %add3A_91, %mul3A_175 : i32
      %add3A_177 = arith.constant 112 : i32
      %add3A_178 = arith.addi %mul3A_176, %add3A_177 : i32
      %get3A_179 = arith.index_cast %add3A_178 : i32 to index
      %get3A_180 = tpu.vector_load %arg4[%get3A_179] {strides = array<i32>} : memref<9984xi32, #tpu.memory_space<vmem>>, vector<16xi32>,
      %get3A_181 = vector.shape_cast %get3A_180 : vector<16xi32> to vector<16xi32>
      %swap3A_182 = arith.index_cast %add3A_91 : i32 to index
      %swap3A_183 = arith.constant 112 : index
      %swap3A_184 = tpu.vector_load %arg5[%swap3A_182, %swap3A_183] {strides = array<i32>} : memref<79x128xi32, #tpu.memory_space<vmem>>, vector<1x16xi32>,
      %swap3A_185 = vector.shape_cast %swap3A_184 : vector<1x16xi32> to vector<16xi32>
      %swap3A_186 = vector.shape_cast %get3A_181 : vector<16xi32> to vector<1x16xi32>
      tpu.vector_store %arg5[%swap3A_182, %swap3A_183], %swap3A_186 {strides = array<i32>} : memref<79x128xi32, #tpu.memory_space<vmem>>, vector<1x16xi32>,
    }
    %scan3A_59 = arith.constant 78 : i32
    %lt3A = arith.constant 4 : i32
    %lt3A_60 = arith.cmpi slt, %add3A, %lt3A : i32
    %convert_element_type3A = arith.extui %lt3A_60 : i1 to i32
    %cond3A = arith.constant 0 : i32
    %cond3A_61 = arith.cmpi ne, %convert_element_type3A, %cond3A : i32
    scf.if %cond3A_61 {
      %add3A_87 = arith.constant 2496 : i32
      %add3A_88 = arith.addi %add3A_87, %add3A : i32
      %mul3A_89 = arith.constant 128 : i32
      %mul3A_90 = arith.muli %add3A_88, %mul3A_89 : i32
      %run_scoped3A = arith.constant 1 : i32
      "tpu.region"() ({
        %run_scoped3A_162 = tpu.sem_alloc : memref<!tpu.dma_semaphore, #tpu.memory_space<semaphore_mem>>
        %dma_start3A_163 = arith.constant 0 : i32
        %dma_start3A_164 = tpu.memref_slice %arg4[%dma_start3A_163] : memref<9984xi32, #tpu.memory_space<vmem>> -> memref<128xi32, #tpu.memory_space<vmem>>
        %dma_start3A_165 = tpu.memref_slice %arg2[%run_scoped3A, %mul3A_90] : memref<2x320000xi32, #tpu.memory_space<hbm>> -> memref<1x128xi32, #tpu.memory_space<hbm>>
        %dma_start3A_166 = tpu.memref_squeeze %dma_start3A_165 : memref<1x128xi32, #tpu.memory_space<hbm>> -> memref<128xi32, #tpu.memory_space<hbm>>
        %dma_start3A_167 = arith.constant 0 : i32
        %dma_start3A_168 = tpu.memref_slice %arg4[%dma_start3A_167] : memref<9984xi32, #tpu.memory_space<vmem>> -> memref<128xi32, #tpu.memory_space<vmem>>
        %dma_start3A_169 = tpu.memref_slice %arg2[%run_scoped3A, %mul3A_90] : memref<2x320000xi32, #tpu.memory_space<hbm>> -> memref<1x128xi32, #tpu.memory_space<hbm>>
        %dma_start3A_170 = tpu.memref_squeeze %dma_start3A_169 : memref<1x128xi32, #tpu.memory_space<hbm>> -> memref<128xi32, #tpu.memory_space<hbm>>
        tpu.enqueue_dma source(%dma_start3A_170 : memref<128xi32, #tpu.memory_space<hbm>>) target(%dma_start3A_168 : memref<128xi32, #tpu.memory_space<vmem>>) target_semaphore(%run_scoped3A_162 : memref<!tpu.dma_semaphore, #tpu.memory_space<semaphore_mem>>)
        %dma_wait3A_171 = arith.constant 0 : i32
        %dma_wait3A_172 = tpu.memref_slice %arg4[%dma_wait3A_171] : memref<9984xi32, #tpu.memory_space<vmem>> -> memref<128xi32, #tpu.memory_space<vmem>>
        %dma_wait3A_173 = tpu.memref_slice %arg2[%run_scoped3A, %mul3A_90] : memref<2x320000xi32, #tpu.memory_space<hbm>> -> memref<1x128xi32, #tpu.memory_space<hbm>>
        %dma_wait3A_174 = tpu.memref_squeeze %dma_wait3A_173 : memref<1x128xi32, #tpu.memory_space<hbm>> -> memref<128xi32, #tpu.memory_space<hbm>>
        %dma_wait3A_175 = arith.constant 0 : i32
        %dma_wait3A_176 = tpu.memref_slice %arg4[%dma_wait3A_175] : memref<9984xi32, #tpu.memory_space<vmem>> -> memref<128xi32, #tpu.memory_space<vmem>>
        %dma_wait3A_177 = tpu.memref_slice %arg2[%run_scoped3A, %mul3A_90] : memref<2x320000xi32, #tpu.memory_space<hbm>> -> memref<1x128xi32, #tpu.memory_space<hbm>>
        %dma_wait3A_178 = tpu.memref_squeeze %dma_wait3A_177 : memref<1x128xi32, #tpu.memory_space<hbm>> -> memref<128xi32, #tpu.memory_space<hbm>>
        tpu.wait_dma2 semaphore(%run_scoped3A_162 : memref<!tpu.dma_semaphore, #tpu.memory_space<semaphore_mem>>) src(%dma_wait3A_178 : memref<128xi32, #tpu.memory_space<hbm>>) dst(%dma_wait3A_176 : memref<128xi32, #tpu.memory_space<vmem>>)
        tpu.yield
      }) : () -> ()
      %get3A = arith.constant 0 : index
      %get3A_91 = tpu.vector_load %arg4[%get3A] {strides = array<i32>} : memref<9984xi32, #tpu.memory_space<vmem>>, vector<16xi32>,
      %get3A_92 = vector.shape_cast %get3A_91 : vector<16xi32> to vector<16xi32>
      %swap3A_93 = arith.constant 78 : i32
      %swap3A_94 = arith.index_cast %swap3A_93 : i32 to index
      %swap3A_95 = arith.constant 0 : index
      %swap3A_96 = tpu.vector_load %arg5[%swap3A_94, %swap3A_95] {strides = array<i32>} : memref<79x128xi32, #tpu.memory_space<vmem>>, vector<1x16xi32>,
      %swap3A_97 = vector.shape_cast %swap3A_96 : vector<1x16xi32> to vector<16xi32>
      %swap3A_98 = vector.shape_cast %get3A_92 : vector<16xi32> to vector<1x16xi32>
      tpu.vector_store %arg5[%swap3A_94, %swap3A_95], %swap3A_98 {strides = array<i32>} : memref<79x128xi32, #tpu.memory_space<vmem>>, vector<1x16xi32>,
      %get3A_99 = arith.constant 16 : index
      %get3A_100 = tpu.vector_load %arg4[%get3A_99] {strides = array<i32>} : memref<9984xi32, #tpu.memory_space<vmem>>, vector<16xi32>,
      %get3A_101 = vector.shape_cast %get3A_100 : vector<16xi32> to vector<16xi32>
      %swap3A_102 = arith.constant 78 : i32
      %swap3A_103 = arith.index_cast %swap3A_102 : i32 to index
      %swap3A_104 = arith.constant 16 : index
      %swap3A_105 = tpu.vector_load %arg5[%swap3A_103, %swap3A_104] {strides = array<i32>} : memref<79x128xi32, #tpu.memory_space<vmem>>, vector<1x16xi32>,
      %swap3A_106 = vector.shape_cast %swap3A_105 : vector<1x16xi32> to vector<16xi32>
      %swap3A_107 = vector.shape_cast %get3A_101 : vector<16xi32> to vector<1x16xi32>
      tpu.vector_store %arg5[%swap3A_103, %swap3A_104], %swap3A_107 {strides = array<i32>} : memref<79x128xi32, #tpu.memory_space<vmem>>, vector<1x16xi32>,
      %get3A_108 = arith.constant 32 : index
      %get3A_109 = tpu.vector_load %arg4[%get3A_108] {strides = array<i32>} : memref<9984xi32, #tpu.memory_space<vmem>>, vector<16xi32>,
      %get3A_110 = vector.shape_cast %get3A_109 : vector<16xi32> to vector<16xi32>
      %swap3A_111 = arith.constant 78 : i32
      %swap3A_112 = arith.index_cast %swap3A_111 : i32 to index
      %swap3A_113 = arith.constant 32 : index
      %swap3A_114 = tpu.vector_load %arg5[%swap3A_112, %swap3A_113] {strides = array<i32>} : memref<79x128xi32, #tpu.memory_space<vmem>>, vector<1x16xi32>,
      %swap3A_115 = vector.shape_cast %swap3A_114 : vector<1x16xi32> to vector<16xi32>
      %swap3A_116 = vector.shape_cast %get3A_110 : vector<16xi32> to vector<1x16xi32>
      tpu.vector_store %arg5[%swap3A_112, %swap3A_113], %swap3A_116 {strides = array<i32>} : memref<79x128xi32, #tpu.memory_space<vmem>>, vector<1x16xi32>,
      %get3A_117 = arith.constant 48 : index
      %get3A_118 = tpu.vector_load %arg4[%get3A_117] {strides = array<i32>} : memref<9984xi32, #tpu.memory_space<vmem>>, vector<16xi32>,
      %get3A_119 = vector.shape_cast %get3A_118 : vector<16xi32> to vector<16xi32>
      %swap3A_120 = arith.constant 78 : i32
      %swap3A_121 = arith.index_cast %swap3A_120 : i32 to index
      %swap3A_122 = arith.constant 48 : index
      %swap3A_123 = tpu.vector_load %arg5[%swap3A_121, %swap3A_122] {strides = array<i32>} : memref<79x128xi32, #tpu.memory_space<vmem>>, vector<1x16xi32>,
      %swap3A_124 = vector.shape_cast %swap3A_123 : vector<1x16xi32> to vector<16xi32>
      %swap3A_125 = vector.shape_cast %get3A_119 : vector<16xi32> to vector<1x16xi32>
      tpu.vector_store %arg5[%swap3A_121, %swap3A_122], %swap3A_125 {strides = array<i32>} : memref<79x128xi32, #tpu.memory_space<vmem>>, vector<1x16xi32>,
      %get3A_126 = arith.constant 64 : index
      %get3A_127 = tpu.vector_load %arg4[%get3A_126] {strides = array<i32>} : memref<9984xi32, #tpu.memory_space<vmem>>, vector<16xi32>,
      %get3A_128 = vector.shape_cast %get3A_127 : vector<16xi32> to vector<16xi32>
      %swap3A_129 = arith.constant 78 : i32
      %swap3A_130 = arith.index_cast %swap3A_129 : i32 to index
      %swap3A_131 = arith.constant 64 : index
      %swap3A_132 = tpu.vector_load %arg5[%swap3A_130, %swap3A_131] {strides = array<i32>} : memref<79x128xi32, #tpu.memory_space<vmem>>, vector<1x16xi32>,
      %swap3A_133 = vector.shape_cast %swap3A_132 : vector<1x16xi32> to vector<16xi32>
      %swap3A_134 = vector.shape_cast %get3A_128 : vector<16xi32> to vector<1x16xi32>
      tpu.vector_store %arg5[%swap3A_130, %swap3A_131], %swap3A_134 {strides = array<i32>} : memref<79x128xi32, #tpu.memory_space<vmem>>, vector<1x16xi32>,
      %get3A_135 = arith.constant 80 : index
      %get3A_136 = tpu.vector_load %arg4[%get3A_135] {strides = array<i32>} : memref<9984xi32, #tpu.memory_space<vmem>>, vector<16xi32>,
      %get3A_137 = vector.shape_cast %get3A_136 : vector<16xi32> to vector<16xi32>
      %swap3A_138 = arith.constant 78 : i32
      %swap3A_139 = arith.index_cast %swap3A_138 : i32 to index
      %swap3A_140 = arith.constant 80 : index
      %swap3A_141 = tpu.vector_load %arg5[%swap3A_139, %swap3A_140] {strides = array<i32>} : memref<79x128xi32, #tpu.memory_space<vmem>>, vector<1x16xi32>,
      %swap3A_142 = vector.shape_cast %swap3A_141 : vector<1x16xi32> to vector<16xi32>
      %swap3A_143 = vector.shape_cast %get3A_137 : vector<16xi32> to vector<1x16xi32>
      tpu.vector_store %arg5[%swap3A_139, %swap3A_140], %swap3A_143 {strides = array<i32>} : memref<79x128xi32, #tpu.memory_space<vmem>>, vector<1x16xi32>,
      %get3A_144 = arith.constant 96 : index
      %get3A_145 = tpu.vector_load %arg4[%get3A_144] {strides = array<i32>} : memref<9984xi32, #tpu.memory_space<vmem>>, vector<16xi32>,
      %get3A_146 = vector.shape_cast %get3A_145 : vector<16xi32> to vector<16xi32>
      %swap3A_147 = arith.constant 78 : i32
      %swap3A_148 = arith.index_cast %swap3A_147 : i32 to index
      %swap3A_149 = arith.constant 96 : index
      %swap3A_150 = tpu.vector_load %arg5[%swap3A_148, %swap3A_149] {strides = array<i32>} : memref<79x128xi32, #tpu.memory_space<vmem>>, vector<1x16xi32>,
      %swap3A_151 = vector.shape_cast %swap3A_150 : vector<1x16xi32> to vector<16xi32>
      %swap3A_152 = vector.shape_cast %get3A_146 : vector<16xi32> to vector<1x16xi32>
      tpu.vector_store %arg5[%swap3A_148, %swap3A_149], %swap3A_152 {strides = array<i32>} : memref<79x128xi32, #tpu.memory_space<vmem>>, vector<1x16xi32>,
      %get3A_153 = arith.constant 112 : index
      %get3A_154 = tpu.vector_load %arg4[%get3A_153] {strides = array<i32>} : memref<9984xi32, #tpu.memory_space<vmem>>, vector<16xi32>,
      %get3A_155 = vector.shape_cast %get3A_154 : vector<16xi32> to vector<16xi32>
      %swap3A_156 = arith.constant 78 : i32
      %swap3A_157 = arith.index_cast %swap3A_156 : i32 to index
      %swap3A_158 = arith.constant 112 : index
      %swap3A_159 = tpu.vector_load %arg5[%swap3A_157, %swap3A_158] {strides = array<i32>} : memref<79x128xi32, #tpu.memory_space<vmem>>, vector<1x16xi32>,
      %swap3A_160 = vector.shape_cast %swap3A_159 : vector<1x16xi32> to vector<16xi32>
      %swap3A_161 = vector.shape_cast %get3A_155 : vector<16xi32> to vector<1x16xi32>
      tpu.vector_store %arg5[%swap3A_157, %swap3A_158], %swap3A_161 {strides = array<i32>} : memref<79x128xi32, #tpu.memory_space<vmem>>, vector<1x16xi32>,
    } else {
    }
    %barrier3A = arith.constant 0 : index
    tpu.barrier barrier_id(%barrier3A)
    %scan3A_62 = arith.constant 0 : i32
    %scan3A_63 = arith.constant 78 : i32
    %scan3A_64 = arith.addi %scan3A_62, %scan3A_63 : i32
    %scan3A_65 = arith.constant 1 : i32
    scf.for %scan3A_87 = %scan3A_62 to %scan3A_64 step %scan3A_65  : i32 {
      %mul3A_88 = arith.constant 1 : i32
      %mul3A_89 = arith.muli %scan3A_87, %mul3A_88 : i32
      %add3A_90 = arith.constant 0 : i32
      %add3A_91 = arith.addi %add3A_90, %mul3A_89 : i32
      %dma_start3A_92 = arith.constant 0 : i32
      %dma_start3A_93 = tpu.memref_slice %arg5[%add3A_91, %dma_start3A_92] : memref<79x128xi32, #tpu.memory_space<vmem>> -> memref<1x128xi32, #tpu.memory_space<vmem>>
      %dma_start3A_94 = tpu.memref_squeeze %dma_start3A_93 : memref<1x128xi32, #tpu.memory_space<vmem>> -> memref<128xi32, #tpu.memory_space<vmem>>
      %dma_start3A_95 = arith.constant 0 : i32
      %dma_start3A_96 = tpu.memref_slice %arg8[%dma_start3A_95] : memref<10240xf32, #tpu.memory_space<vmem_shared>> -> memref<10240xf32, #tpu.memory_space<vmem_shared>>
      tpu.enqueue_indirect_dma source(%arg6 : memref<128xf32, #tpu.memory_space<vmem>>) target(%dma_start3A_96 : memref<10240xf32, #tpu.memory_space<vmem_shared>>) offsets(%dma_start3A_94 : memref<128xi32, #tpu.memory_space<vmem>>) semaphore(%arg9 : memref<!tpu.dma_semaphore, #tpu.memory_space<semaphore_mem>>) {add = true}
    }
    %scan3A_66 = arith.constant 78 : i32
    %lt3A_67 = arith.constant 4 : i32
    %lt3A_68 = arith.cmpi slt, %add3A, %lt3A_67 : i32
    %convert_element_type3A_69 = arith.extui %lt3A_68 : i1 to i32
    %cond3A_70 = arith.constant 0 : i32
    %cond3A_71 = arith.cmpi ne, %convert_element_type3A_69, %cond3A_70 : i32
    scf.if %cond3A_71 {
      %dma_start3A_87 = arith.constant 78 : i32
      %dma_start3A_88 = arith.constant 0 : i32
      %dma_start3A_89 = tpu.memref_slice %arg5[%dma_start3A_87, %dma_start3A_88] : memref<79x128xi32, #tpu.memory_space<vmem>> -> memref<1x128xi32, #tpu.memory_space<vmem>>
      %dma_start3A_90 = tpu.memref_squeeze %dma_start3A_89 : memref<1x128xi32, #tpu.memory_space<vmem>> -> memref<128xi32, #tpu.memory_space<vmem>>
      %dma_start3A_91 = arith.constant 0 : i32
      %dma_start3A_92 = tpu.memref_slice %arg8[%dma_start3A_91] : memref<10240xf32, #tpu.memory_space<vmem_shared>> -> memref<10240xf32, #tpu.memory_space<vmem_shared>>
      tpu.enqueue_indirect_dma source(%arg6 : memref<128xf32, #tpu.memory_space<vmem>>) target(%dma_start3A_92 : memref<10240xf32, #tpu.memory_space<vmem_shared>>) offsets(%dma_start3A_90 : memref<128xi32, #tpu.memory_space<vmem>>) semaphore(%arg9 : memref<!tpu.dma_semaphore, #tpu.memory_space<semaphore_mem>>) {add = true}
    } else {
    }
    %scan3A_72 = arith.constant 0 : i32
    %scan3A_73 = arith.constant 78 : i32
    %scan3A_74 = arith.addi %scan3A_72, %scan3A_73 : i32
    %scan3A_75 = arith.constant 1 : i32
    scf.for %scan3A_87 = %scan3A_72 to %scan3A_74 step %scan3A_75  : i32 {
      %mul3A_88 = arith.constant 1 : i32
      %mul3A_89 = arith.muli %scan3A_87, %mul3A_88 : i32
      %add3A_90 = arith.constant 0 : i32
      %add3A_91 = arith.addi %add3A_90, %mul3A_89 : i32
      %dma_wait3A_92 = arith.constant 0 : i32
      %dma_wait3A_93 = tpu.memref_slice %arg5[%add3A_91, %dma_wait3A_92] : memref<79x128xi32, #tpu.memory_space<vmem>> -> memref<1x128xi32, #tpu.memory_space<vmem>>
      %dma_wait3A_94 = tpu.memref_squeeze %dma_wait3A_93 : memref<1x128xi32, #tpu.memory_space<vmem>> -> memref<128xi32, #tpu.memory_space<vmem>>
      %dma_wait3A_95 = arith.constant 0 : i32
      %dma_wait3A_96 = tpu.memref_slice %arg8[%dma_wait3A_95] : memref<10240xf32, #tpu.memory_space<vmem_shared>> -> memref<10240xf32, #tpu.memory_space<vmem_shared>>
      tpu.wait_indirect_dma semaphore(%arg9 : memref<!tpu.dma_semaphore, #tpu.memory_space<semaphore_mem>>) src(%arg6 : memref<128xf32, #tpu.memory_space<vmem>>) dst(%dma_wait3A_96 : memref<10240xf32, #tpu.memory_space<vmem_shared>>)
    }
    %scan3A_76 = arith.constant 78 : i32
    %lt3A_77 = arith.constant 4 : i32
    %lt3A_78 = arith.cmpi slt, %add3A, %lt3A_77 : i32
    %convert_element_type3A_79 = arith.extui %lt3A_78 : i1 to i32
    %cond3A_80 = arith.constant 0 : i32
    %cond3A_81 = arith.cmpi ne, %convert_element_type3A_79, %cond3A_80 : i32
    scf.if %cond3A_81 {
      %dma_wait3A_87 = arith.constant 78 : i32
      %dma_wait3A_88 = arith.constant 0 : i32
      %dma_wait3A_89 = tpu.memref_slice %arg5[%dma_wait3A_87, %dma_wait3A_88] : memref<79x128xi32, #tpu.memory_space<vmem>> -> memref<1x128xi32, #tpu.memory_space<vmem>>
      %dma_wait3A_90 = tpu.memref_squeeze %dma_wait3A_89 : memref<1x128xi32, #tpu.memory_space<vmem>> -> memref<128xi32, #tpu.memory_space<vmem>>
      %dma_wait3A_91 = arith.constant 0 : i32
      %dma_wait3A_92 = tpu.memref_slice %arg8[%dma_wait3A_91] : memref<10240xf32, #tpu.memory_space<vmem_shared>> -> memref<10240xf32, #tpu.memory_space<vmem_shared>>
      tpu.wait_indirect_dma semaphore(%arg9 : memref<!tpu.dma_semaphore, #tpu.memory_space<semaphore_mem>>) src(%arg6 : memref<128xf32, #tpu.memory_space<vmem>>) dst(%dma_wait3A_92 : memref<10240xf32, #tpu.memory_space<vmem_shared>>)
    } else {
    }
    %barrier3A_82 = arith.constant 0 : index
    tpu.barrier barrier_id(%barrier3A_82)
    %mul3A_83 = arith.constant 640 : i32
    %mul3A_84 = arith.muli %arg1, %mul3A_83 : i32
    %mul3A_85 = arith.constant 640 : i32
    %mul3A_86 = arith.muli %arg1, %mul3A_85 : i32
    "tpu.region"() ({
      %run_scoped3A = tpu.sem_alloc : memref<!tpu.dma_semaphore, #tpu.memory_space<semaphore_mem>>
      %dma_start3A_87 = tpu.memref_slice %arg3[%arg0, %mul3A_86] : memref<2x10240xf32, #tpu.memory_space<hbm>> -> memref<1x640xf32, #tpu.memory_space<hbm>>
      %dma_start3A_88 = tpu.memref_squeeze %dma_start3A_87 : memref<1x640xf32, #tpu.memory_space<hbm>> -> memref<640xf32, #tpu.memory_space<hbm>>
      %dma_start3A_89 = tpu.memref_slice %arg8[%mul3A_84] : memref<10240xf32, #tpu.memory_space<vmem_shared>> -> memref<640xf32, #tpu.memory_space<vmem_shared>>
      tpu.enqueue_dma source(%dma_start3A_89 : memref<640xf32, #tpu.memory_space<vmem_shared>>) target(%dma_start3A_88 : memref<640xf32, #tpu.memory_space<hbm>>) target_semaphore(%run_scoped3A : memref<!tpu.dma_semaphore, #tpu.memory_space<semaphore_mem>>)
      %dma_wait3A_90 = tpu.memref_slice %arg3[%arg0, %mul3A_86] : memref<2x10240xf32, #tpu.memory_space<hbm>> -> memref<1x640xf32, #tpu.memory_space<hbm>>
      %dma_wait3A_91 = tpu.memref_squeeze %dma_wait3A_90 : memref<1x640xf32, #tpu.memory_space<hbm>> -> memref<640xf32, #tpu.memory_space<hbm>>
      %dma_wait3A_92 = tpu.memref_slice %arg8[%mul3A_84] : memref<10240xf32, #tpu.memory_space<vmem_shared>> -> memref<640xf32, #tpu.memory_space<vmem_shared>>
      tpu.wait_dma2 semaphore(%run_scoped3A : memref<!tpu.dma_semaphore, #tpu.memory_space<semaphore_mem>>) src(%dma_wait3A_92 : memref<640xf32, #tpu.memory_space<vmem_shared>>) dst(%dma_wait3A_91 : memref<640xf32, #tpu.memory_space<hbm>>)
      tpu.yield
    }) : () -> ()
    return
  }
}

module attributes {stable_mosaic.version = 14 : i64} {
  func.func @body(%arg0: i32, %arg1: memref<5120x128xf32, #tpu.memory_space<vmem>>, %arg2: memref<128x128xf32, #tpu.memory_space<vmem>>, %arg3: memref<5120x128xf32, #tpu.memory_space<vmem>>) attributes {dimension_semantics = [#tpu.dimension_semantics<arbitrary>], iteration_bounds = array<i64: 2>, scalar_prefetch = 0 : i64, scratch_operands = 0 : i64, tpu.core_type = #tpu.core_type<tc>, window_params = [{transform_indices = @transform_0, window_bounds = array<i64: 5120, 128>}, {pipeline_mode = #tpu.pipeline_mode<synchronous>, transform_indices = @transform_1, window_bounds = array<i64: 128, 128>}, {transform_indices = @transform_2, window_bounds = array<i64: 5120, 128>}]} {
    %get3A = arith.constant 0 : index
    %get3A_0 = arith.constant 0 : index
    %get3A_1 = vector.load %arg1[%get3A, %get3A_0] : memref<5120x128xf32, #tpu.memory_space<vmem>>, vector<5120x128xf32>
    %get3A_2 = arith.constant 0 : index
    %get3A_3 = arith.constant 0 : index
    %get3A_4 = vector.load %arg2[%get3A_2, %get3A_3] : memref<128x128xf32, #tpu.memory_space<vmem>>, vector<128x128xf32>
    %dot_general3A = arith.constant dense<0.000000e+00> : vector<5120x128xf32>
    %dot_general3A_5 = tpu.matmul %get3A_1, %get3A_4, %dot_general3A {dimension_numbers = #tpu.dot_dimension_numbers<[1], [0], [0], [1], [0, 0, 1, 1], [], []>, transpose_lhs_hint = false} : vector<5120x128xf32>, vector<128x128xf32>, vector<5120x128xf32> -> vector<5120x128xf32>
    %swap3A = arith.constant 0 : index
    %swap3A_6 = arith.constant 0 : index
    %swap3A_7 = vector.load %arg3[%swap3A, %swap3A_6] : memref<5120x128xf32, #tpu.memory_space<vmem>>, vector<5120x128xf32>
    tpu.vector_store %arg3[%swap3A, %swap3A_6], %dot_general3A_5 {strides = array<i32>} : memref<5120x128xf32, #tpu.memory_space<vmem>>, vector<5120x128xf32>,
    return
  }
  func.func @transform_0(%arg0: i32) -> (i32, i32) {
    %c0_i32 = arith.constant 0 : i32
    %c0_i32_0 = arith.constant 0 : i32
    return %arg0, %c0_i32 : i32, i32
  }
  func.func @transform_1(%arg0: i32) -> (i32, i32) {
    %c0_i32 = arith.constant 0 : i32
    %c0_i32_0 = arith.constant 0 : i32
    %c0_i32_1 = arith.constant 0 : i32
    return %c0_i32, %c0_i32_0 : i32, i32
  }
  func.func @transform_2(%arg0: i32) -> (i32, i32) {
    %c0_i32 = arith.constant 0 : i32
    %c0_i32_0 = arith.constant 0 : i32
    return %arg0, %c0_i32 : i32, i32
  }
}

module attributes {stable_mosaic.version = 14 : i64} {
  func.func @body(%arg0: i32, %arg1: memref<5120x128xf32, #tpu.memory_space<vmem>>, %arg2: memref<2x5120xf32, #tpu.memory_space<vmem>>, %arg3: memref<5120x128xf32, #tpu.memory_space<vmem>>) attributes {dimension_semantics = [#tpu.dimension_semantics<arbitrary>], iteration_bounds = array<i64: 2>, scalar_prefetch = 0 : i64, scratch_operands = 0 : i64, tpu.core_type = #tpu.core_type<tc>, window_params = [{transform_indices = @transform_0, window_bounds = array<i64: 5120, 128>}, {transform_indices = @transform_1, window_bounds = array<i64: 2, 5120>}, {transform_indices = @transform_2, window_bounds = array<i64: 5120, 128>}]} {
    %get3A = arith.constant 0 : index
    %get3A_0 = arith.constant 0 : index
    %get3A_1 = vector.load %arg1[%get3A, %get3A_0] : memref<5120x128xf32, #tpu.memory_space<vmem>>, vector<5120x128xf32>
    %get3A_2 = arith.constant 0 : index
    %get3A_3 = arith.constant 0 : index
    %get3A_4 = vector.load %arg2[%get3A_2, %get3A_3] : memref<2x5120xf32, #tpu.memory_space<vmem>>, vector<1x5120xf32>
    %get3A_5 = arith.constant 1 : index
    %get3A_6 = arith.constant 0 : index
    %get3A_7 = vector.load %arg2[%get3A_5, %get3A_6] : memref<2x5120xf32, #tpu.memory_space<vmem>>, vector<1x5120xf32>
    %add3A = arith.addf %get3A_4, %get3A_7 : vector<1x5120xf32>
    %add3A_8 = arith.constant 1.000000e+00 : f32
    %add3A_9 = vector.broadcast %add3A_8 : f32 to vector<1x5120xf32>
    %add3A_10 = arith.addf %add3A, %add3A_9 : vector<1x5120xf32>
    %rsqrt3A = math.rsqrt %add3A_10 : vector<1x5120xf32>
    %transpose3A = tpu.transpose %rsqrt3A, [1, 0] : vector<1x5120xf32> -> vector<5120x1xf32>
    %mul3A = vector.broadcast %transpose3A : vector<5120x1xf32> to vector<5120x128xf32>
    %mul3A_11 = arith.mulf %get3A_1, %mul3A : vector<5120x128xf32>
    %swap3A = arith.constant 0 : index
    %swap3A_12 = arith.constant 0 : index
    %swap3A_13 = vector.load %arg3[%swap3A, %swap3A_12] : memref<5120x128xf32, #tpu.memory_space<vmem>>, vector<5120x128xf32>
    tpu.vector_store %arg3[%swap3A, %swap3A_12], %mul3A_11 {strides = array<i32>} : memref<5120x128xf32, #tpu.memory_space<vmem>>, vector<5120x128xf32>,
    return
  }
  func.func @transform_0(%arg0: i32) -> (i32, i32) {
    %c0_i32 = arith.constant 0 : i32
    %c0_i32_0 = arith.constant 0 : i32
    return %arg0, %c0_i32 : i32, i32
  }
  func.func @transform_1(%arg0: i32) -> (i32, i32) {
    %c0_i32 = arith.constant 0 : i32
    %c0_i32_0 = arith.constant 0 : i32
    return %c0_i32, %arg0 : i32, i32
  }
  func.func @transform_2(%arg0: i32) -> (i32, i32) {
    %c0_i32 = arith.constant 0 : i32
    %c0_i32_0 = arith.constant 0 : i32
    return %arg0, %c0_i32 : i32, i32
  }
}

module attributes {stable_mosaic.version = 14 : i64} {
  func.func @body(%arg0: i32, %arg1: memref<2x5120x128xf32, #tpu.memory_space<vmem>>, %arg2: memref<5120x128xf32, #tpu.memory_space<vmem>>, %arg3: memref<2x5120xf32, #tpu.memory_space<vmem>>, %arg4: memref<1x128xf32, #tpu.memory_space<vmem>>, %arg5: memref<5120x128xf32, #tpu.memory_space<vmem>>) attributes {dimension_semantics = [#tpu.dimension_semantics<arbitrary>], iteration_bounds = array<i64: 2>, scalar_prefetch = 0 : i64, scratch_operands = 0 : i64, tpu.core_type = #tpu.core_type<tc>, window_params = [{transform_indices = @transform_0, window_bounds = array<i64: 2, 5120, 128>}, {transform_indices = @transform_1, window_bounds = array<i64: 5120, 128>}, {transform_indices = @transform_2, window_bounds = array<i64: 2, 5120>}, {pipeline_mode = #tpu.pipeline_mode<synchronous>, transform_indices = @transform_3, window_bounds = array<i64: 1, 128>}, {transform_indices = @transform_4, window_bounds = array<i64: 5120, 128>}]} {
    %get3A = arith.constant 0 : index
    %get3A_0 = arith.constant 0 : index
    %get3A_1 = arith.constant 0 : index
    %get3A_2 = vector.load %arg1[%get3A, %get3A_0, %get3A_1] : memref<2x5120x128xf32, #tpu.memory_space<vmem>>, vector<1x5120x128xf32>
    %get3A_3 = vector.shape_cast %get3A_2 : vector<1x5120x128xf32> to vector<5120x128xf32>
    %get3A_4 = arith.constant 1 : index
    %get3A_5 = arith.constant 0 : index
    %get3A_6 = arith.constant 0 : index
    %get3A_7 = vector.load %arg1[%get3A_4, %get3A_5, %get3A_6] : memref<2x5120x128xf32, #tpu.memory_space<vmem>>, vector<1x5120x128xf32>
    %get3A_8 = vector.shape_cast %get3A_7 : vector<1x5120x128xf32> to vector<5120x128xf32>
    %add3A = arith.addf %get3A_3, %get3A_8 : vector<5120x128xf32>
    %get3A_9 = arith.constant 0 : index
    %get3A_10 = arith.constant 0 : index
    %get3A_11 = vector.load %arg2[%get3A_9, %get3A_10] : memref<5120x128xf32, #tpu.memory_space<vmem>>, vector<5120x128xf32>
    %add3A_12 = arith.addf %add3A, %get3A_11 : vector<5120x128xf32>
    %get3A_13 = arith.constant 0 : index
    %get3A_14 = arith.constant 0 : index
    %get3A_15 = vector.load %arg3[%get3A_13, %get3A_14] : memref<2x5120xf32, #tpu.memory_space<vmem>>, vector<1x5120xf32>
    %get3A_16 = arith.constant 1 : index
    %get3A_17 = arith.constant 0 : index
    %get3A_18 = vector.load %arg3[%get3A_16, %get3A_17] : memref<2x5120xf32, #tpu.memory_space<vmem>>, vector<1x5120xf32>
    %add3A_19 = arith.addf %get3A_15, %get3A_18 : vector<1x5120xf32>
    %add3A_20 = arith.constant 1.000000e+00 : f32
    %add3A_21 = vector.broadcast %add3A_20 : f32 to vector<1x5120xf32>
    %add3A_22 = arith.addf %add3A_19, %add3A_21 : vector<1x5120xf32>
    %rsqrt3A = math.rsqrt %add3A_22 : vector<1x5120xf32>
    %transpose3A = tpu.transpose %rsqrt3A, [1, 0] : vector<1x5120xf32> -> vector<5120x1xf32>
    %mul3A = vector.broadcast %transpose3A : vector<5120x1xf32> to vector<5120x128xf32>
    %mul3A_23 = arith.mulf %add3A_12, %mul3A : vector<5120x128xf32>
    %get3A_24 = arith.constant 0 : index
    %get3A_25 = arith.constant 0 : index
    %get3A_26 = vector.load %arg4[%get3A_24, %get3A_25] : memref<1x128xf32, #tpu.memory_space<vmem>>, vector<1x128xf32>
    %add3A_27 = vector.broadcast %get3A_26 : vector<1x128xf32> to vector<5120x128xf32>
    %add3A_28 = arith.addf %mul3A_23, %add3A_27 : vector<5120x128xf32>
    %max3A = arith.constant 0.000000e+00 : f32
    %max3A_29 = vector.broadcast %max3A : f32 to vector<5120x128xf32>
    %max3A_30 = arith.maximumf %add3A_28, %max3A_29 : vector<5120x128xf32>
    %swap3A = arith.constant 0 : index
    %swap3A_31 = arith.constant 0 : index
    %swap3A_32 = vector.load %arg5[%swap3A, %swap3A_31] : memref<5120x128xf32, #tpu.memory_space<vmem>>, vector<5120x128xf32>
    tpu.vector_store %arg5[%swap3A, %swap3A_31], %max3A_30 {strides = array<i32>} : memref<5120x128xf32, #tpu.memory_space<vmem>>, vector<5120x128xf32>,
    return
  }
  func.func @transform_0(%arg0: i32) -> (i32, i32, i32) {
    %c0_i32 = arith.constant 0 : i32
    %c0_i32_0 = arith.constant 0 : i32
    %c0_i32_1 = arith.constant 0 : i32
    return %c0_i32, %arg0, %c0_i32_0 : i32, i32, i32
  }
  func.func @transform_1(%arg0: i32) -> (i32, i32) {
    %c0_i32 = arith.constant 0 : i32
    %c0_i32_0 = arith.constant 0 : i32
    return %arg0, %c0_i32 : i32, i32
  }
  func.func @transform_2(%arg0: i32) -> (i32, i32) {
    %c0_i32 = arith.constant 0 : i32
    %c0_i32_0 = arith.constant 0 : i32
    return %c0_i32, %arg0 : i32, i32
  }
  func.func @transform_3(%arg0: i32) -> (i32, i32) {
    %c0_i32 = arith.constant 0 : i32
    %c0_i32_0 = arith.constant 0 : i32
    %c0_i32_1 = arith.constant 0 : i32
    return %c0_i32, %c0_i32_0 : i32, i32
  }
  func.func @transform_4(%arg0: i32) -> (i32, i32) {
    %c0_i32 = arith.constant 0 : i32
    %c0_i32_0 = arith.constant 0 : i32
    return %arg0, %c0_i32 : i32, i32
  }
}

</mosaic_0001>

<sc_bundles>
// kernel: kernel.10.cloned.1.call-start
scs
__scs_entry_jumppad:
0x0: {  	(pc) =	sbr.rel $0x88, $3  }
0x1: {  	(tag) =	ssettag $0x0;
	lr =	simm.s32 $0x1  }
0x2: {  	[smem:$0x3F9D] =	sst lr;
	_ =	strace $0xD0000000  }
0x3: {  	_ = 	snop  }
0x4: {  	_ = 	snop  }
0x5: {  	_ = 	snop  }
0x6: {  	_ = 	snop  }
0x7: {  	_ = 	snop  }
__scs_overlays_trampoline_lowered:
0x8: {  	[smem:$0x3FAC] =	sst s0  }
0x9: {  	[smem:$0x3FAD] =	sst s1  }
0xa: {  	[smem:$0x3FAE] =	sst s2  }
0xb: {  	[smem:$0x3FAF] =	sst s3  }
0xc: {  	[smem:$0x3FB0] =	sst s4  }
0xd: {  	[smem:$0x3FB1] =	sst s5  }
0xe: {  	[smem:$0x3FB2] =	sst s6  }
0xf: {  	[smem:$0x3FB3] =	sst s7  }
0x10: {  	[smem:$0x3FB4] =	sst s8  }
0x11: {  	[smem:$0x3FB5] =	sst s9;
	s0 =	simm.s32 @!p0 $0x0  }
0x12: {  	s1 =	sld [smem:$0x3F9B];
	s0 =	simm.s32 @p0 $0x1  }
0x13: {  	[smem:$0x3FB6] =	sst s0;
	s0 =	simm.s32 @!p1 $0x0  }
0x14: {  	s2 =	sld [smem:$0x3F9A];
	s0 =	simm.s32 @p1 $0x1  }
0x15: {  	[smem:$0x3FB7] =	sst s0;
	s0 =	simm.s32 @!p2 $0x0  }
0x16: {  	s3 =	sld [smem:$0x3FDB];
	s0 =	simm.s32 @p2 $0x1  }
0x17: {  	s4 =	simm.s32 $0x1BF5;
	[smem:$0x3FB9] =	sst s0  }
0x18: {  	s0 =	sld [smem:$0x3F9C];
	_ =	swait.ge [sflag:s4], $0x0  }
0x19: {  	s7 =	sld [smem:$0x3F9D]  }
0x1a: {  	s8 =	sadd.s32 $0xFFFFE003, lr  }
0x1b: {  	s9 =	sadd.s32 $0xFFFFFEF7, lr;
	s5 =	simm.s32 $0xFFFFFFFF;
	p2 =	slt.u32 s8, $0xFFFFF086  }
0x1c: {  	p1 =	slt.u32 s9, $0xF7A;
	s5 =	simm.s32 @!p2 $0x0  }
0x1d: {  	s5 =	simm.s32 @p1 $0x1;
	p0 =	seq.s32 s7, s2  }
0x1e: {  	s7 =	smul.u32 @!p0 $0xF7A, s2;
	p2 =	seq.s32 @!p0 s5, $0x0  }
0x1f: {  	s9 =	smul.u32 $0xF7A, s1;
	s8 =	simm.s32 @!p0 $0x1BF5;
	p2 =	por !p2, p0  }
0x20: {  	[sflag:s8] =	ssyncset.s32 @!p0 $0xFFFFF086;
	s6 =	sadd.s32 @!p0 s3, s7;
	s7 =	simm.s32 @!p0 $0x108  }
0x21: {  	s3 =	sadd.s32 s3, s9;
	s6 =	sadd.s32 @!p0 $0x88, s6;
	s7 =	simm.s32 @p2 $0x1082  }
0x22: {  	[simem:s7], [sflag:s8] =	dma.local @!p0 [hbm:s6], $0xF7A  }
0x23: {  	s9 =	sor.u32 $0xD0000000, s2;
	s6 =	simm.s32 $0x108;
	_ =	swait.ge @!p0 [sflag:s8], $0x0  }
0x24: {  	s3 =	sadd.s32 $0x88, s3;
	s6 =	simm.s32 @!p1 $0x1082;
	[sflag:s4] =	ssyncset.s32 $0xFFFFF086  }
0x25: {  	[simem:s6], [sflag:s4] =	dma.local [hbm:s3], $0xF7A  }
0x26: {  	[smem:$0x3F9D] =	sst s1;
	(tag) =	ssettag s2;
	_ =	strace s9  }
0x27: {  	s1 =	sld [smem:$0x3FAD]  }
0x28: {  	s2 =	sld [smem:$0x3FAE]  }
0x29: {  	s4 =	sld [smem:$0x3FB0]  }
0x2a: {  	p0 =	seq.s32 s5, $0x0;
	s5 =	sld [smem:$0x3FB1]  }
0x2b: {  	s6 =	sld [smem:$0x3FB2]  }
0x2c: {  	s7 =	sld [smem:$0x3FB3]  }
0x2d: {  	s3 =	simm.s32 $0x108;
	s8 =	sld [smem:$0x3FB4]  }
0x2e: {  	s3 =	simm.s32 @!p0 $0x1082;
	s9 =	sld [smem:$0x3FB5]  }
0x2f: {  	lr =	sadd.s32 s0, s3;
	s0 =	sld [smem:$0x3FAC]  }
0x30: {  	s3 =	sld [smem:$0x3FAF]  }
0x31: {  	[smem:$0x3FB8] =	sst s10  }
0x32: {  	s10 =	sld [smem:$0x3FB6];
	_ =	sdelay $0x3  }
0x33: {  	p0 =	seq.s32 s10, $0x1;
	s10 =	sld [smem:$0x3FB8];
	_ =	sdelay $0x3  }
0x34: {  	[smem:$0x3FB8] =	sst s10  }
0x35: {  	s10 =	sld [smem:$0x3FB7];
	_ =	sdelay $0x3  }
0x36: {  	p1 =	seq.s32 s10, $0x1;
	s10 =	sld [smem:$0x3FB8];
	_ =	sdelay $0x3  }
0x37: {  	[smem:$0x3FB8] =	sst s10  }
0x38: {  	s10 =	sld [smem:$0x3FB9]  }
0x39: {  	_ = 	snop;
	(pc) =	sbr.ind lr, $3  }
0x3a: {  	_ = 	snop  }
0x3b: {  	_ = 	snop  }
0x3c: {  	p2 =	seq.s32 s10, $0x1;
	s10 =	sld [smem:$0x3FB8]  }
0x3d: {  	_ =	shalt  }
0x3e: {  	_ =	shalt  }
0x3f: {  	_ =	shalt  }
0x40: {  	_ =	shalt  }
0x41: {  	_ =	shalt  }
0x42: {  	_ =	shalt  }
0x43: {  	_ =	shalt  }
0x44: {  	_ =	shalt  }
0x45: {  	_ =	shalt  }
0x46: {  	_ =	shalt  }
0x47: {  	_ =	shalt  }
0x48: {  	_ =	shalt  }
0x49: {  	_ =	shalt  }
0x4a: {  	_ =	shalt  }
0x4b: {  	_ =	shalt  }
0x4c: {  	_ =	shalt  }
0x4d: {  	_ =	shalt  }
0x4e: {  	_ =	shalt  }
0x4f: {  	_ =	shalt  }
0x50: {  	_ =	shalt  }
0x51: {  	_ =	shalt  }
0x52: {  	_ =	shalt  }
0x53: {  	_ =	shalt  }
0x54: {  	_ =	shalt  }
0x55: {  	_ =	shalt  }
0x56: {  	_ =	shalt  }
0x57: {  	_ =	shalt  }
0x58: {  	_ =	shalt  }
0x59: {  	_ =	shalt  }
0x5a: {  	_ =	shalt  }
0x5b: {  	_ =	shalt  }
0x5c: {  	_ =	shalt  }
0x5d: {  	_ =	shalt  }
0x5e: {  	_ =	shalt  }
0x5f: {  	_ =	shalt  }
0x60: {  	_ =	shalt  }
0x61: {  	_ =	shalt  }
0x62: {  	_ =	shalt  }
0x63: {  	_ =	shalt  }
0x64: {  	_ =	shalt  }
0x65: {  	_ =	shalt  }
0x66: {  	_ =	shalt  }
0x67: {  	_ =	shalt  }
0x68: {  	_ =	shalt  }
0x69: {  	_ =	shalt  }
0x6a: {  	_ =	shalt  }
0x6b: {  	_ =	shalt  }
0x6c: {  	_ =	shalt  }
0x6d: {  	_ =	shalt  }
0x6e: {  	_ =	shalt  }
0x6f: {  	_ =	shalt  }
0x70: {  	_ =	shalt  }
0x71: {  	_ =	shalt  }
0x72: {  	_ =	shalt  }
0x73: {  	_ =	shalt  }
0x74: {  	_ =	shalt  }
0x75: {  	_ =	shalt  }
0x76: {  	_ =	shalt  }
0x77: {  	_ =	shalt  }
0x78: {  	_ =	shalt  }
0x79: {  	_ =	shalt  }
0x7a: {  	_ =	shalt  }
0x7b: {  	_ =	shalt  }
0x7c: {  	_ =	shalt  }
0x7d: {  	_ =	shalt  }
0x7e: {  	_ =	shalt  }
0x7f: {  	_ =	shalt  }
0x80: {  	_ =	shalt  }
0x81: {  	_ =	shalt  }
0x82: {  	_ =	shalt  }
0x83: {  	_ =	shalt  }
0x84: {  	_ =	shalt  }
0x85: {  	_ =	shalt  }
0x86: {  	_ =	shalt  }
0x87: {  	_ =	shalt  }
.Lfunc_end0:
.L_simem_size_0:
called_computation.1_lowered:
.L_overlay_start_0:
0x88: {  	s2 =	sld [smem:$0x3FD9]  }
0x89: {  	s3 =	sld [smem:$0x3FFE];
	_ =	sdelay $0x1  }
0x8a: {  	s1 =	srdreg.scid  }
0x8b: {  	s0 =	sand.u32 $0x1, s1  }
0x8c: {  	s17 =	sshll.u32 s0, $0xA;
	s2 =	sadd.s32 s3, s2  }
0x8d: {  	s2 =	sadd.s32 s2, s17  }
0x8e: {  	[smem:$0x3FC4] =	sst s2  }
0x8f: {  	_ = 	snop  }
0x90: {  	s2 =	sld [smem:$0x3FC8];
	(tm) =	ssettm $0x1  }
0x91: {  	s18 =	sld [smem:$0x3FFB];
	_ =	sdelay $0x3  }
0x92: {  	_ =	strace s18  }
0x93: {  	s3 =	sld [smem:$0x3FFC];
	_ =	sdelay $0x3  }
0x94: {  	_ =	strace s3  }
0x95: {  	s3 =	sld [smem:$0x3FFD];
	_ =	sdelay $0x3  }
0x96: {  	_ =	strace s3  }
0x97: {  	_ =	strace $0x8FFFFFFF  }
0x98: {  	s19 =	sld [smem:$0x3FDB];
	_ =	sdelay $0x1  }
0x99: {  	s4 =	simm.s32 $_scs_section_size  }
0x9a: {  	s5 =	simm.s32 $_size__tile_overlayer_lowered;
	s6 =	simm.s32 $_tile_overlayer_lowered  }
0x9b: {  	s22 =	simm.s32 $0x1BFF;
	s21 =	sshll.u32 s6, $0x1;
	s3 =	sadd.s32 s4, s19  }
0x9c: {  	s7 =	simm.s32 $0x0;
	s20 =	sshll.u32 s5, $0x1;
	s5 =	sadd.s32 s21, s3  }
0x9d: {  	[timem:s7], [sflag:s22] =	dma.local [hbm:s5], s20  }
0x9e: {  	_ =	swait.ge [sflag:s22], s20  }
0x9f: {  	s4 =	ssub.s32 $0x0, s20;
	[sflag:s22] =	ssyncset.done $0x0  }
0xa0: {  	[sflag:s22] =	ssyncadd.s32 s4;
	_ =	sdelay $0x1  }
0xa1: {  	s23 =	simm.s32 $0x1B8B  }
0xa2: {  	_ =	swait.ge [sflag:s23], $0x1  }
0xa3: {  	[sflag:s23] =	ssyncset.done $0x0  }
0xa4: {  	s25 =	simm.s32 $0x1B8E;
	s24 =	sld [smem:$0x3FFE];
	[sflag:s23] =	ssyncadd.s32 $0xFFFFFFFF  }
0xa5: {  	s26 =	simm.s32 $execute0_lowered;
	[smem:$0x3FD2] =	sst s25  }
0xa6: {  	s5 =	sshll.u32 s26, $0x1;
	_ =	strace $0x80000049;
	[dreg:$0x1] =	wrdreg $0xFFFFFFFF  }
0xa7: {  	s28 =	simm.s32 $_size_execute0_lowered;
	s3 =	sadd.s32 s3, s5;
	[dreg:$0x0] =	wrdreg $0x0  }
0xa8: {  	s5 =	sshll.u32 s28, $0x1;
	[dreg:$0x2] =	wrdreg s3  }
0xa9: {  	[dreg:$0x3] =	wrdreg s5  }
0xaa: {  	[dreg:$0x4] =	wrdreg $0xC0  }
0xab: {  	_ =	task [dreg:s7], $0x5FFFF  }
0xac: {  	[dreg:$0x1] =	wrdreg $0xFFFFFFFF  }
0xad: {  	[dreg:$0x0] =	wrdreg $0x60  }
0xae: {  	[dreg:$0x2] =	wrdreg s24  }
0xaf: {  	[dreg:$0x3] =	wrdreg s2  }
0xb0: {  	[dreg:$0x4] =	wrdreg $0x84000  }
0xb1: {  	[dreg:$0x5] =	wrdreg $0x9  }
0xb2: {  	_ =	task.clear_ibuf [dreg:s7], $0x6FFFF;
	_ =	strace $0x90000049  }
0xb3: {  	s29 =	simm.s32 $0x9;
	_ =	strace $0x8000004B  }
0xb4: {  	_ =	swait.ge [sflag:s29], $0x1  }
0xb5: {  	[sflag:s29] =	ssyncadd.s32 $0xFFFFFFFF  }
0xb6: {  	_ =	strace $0x9000004B  }
0xb7: {  	_ =	sfence  }
0xb8: {  	s30 =	sld [smem:$0x0];
	_ =	sdelay $0x2  }
0xb9: {  	s31 =	sshll.u32 s1, $0xD;
	s1 =	sshrl.u32 s1, $0x2  }
0xba: {  	s3 =	sand.u32 $0x4000, s31;
	s1 =	sadd.s32 s1, s30  }
0xbb: {  	s0 =	sor.u32 s3, s0;
	s1 =	sshll.u32 s1, $0x11  }
0xbc: {  	s0 =	sor.u32 s1, s0  }
0xbd: {  	s0 =	sadd.s32 $0x8F2B, s0  }
0xbe: {  	[sflag:s0] =	ssyncadd.remote.s32 $0x1  }
0xbf: {  	_ =	sfence.sel $0xFFFF  }
0xc0: {  	[dreg:$0x0] =	wrdreg $0xFFFFFFFF;
	(pc) =	sbr.abs _section_cstart, $3  }
0xc1: {  	[dreg:$0x1] =	wrdreg $0xFFFFFFFF  }
0xc2: {  	_ =	task.clear_ibuf [dreg:s7], $0x2FFFF;
	_ =	strace $0x9FFFFFFF  }
0xc3: {  	(tm) =	ssettm $0x7FFFFFFF  }
tec
execute0_lowered:
.L_overlay_start_1:
0x0: {  	(tag) =	ssettag $0x1  }
0x1: {  	s0 =	rddreg [dreg:$0x0];
	s1 =	srdreg.scid  }
0x2: {  	s11 =	rddreg [dreg:$0x1];
	s2 =	stileid.u32  }
0x3: {  	s3 =	rddreg [dreg:$0x2];
	s6 =	smul.u32 $0x14000, s2  }
0x4: {  	s4 =	simm.s32 $0x0;
	s28 =	simm.s32 $0x6;
	s7 =	smul.u32 $0x50000, s2  }
0x5: {  	s29 =	simm.s32 $0x4;
	s1 =	sand.u32 $0x1, s1;
	s18 =	smul.u32 $0x4E00, s2  }
0x6: {  	[smem:$0x7FF] =	sst s4;
	s17 =	sshll.u32 s2, $0x5;
	s5 =	smul.u32 $0x140000, s1  }
0x7: {  	_ =	strace $0x8000004A;
	s10 =	sshll.u32 s1, $0x4;
	s8 =	ssub.s32 $0x2, s1  }
0x8: {  	s1 =	smul.u32 $0x4E000, s1;
	s9 =	sor.u32 s2, s10;
	s12 =	sshrl.u32 s7, $0x2  }
0x9: {  	s13 =	sshrl.u32 s8, $0x1;
	s5 =	sadd.s32 s6, s5;
	s30 =	sadd.s32 s12, s3  }
0xa: {  	s10 =	smul.u32 $0x4E00, s9;
	s7 =	ssub.s32 s8, s13;
	s8 =	sadd.s32 s17, s11  }
0xb: {  	s1 =	sadd.s32 s18, s1;
	p0 =	sgt.u32 s9, $0x3;
	s9 =	simm.s32 $0x180  }
0xc: {  	s6 =	sshrl.u32 s5, $0x3;
	s14 =	sadd.s32 $0x8000, s30;
	[dreg:$0x4] =	wrdreg s30  }
0xd: {  	s5 =	sadd.s32 $0x1600, s0;
	s15 =	sadd.s32 $0xC000, s30;
	[dreg:$0x6] =	wrdreg s14  }
0xe: {  	s19 =	sadd.s32 $0x10000, s30;
	s22 =	sadd.s32 $0x13800, s8;
	[dreg:$0x7] =	wrdreg s15  }
0xf: {  	s23 =	sadd.s32 $0x13810, s8;
	s24 =	sadd.s32 $0x480, s1;
	[dreg:$0x9] =	wrdreg s19  }
0x10: {  	s25 =	smax.u32 s7, $0x1;
	s26 =	sadd.s32 $0x580, s1;
	[dreg:$0xc] =	wrdreg s22  }
0x11: {  	s31 =	sadd.s32 $0x400, s1;
	s8 =	sadd.s32 $0x500, s1;
	[dreg:$0xd] =	wrdreg s23  }
0x12: {  	s12 =	sadd.s32 $0x700, s1;
	s0 =	sadd.s32 s6, s0;
	[dreg:$0xf] =	wrdreg s25  }
0x13: {  	s6 =	sadd.s32 $0x4000, s30;
	s16 =	sshrl.u32 s10, $0x3;
	[dreg:$0x10] =	wrdreg s31  }
0x14: {  	s7 =	sshrl.u32 s26, $0x3;
	s10 =	sadd.s32 $0x780, s1;
	s13 =	sshrl.u32 s12, $0x3  }
0x15: {  	s14 =	sadd.s32 $0x680, s1;
	s1 =	sadd.s32 $0x600, s1;
	s12 =	simm.s32 $0x280  }
0x16: {  	[dreg:$0x5] =	wrdreg s6;
	s6 =	sadd.s32 s11, s16;
	s0 =	sadd.s32 $0x29600, s0  }
0x17: {  	s23 =	sadd.s32 s13, s11;
	s15 =	sshrl.u32 s14, $0x3;
	s1 =	sshrl.u32 s1, $0x3  }
0x18: {  	s13 =	simm.s32 $0x300;
	s14 =	simm.s32 $0x380;
	s20 =	sadd.s32 $0x10, s6  }
0x19: {  	s21 =	sadd.s32 $0x20, s6;
	[dreg:$0xe] =	wrdreg s0;
	s0 =	sshrl.u32 s24, $0x3  }
0x1a: {  	s24 =	sadd.s32 s15, s11;
	s25 =	sadd.s32 s1, s11;
	[dreg:$0x8] =	wrdreg s6  }
0x1b: {  	s16 =	sadd.s32 $0x30, s6;
	s17 =	sadd.s32 $0x40, s6;
	[dreg:$0xa] =	wrdreg s20  }
0x1c: {  	s18 =	sadd.s32 $0x50, s6;
	s26 =	sadd.s32 $0x60, s6;
	[dreg:$0xb] =	wrdreg s21  }
0x1d: {  	s31 =	sadd.s32 $0x70, s6;
	s1 =	simm.s32 $0x400;
	[dreg:$0x11] =	wrdreg s16  }
0x1e: {  	s15 =	simm.s32 $0x1;
	s6 =	simm.s32 $0x0;
	[dreg:$0x12] =	wrdreg s17  }
0x1f: {  	s19 =	sadd.s32 s0, s11;
	s20 =	sadd.s32 s7, s11;
	[dreg:$0x13] =	wrdreg s18  }
.Ltmp0:
0x20: {  	s0 =	sshrl.u32 s8, $0x3;
	[dreg:$0x14] =	wrdreg s26;
	(pc) =	sbr.rel .LBB2_1-.Ltmp0, $4  }
0x21: {  	s7 =	sshrl.u32 s10, $0x3;
	[dreg:$0x15] =	wrdreg s31;
	s8 =	simm.s32 $0x100  }
0x22: {  	s16 =	simm.s32 $0x2;
	s17 =	simm.s32 $0x4400;
	s18 =	simm.s32 $0x5  }
0x23: {  	s26 =	simm.s32 $0x3;
	s21 =	sadd.s32 s0, s11;
	s22 =	sadd.s32 s7, s11  }
0x24: {  	v0 =	vimm.f32 $0.0e+00;
	s0 =	simm.s32 $0x7;
	s7 =	simm.s32 $0x80;
	s11 =	simm.s32 $0x200  }
.LBB2_6:
0x25: {  	_ =	swait.ge [sflag:s16], $0x80  }
0x26: {  	[sflag:s16] =	ssyncset.done $0x0  }
0x27: {  	[sflag:s16] =	ssyncadd.s32 $0xFFFFFF80  }
0x28: {  	_ =	swait.ge [sflag:s16], $0x80  }
0x29: {  	[sflag:s16] =	ssyncset.done $0x0  }
0x2a: {  	[sflag:s16] =	ssyncadd.s32 $0xFFFFFF80  }
0x2b: {  	[tilespmem:s17], [sflag:$0x6] =	stream.indirect.gather [hbm4b:s5+s7], $0x80, s8, s7, $0xb8;
	[tilespmem:$0x1C400] =	vst v63  }
0x2c: {  	_ =	swait.ge [sflag:s18], $0x4000  }
0x2d: {  	[sflag:s18] =	ssyncset.done $0x0  }
0x2e: {  	[sflag:s18] =	ssyncadd.s32 $0xFFFFC000  }
0x2f: {  	[spmem:s3] =	stream.indirect.scatter.add.f32 [tilespmem:s1], [sflag:$0x7], $0x80, s7, s7, $0xb8;
	[tilespmem:$0x1C400] =	vst v63  }
0x30: {  	_ =	swait.ge [sflag:s0], $0x4000  }
0x31: {  	[sflag:s0] =	ssyncset.done $0x0  }
0x32: {  	[sflag:s0] =	ssyncadd.s32 $0xFFFFC000  }
0x33: {  	_ =	swait.ge [sflag:s28], $0x4000  }
0x34: {  	[sflag:s28] =	ssyncset.done $0x0  }
0x35: {  	[sflag:s28] =	ssyncadd.s32 $0xFFFFC000  }
0x36: {  	[spmem:s3] =	stream.indirect.scatter.add.f32 [tilespmem:s17], [sflag:$0x7], $0x80, s9, s7, $0xb8;
	[tilespmem:$0x1C400] =	vst v63  }
0x37: {  	_ =	swait.ge [sflag:s0], $0x4000  }
0x38: {  	[sflag:s0] =	ssyncset.done $0x0  }
0x39: {  	s2 =	simm.s32 @!p0 $0x0;
	s6 =	rddreg [dreg:$0xc];
	[sflag:s0] =	ssyncadd.s32 $0xFFFFC000  }
0x3a: {  	[tilespmem:s2], [sflag:$0x1] =	stream.linear.gather @!p0 [hbm4b:s6+s2], $0x80, $0x38;
	[tilespmem:$0x1C400] =	vst v63  }
0x3b: {  	s10 =	rddreg [dreg:$0xd];
	s6 =	simm.s32 @!p0 $0x80  }
0x3c: {  	[tilespmem:s6], [sflag:$0x1] =	stream.linear.gather @!p0 [hbm4b:s10+s2], $0x80, $0x38;
	[tilespmem:$0x1C400] =	vst v63  }
0x3d: {  	s10 =	simm.s32 @!p0 $0x1  }
0x3e: {  	_ =	swait.ge @!p0 [sflag:s10], $0x80  }
0x3f: {  	[sflag:s10] =	ssyncset.done @!p0 $0x0  }
0x40: {  	[sflag:s10] =	ssyncadd.s32 @!p0 $0xFFFFFF80  }
0x41: {  	_ =	swait.ge @!p0 [sflag:s10], $0x80  }
0x42: {  	[sflag:s10] =	ssyncset.done @!p0 $0x0  }
0x43: {  	[sflag:s10] =	ssyncadd.s32 @!p0 $0xFFFFFF80;
	s10 =	simm.s32 @!p0 $0x400  }
0x44: {  	[tilespmem:s10], [sflag:$0x5] =	stream.indirect.gather @!p0 [hbm4b:s5+s6], $0x80, s2, s6, $0xb8;
	[tilespmem:$0x1C400] =	vst v63  }
0x45: {  	s2 =	simm.s32 @!p0 $0x5  }
0x46: {  	_ =	swait.ge @!p0 [sflag:s2], $0x4000  }
0x47: {  	[sflag:s2] =	ssyncset.done @!p0 $0x0  }
0x48: {  	[sflag:s2] =	ssyncadd.s32 @!p0 $0xFFFFC000;
	s2 =	simm.s32 @!p0 $0x7  }
0x49: {  	[spmem:s3] =	stream.indirect.scatter.add.f32 @!p0 [tilespmem:s10], [sflag:$0x7], $0x80, s6, s6, $0xb8;
	[tilespmem:$0x1C400] =	vst v63  }
0x4a: {  	_ =	swait.ge @!p0 [sflag:s2], $0x4000  }
0x4b: {  	[sflag:s2] =	ssyncset.done @!p0 $0x0  }
0x4c: {  	[sflag:s2] =	ssyncadd.s32 @!p0 $0xFFFFC000  }
0x4d: {  	s6 =	stileid.u32;
	[bflag:$0x0] =	sbarrier.arrive $0xFFFF  }
0x4e: {  	s2 =	sshll.u32 s6, $0x6;
	s30 =	rddreg [dreg:$0x4]  }
0x4f: {  	s2 =	sor.u32 $0x1C07, s2;
	s31 =	rddreg [dreg:$0xe];
	s10 =	sshrl.u32 s30, $0x3  }
0x50: {  	[hbm:s31], [sflag:s2] =	dma.local [spmem:s10], $0x2800  }
0x51: {  	_ =	swait.ge [sflag:s0], $0x2800  }
0x52: {  	s10 =	rddreg [dreg:$0x16]  }
0x53: {  	s31 =	rddreg [dreg:$0xf];
	s6 =	sadd.s32 $0x1, s10  }
0x54: {  	p1 =	sne.s32 s6, s31  }
.Ltmp1:
0x55: {  	_ = 	snop;
	(pc) =	sbr.rel @!p1 .LBB2_7-.Ltmp1, $3  }
0x56: {  	_ =	sdelay $0x1  }
0x57: {  	[sflag:s0] =	ssyncset.done $0x0  }
0x58: {  	[sflag:s0] =	ssyncadd.s32 $0xFFFFD800  }
.LBB2_1:
0x59: {  	[dreg:$0x16] =	wrdreg s6;
	s10 =	simm.s32 $0x0;
	s31 =	simm.s32 $0x200  }
.LBB2_2:
0x5a: {  	p1 =	sne.s32 s31, $0xFE00;
	[tilespmem:s10+$0x470] =	vst v0  }
0x5b: {  	[tilespmem:s10+$0x400] =	vst v0  }
0x5c: {  	[tilespmem:s10+$0x410] =	vst v0  }
.Ltmp2:
0x5d: {  	[tilespmem:s10+$0x420] =	vst v0;
	(pc) =	sbr.rel @p1 .LBB2_2-.Ltmp2, $4  }
0x5e: {  	[tilespmem:s10+$0x430] =	vst v0  }
0x5f: {  	[tilespmem:s10+$0x440] =	vst v0  }
0x60: {  	[tilespmem:s10+$0x450] =	vst v0  }
0x61: {  	[tilespmem:s10+$0x460] =	vst v0;
	s10 =	sshra.s32 s31, $0x2;
	s31 =	sadd.s32 $0x200, s31  }
0x62: {  	[tilespmem:s10+$0x470] =	vst v0  }
0x63: {  	[tilespmem:s10+$0x400] =	vst v0  }
0x64: {  	[tilespmem:s10+$0x410] =	vst v0  }
0x65: {  	[tilespmem:s10+$0x420] =	vst v0  }
0x66: {  	[tilespmem:s10+$0x430] =	vst v0  }
0x67: {  	[tilespmem:s10+$0x440] =	vst v0  }
0x68: {  	[tilespmem:s10+$0x450] =	vst v0  }
0x69: {  	[tilespmem:s10+$0x460] =	vst v0  }
0x6a: {  	[spmem:s30] =	stream.linear.scatter [tilespmem:s1], [sflag:$0x7], $0x4000, $0x38;
	[tilespmem:$0x1C400] =	vst v63  }
0x6b: {  	_ =	swait.ge [sflag:s0], $0x4000  }
0x6c: {  	[sflag:s0] =	ssyncset.done $0x0  }
0x6d: {  	s2 =	rddreg [dreg:$0x5];
	[sflag:s0] =	ssyncadd.s32 $0xFFFFC000  }
0x6e: {  	[spmem:s2] =	stream.linear.scatter [tilespmem:s1], [sflag:$0x7], $0x4000, $0x38;
	[tilespmem:$0x1C400] =	vst v63  }
0x6f: {  	_ =	swait.ge [sflag:s0], $0x4000  }
0x70: {  	[sflag:s0] =	ssyncset.done $0x0  }
0x71: {  	s10 =	rddreg [dreg:$0x6];
	[sflag:s0] =	ssyncadd.s32 $0xFFFFC000  }
0x72: {  	[spmem:s10] =	stream.linear.scatter [tilespmem:s1], [sflag:$0x7], $0x4000, $0x38;
	[tilespmem:$0x1C400] =	vst v63  }
0x73: {  	_ =	swait.ge [sflag:s0], $0x4000  }
0x74: {  	[sflag:s0] =	ssyncset.done $0x0  }
0x75: {  	s30 =	rddreg [dreg:$0x7];
	[sflag:s0] =	ssyncadd.s32 $0xFFFFC000  }
0x76: {  	[spmem:s30] =	stream.linear.scatter [tilespmem:s1], [sflag:$0x7], $0x4000, $0x38;
	[tilespmem:$0x1C400] =	vst v63  }
0x77: {  	_ =	swait.ge [sflag:s0], $0x4000  }
0x78: {  	[sflag:s0] =	ssyncset.done $0x0  }
0x79: {  	s6 =	rddreg [dreg:$0x9];
	[sflag:s0] =	ssyncadd.s32 $0xFFFFC000  }
0x7a: {  	[spmem:s6] =	stream.linear.scatter [tilespmem:s1], [sflag:$0x7], $0x4000, $0x38;
	[tilespmem:$0x1C400] =	vst v63  }
0x7b: {  	_ =	swait.ge [sflag:s0], $0x4000  }
0x7c: {  	[sflag:s0] =	ssyncset.done $0x0  }
0x7d: {  	[sflag:s0] =	ssyncadd.s32 $0xFFFFC000  }
0x7e: {  	[bflag:$0x0] =	sbarrier.arrive $0xFFFF  }
0x7f: {  	s31 =	simm.s32 $0x0;
	s10 =	rddreg [dreg:$0x8]  }
0x80: {  	[tilespmem:s31], [sflag:$0x1] =	stream.linear.gather [hbm4b:s10+s31], $0x80, $0x38;
	[tilespmem:$0x1C400] =	vst v63  }
0x81: {  	s30 =	rddreg [dreg:$0xa]  }
0x82: {  	[tilespmem:s7], [sflag:$0x1] =	stream.linear.gather [hbm4b:s30+s31], $0x80, $0x38;
	[tilespmem:$0x1C400] =	vst v63  }
0x83: {  	s6 =	rddreg [dreg:$0xb]  }
0x84: {  	[tilespmem:s8], [sflag:$0x2] =	stream.linear.gather [hbm4b:s6+s31], $0x80, $0x38;
	[tilespmem:$0x1C400] =	vst v63  }
0x85: {  	s10 =	rddreg [dreg:$0x11]  }
0x86: {  	[tilespmem:s9], [sflag:$0x2] =	stream.linear.gather [hbm4b:s10+s31], $0x80, $0x38;
	[tilespmem:$0x1C400] =	vst v63  }
0x87: {  	s30 =	rddreg [dreg:$0x12]  }
0x88: {  	[tilespmem:s11], [sflag:$0x3] =	stream.linear.gather [hbm4b:s30+s31], $0x80, $0x38;
	[tilespmem:$0x1C400] =	vst v63  }
0x89: {  	s6 =	rddreg [dreg:$0x13]  }
0x8a: {  	[tilespmem:s12], [sflag:$0x3] =	stream.linear.gather [hbm4b:s6+s31], $0x80, $0x38;
	[tilespmem:$0x1C400] =	vst v63  }
0x8b: {  	s10 =	rddreg [dreg:$0x14]  }
0x8c: {  	[tilespmem:s13], [sflag:$0x4] =	stream.linear.gather [hbm4b:s10+s31], $0x80, $0x38;
	[tilespmem:$0x1C400] =	vst v63  }
0x8d: {  	s30 =	rddreg [dreg:$0x15]  }
0x8e: {  	[tilespmem:s14], [sflag:$0x4] =	stream.linear.gather [hbm4b:s30+s31], $0x80, $0x38;
	[tilespmem:$0x1C400] =	vst v63  }
0x8f: {  	_ =	swait.ge [sflag:s15], $0x80  }
0x90: {  	[sflag:s15] =	ssyncset.done $0x0  }
0x91: {  	[sflag:s15] =	ssyncadd.s32 $0xFFFFFF80  }
0x92: {  	_ =	swait.ge [sflag:s15], $0x80  }
0x93: {  	[sflag:s15] =	ssyncset.done $0x0  }
0x94: {  	s10 =	rddreg [dreg:$0x10];
	[sflag:s15] =	ssyncadd.s32 $0xFFFFFF80  }
0x95: {  	[tilespmem:s1], [sflag:$0x5] =	stream.indirect.gather [hbm4b:s5+s7], $0x80, s31, s7, $0xb8;
	[tilespmem:$0x1C400] =	vst v63  }
.LBB2_4:
0x96: {  	_ =	swait.ge [sflag:s16], $0x80  }
0x97: {  	[sflag:s16] =	ssyncset.done $0x0  }
0x98: {  	[sflag:s16] =	ssyncadd.s32 $0xFFFFFF80  }
0x99: {  	_ =	swait.ge [sflag:s16], $0x80  }
0x9a: {  	[sflag:s16] =	ssyncset.done $0x0  }
0x9b: {  	[sflag:s16] =	ssyncadd.s32 $0xFFFFFF80  }
0x9c: {  	[tilespmem:s17], [sflag:$0x6] =	stream.indirect.gather [hbm4b:s5+s7], $0x80, s8, s7, $0xb8;
	[tilespmem:$0x1C400] =	vst v63  }
0x9d: {  	_ =	swait.ge [sflag:s18], $0x4000  }
0x9e: {  	[sflag:s18] =	ssyncset.done $0x0  }
0x9f: {  	[sflag:s18] =	ssyncadd.s32 $0xFFFFC000  }
0xa0: {  	[spmem:s3] =	stream.indirect.scatter.add.f32 [tilespmem:s1], [sflag:$0x7], $0x80, s7, s7, $0xb8;
	[tilespmem:$0x1C400] =	vst v63  }
0xa1: {  	_ =	swait.ge [sflag:s0], $0x4000  }
0xa2: {  	[sflag:s0] =	ssyncset.done $0x0  }
0xa3: {  	[sflag:s0] =	ssyncadd.s32 $0xFFFFC000  }
0xa4: {  	s6 =	sshrl.u32 s10, $0x3;
	s2 =	rddreg [dreg:$0x1]  }
0xa5: {  	s6 =	sadd.s32 s2, s6  }
0xa6: {  	[tilespmem:s4], [sflag:$0x1] =	stream.linear.gather [hbm4b:s6+s4], $0x80, $0x38;
	[tilespmem:$0x1C400] =	vst v63  }
0xa7: {  	s30 =	sadd.s32 s31, s19  }
0xa8: {  	[tilespmem:s7], [sflag:$0x1] =	stream.linear.gather [hbm4b:s30+s4], $0x80, $0x38;
	[tilespmem:$0x1C400] =	vst v63  }
0xa9: {  	_ =	swait.ge [sflag:s26], $0x80  }
0xaa: {  	[sflag:s26] =	ssyncset.done $0x0  }
0xab: {  	[sflag:s26] =	ssyncadd.s32 $0xFFFFFF80  }
0xac: {  	_ =	swait.ge [sflag:s26], $0x80  }
0xad: {  	[sflag:s26] =	ssyncset.done $0x0  }
0xae: {  	[sflag:s26] =	ssyncadd.s32 $0xFFFFFF80  }
0xaf: {  	[tilespmem:s1], [sflag:$0x5] =	stream.indirect.gather [hbm4b:s5+s7], $0x80, s11, s7, $0xb8;
	[tilespmem:$0x1C400] =	vst v63  }
0xb0: {  	_ =	swait.ge [sflag:s28], $0x4000  }
0xb1: {  	[sflag:s28] =	ssyncset.done $0x0  }
0xb2: {  	[sflag:s28] =	ssyncadd.s32 $0xFFFFC000  }
0xb3: {  	[spmem:s3] =	stream.indirect.scatter.add.f32 [tilespmem:s17], [sflag:$0x7], $0x80, s9, s7, $0xb8;
	[tilespmem:$0x1C400] =	vst v63  }
0xb4: {  	_ =	swait.ge [sflag:s0], $0x4000  }
0xb5: {  	[sflag:s0] =	ssyncset.done $0x0  }
0xb6: {  	s2 =	sadd.s32 s31, s21;
	[sflag:s0] =	ssyncadd.s32 $0xFFFFC000  }
0xb7: {  	[tilespmem:s8], [sflag:$0x2] =	stream.linear.gather [hbm4b:s2+s4], $0x80, $0x38;
	[tilespmem:$0x1C400] =	vst v63  }
0xb8: {  	s30 =	sadd.s32 s31, s20  }
0xb9: {  	[tilespmem:s9], [sflag:$0x2] =	stream.linear.gather [hbm4b:s30+s4], $0x80, $0x38;
	[tilespmem:$0x1C400] =	vst v63  }
0xba: {  	_ =	swait.ge [sflag:s29], $0x80  }
0xbb: {  	[sflag:s29] =	ssyncset.done $0x0  }
0xbc: {  	[sflag:s29] =	ssyncadd.s32 $0xFFFFFF80  }
0xbd: {  	_ =	swait.ge [sflag:s29], $0x80  }
0xbe: {  	[sflag:s29] =	ssyncset.done $0x0  }
0xbf: {  	[sflag:s29] =	ssyncadd.s32 $0xFFFFFF80  }
0xc0: {  	[tilespmem:s17], [sflag:$0x6] =	stream.indirect.gather [hbm4b:s5+s7], $0x80, s13, s7, $0xb8;
	[tilespmem:$0x1C400] =	vst v63  }
0xc1: {  	_ =	swait.ge [sflag:s18], $0x4000  }
0xc2: {  	[sflag:s18] =	ssyncset.done $0x0  }
0xc3: {  	[sflag:s18] =	ssyncadd.s32 $0xFFFFC000  }
0xc4: {  	[spmem:s3] =	stream.indirect.scatter.add.f32 [tilespmem:s1], [sflag:$0x7], $0x80, s12, s7, $0xb8;
	[tilespmem:$0x1C400] =	vst v63  }
0xc5: {  	p1 =	seq.s32 s31, $0x900;
	_ =	swait.ge [sflag:s0], $0x4000  }
0xc6: {  	s6 =	sadd.s32 @!p1 s31, s25;
	[sflag:s0] =	ssyncset.done $0x0  }
0xc7: {  	s2 =	simm.s32 @!p1 $0x200;
	s30 =	simm.s32 @!p1 $0x0;
	[sflag:s0] =	ssyncadd.s32 $0xFFFFC000  }
0xc8: {  	[tilespmem:s2], [sflag:$0x3] =	stream.linear.gather @!p1 [hbm4b:s6+s30], $0x80, $0x38;
	[tilespmem:$0x1C400] =	vst v63  }
0xc9: {  	s2 =	sadd.s32 @!p1 s31, s24;
	s6 =	simm.s32 @!p1 $0x280  }
0xca: {  	[tilespmem:s6], [sflag:$0x3] =	stream.linear.gather @!p1 [hbm4b:s2+s30], $0x80, $0x38;
	[tilespmem:$0x1C400] =	vst v63  }
0xcb: {  	_ =	swait.ge [sflag:s15], $0x80  }
0xcc: {  	[sflag:s15] =	ssyncset.done $0x0  }
0xcd: {  	[sflag:s15] =	ssyncadd.s32 $0xFFFFFF80  }
0xce: {  	_ =	swait.ge [sflag:s15], $0x80  }
0xcf: {  	[sflag:s15] =	ssyncset.done $0x0  }
0xd0: {  	[sflag:s15] =	ssyncadd.s32 $0xFFFFFF80  }
0xd1: {  	[tilespmem:s1], [sflag:$0x5] =	stream.indirect.gather [hbm4b:s5+s7], $0x80, s4, s7, $0xb8;
	[tilespmem:$0x1C400] =	vst v63  }
0xd2: {  	_ =	swait.ge [sflag:s28], $0x4000  }
0xd3: {  	[sflag:s28] =	ssyncset.done $0x0  }
.Ltmp3:
0xd4: {  	[sflag:s28] =	ssyncadd.s32 $0xFFFFC000;
	(pc) =	sbr.rel @p1 .LBB2_6-.Ltmp3, $4  }
0xd5: {  	[spmem:s3] =	stream.indirect.scatter.add.f32 [tilespmem:s17], [sflag:$0x7], $0x80, s14, s7, $0xb8;
	[tilespmem:$0x1C400] =	vst v63  }
0xd6: {  	_ =	swait.ge [sflag:s0], $0x4000  }
0xd7: {  	[sflag:s0] =	ssyncset.done $0x0  }
0xd8: {  	[sflag:s0] =	ssyncadd.s32 $0xFFFFC000  }
.Ltmp4:
0xd9: {  	(pc) =	sbr.rel .LBB2_4-.Ltmp4, $4  }
0xda: {  	s2 =	sadd.s32 s31, s23  }
0xdb: {  	[tilespmem:s13], [sflag:$0x4] =	stream.linear.gather [hbm4b:s2+s4], $0x80, $0x38;
	[tilespmem:$0x1C400] =	vst v63  }
0xdc: {  	s30 =	sadd.s32 s31, s22;
	s31 =	sadd.s32 $0x80, s31;
	s10 =	sadd.s32 $0x400, s10  }
0xdd: {  	[tilespmem:s14], [sflag:$0x4] =	stream.linear.gather [hbm4b:s30+s4], $0x80, $0x38;
	[tilespmem:$0x1C400] =	vst v63  }
.LBB2_7:
0xde: {  	_ =	sfence.sel $0x180000  }
0xdf: {  	[bflag:$0x0] =	sbarrier.arrive $0xFFFF  }
0xe0: {  	_ =	strace $0x9000004A  }
0xe1: {  	s0 =	stileid.u32;
	[bflag:$0x2] =	sbarrier.arrive $0xFFFF  }
0xe2: {  	p0 =	sne.s32 s0, $0x0;
	s0 =	rddreg [dreg:$0x3]  }
0xe3: {  	s0 =	sadd.s32 @!p0 $0x100000, s0  }
0xe4: {  	[sflag:s0] =	ssyncadd.tile.s32 @!p0 $0x1;
	_ =	shalt  }
.Lfunc_end2:
_tile_overlayer_lowered:
.L_overlay_start_2:
0xe5: {  	(tag) =	ssettag $0x2  }
0xe6: {  	s0 =	rddreg [dreg:$0x0];
	s2 =	stileid.u32  }
0xe7: {  	s1 =	rddreg [dreg:$0x1];
	p0 =	sne.s32 s2, $0x0  }
0xe8: {  	s3 =	rddreg [dreg:$0x2];
	[bflag:$0x3] =	sbarrier.arrive $0xFFFF;
	s2 =	simm.s32 @!p0 $0x1C07  }
0xe9: {  	[timem:s3], [sflag:s2] =	dma.local @!p0 [hbm:s0], s1  }
0xea: {  	s0 =	simm.s32 @!p0 $0x7  }
0xeb: {  	_ =	swait.ge @!p0 [sflag:s0], s1  }
0xec: {  	s1 =	ssub.s32 @!p0 $0x0, s1;
	[sflag:s0] =	ssyncset.done @!p0 $0x0  }
0xed: {  	[sflag:s0] =	ssyncadd.s32 @!p0 s1  }
0xee: {  	[bflag:$0x3] =	sbarrier.arrive $0xFFFF  }
0xef: {  	_ =	shalt  }

// kernel: kernel.7.cloned.1.call-start
scs
__scs_entry_jumppad:
0x0: {  	(pc) =	sbr.rel $0x88, $3  }
0x1: {  	(tag) =	ssettag $0x0;
	lr =	simm.s32 $0x1  }
0x2: {  	[smem:$0x3F9D] =	sst lr;
	_ =	strace $0xD0000000  }
0x3: {  	_ = 	snop  }
0x4: {  	_ = 	snop  }
0x5: {  	_ = 	snop  }
0x6: {  	_ = 	snop  }
0x7: {  	_ = 	snop  }
__scs_overlays_trampoline_lowered:
0x8: {  	[smem:$0x3FAC] =	sst s0  }
0x9: {  	[smem:$0x3FAD] =	sst s1  }
0xa: {  	[smem:$0x3FAE] =	sst s2  }
0xb: {  	[smem:$0x3FAF] =	sst s3  }
0xc: {  	[smem:$0x3FB0] =	sst s4  }
0xd: {  	[smem:$0x3FB1] =	sst s5  }
0xe: {  	[smem:$0x3FB2] =	sst s6  }
0xf: {  	[smem:$0x3FB3] =	sst s7  }
0x10: {  	[smem:$0x3FB4] =	sst s8  }
0x11: {  	[smem:$0x3FB5] =	sst s9;
	s0 =	simm.s32 @!p0 $0x0  }
0x12: {  	s1 =	sld [smem:$0x3F9B];
	s0 =	simm.s32 @p0 $0x1  }
0x13: {  	[smem:$0x3FB6] =	sst s0;
	s0 =	simm.s32 @!p1 $0x0  }
0x14: {  	s2 =	sld [smem:$0x3F9A];
	s0 =	simm.s32 @p1 $0x1  }
0x15: {  	[smem:$0x3FB7] =	sst s0;
	s0 =	simm.s32 @!p2 $0x0  }
0x16: {  	s3 =	sld [smem:$0x3FDB];
	s0 =	simm.s32 @p2 $0x1  }
0x17: {  	s4 =	simm.s32 $0x1BF5;
	[smem:$0x3FB9] =	sst s0  }
0x18: {  	s0 =	sld [smem:$0x3F9C];
	_ =	swait.ge [sflag:s4], $0x0  }
0x19: {  	s7 =	sld [smem:$0x3F9D]  }
0x1a: {  	s8 =	sadd.s32 $0xFFFFE003, lr  }
0x1b: {  	s9 =	sadd.s32 $0xFFFFFEF7, lr;
	s5 =	simm.s32 $0xFFFFFFFF;
	p2 =	slt.u32 s8, $0xFFFFF086  }
0x1c: {  	p1 =	slt.u32 s9, $0xF7A;
	s5 =	simm.s32 @!p2 $0x0  }
0x1d: {  	s5 =	simm.s32 @p1 $0x1;
	p0 =	seq.s32 s7, s2  }
0x1e: {  	s7 =	smul.u32 @!p0 $0xF7A, s2;
	p2 =	seq.s32 @!p0 s5, $0x0  }
0x1f: {  	s9 =	smul.u32 $0xF7A, s1;
	s8 =	simm.s32 @!p0 $0x1BF5;
	p2 =	por !p2, p0  }
0x20: {  	[sflag:s8] =	ssyncset.s32 @!p0 $0xFFFFF086;
	s6 =	sadd.s32 @!p0 s3, s7;
	s7 =	simm.s32 @!p0 $0x108  }
0x21: {  	s3 =	sadd.s32 s3, s9;
	s6 =	sadd.s32 @!p0 $0x88, s6;
	s7 =	simm.s32 @p2 $0x1082  }
0x22: {  	[simem:s7], [sflag:s8] =	dma.local @!p0 [hbm:s6], $0xF7A  }
0x23: {  	s9 =	sor.u32 $0xD0000000, s2;
	s6 =	simm.s32 $0x108;
	_ =	swait.ge @!p0 [sflag:s8], $0x0  }
0x24: {  	s3 =	sadd.s32 $0x88, s3;
	s6 =	simm.s32 @!p1 $0x1082;
	[sflag:s4] =	ssyncset.s32 $0xFFFFF086  }
0x25: {  	[simem:s6], [sflag:s4] =	dma.local [hbm:s3], $0xF7A  }
0x26: {  	[smem:$0x3F9D] =	sst s1;
	(tag) =	ssettag s2;
	_ =	strace s9  }
0x27: {  	s1 =	sld [smem:$0x3FAD]  }
0x28: {  	s2 =	sld [smem:$0x3FAE]  }
0x29: {  	s4 =	sld [smem:$0x3FB0]  }
0x2a: {  	p0 =	seq.s32 s5, $0x0;
	s5 =	sld [smem:$0x3FB1]  }
0x2b: {  	s6 =	sld [smem:$0x3FB2]  }
0x2c: {  	s7 =	sld [smem:$0x3FB3]  }
0x2d: {  	s3 =	simm.s32 $0x108;
	s8 =	sld [smem:$0x3FB4]  }
0x2e: {  	s3 =	simm.s32 @!p0 $0x1082;
	s9 =	sld [smem:$0x3FB5]  }
0x2f: {  	lr =	sadd.s32 s0, s3;
	s0 =	sld [smem:$0x3FAC]  }
0x30: {  	s3 =	sld [smem:$0x3FAF]  }
0x31: {  	[smem:$0x3FB8] =	sst s10  }
0x32: {  	s10 =	sld [smem:$0x3FB6];
	_ =	sdelay $0x3  }
0x33: {  	p0 =	seq.s32 s10, $0x1;
	s10 =	sld [smem:$0x3FB8];
	_ =	sdelay $0x3  }
0x34: {  	[smem:$0x3FB8] =	sst s10  }
0x35: {  	s10 =	sld [smem:$0x3FB7];
	_ =	sdelay $0x3  }
0x36: {  	p1 =	seq.s32 s10, $0x1;
	s10 =	sld [smem:$0x3FB8];
	_ =	sdelay $0x3  }
0x37: {  	[smem:$0x3FB8] =	sst s10  }
0x38: {  	s10 =	sld [smem:$0x3FB9]  }
0x39: {  	_ = 	snop;
	(pc) =	sbr.ind lr, $3  }
0x3a: {  	_ = 	snop  }
0x3b: {  	_ = 	snop  }
0x3c: {  	p2 =	seq.s32 s10, $0x1;
	s10 =	sld [smem:$0x3FB8]  }
0x3d: {  	_ =	shalt  }
0x3e: {  	_ =	shalt  }
0x3f: {  	_ =	shalt  }
0x40: {  	_ =	shalt  }
0x41: {  	_ =	shalt  }
0x42: {  	_ =	shalt  }
0x43: {  	_ =	shalt  }
0x44: {  	_ =	shalt  }
0x45: {  	_ =	shalt  }
0x46: {  	_ =	shalt  }
0x47: {  	_ =	shalt  }
0x48: {  	_ =	shalt  }
0x49: {  	_ =	shalt  }
0x4a: {  	_ =	shalt  }
0x4b: {  	_ =	shalt  }
0x4c: {  	_ =	shalt  }
0x4d: {  	_ =	shalt  }
0x4e: {  	_ =	shalt  }
0x4f: {  	_ =	shalt  }
0x50: {  	_ =	shalt  }
0x51: {  	_ =	shalt  }
0x52: {  	_ =	shalt  }
0x53: {  	_ =	shalt  }
0x54: {  	_ =	shalt  }
0x55: {  	_ =	shalt  }
0x56: {  	_ =	shalt  }
0x57: {  	_ =	shalt  }
0x58: {  	_ =	shalt  }
0x59: {  	_ =	shalt  }
0x5a: {  	_ =	shalt  }
0x5b: {  	_ =	shalt  }
0x5c: {  	_ =	shalt  }
0x5d: {  	_ =	shalt  }
0x5e: {  	_ =	shalt  }
0x5f: {  	_ =	shalt  }
0x60: {  	_ =	shalt  }
0x61: {  	_ =	shalt  }
0x62: {  	_ =	shalt  }
0x63: {  	_ =	shalt  }
0x64: {  	_ =	shalt  }
0x65: {  	_ =	shalt  }
0x66: {  	_ =	shalt  }
0x67: {  	_ =	shalt  }
0x68: {  	_ =	shalt  }
0x69: {  	_ =	shalt  }
0x6a: {  	_ =	shalt  }
0x6b: {  	_ =	shalt  }
0x6c: {  	_ =	shalt  }
0x6d: {  	_ =	shalt  }
0x6e: {  	_ =	shalt  }
0x6f: {  	_ =	shalt  }
0x70: {  	_ =	shalt  }
0x71: {  	_ =	shalt  }
0x72: {  	_ =	shalt  }
0x73: {  	_ =	shalt  }
0x74: {  	_ =	shalt  }
0x75: {  	_ =	shalt  }
0x76: {  	_ =	shalt  }
0x77: {  	_ =	shalt  }
0x78: {  	_ =	shalt  }
0x79: {  	_ =	shalt  }
0x7a: {  	_ =	shalt  }
0x7b: {  	_ =	shalt  }
0x7c: {  	_ =	shalt  }
0x7d: {  	_ =	shalt  }
0x7e: {  	_ =	shalt  }
0x7f: {  	_ =	shalt  }
0x80: {  	_ =	shalt  }
0x81: {  	_ =	shalt  }
0x82: {  	_ =	shalt  }
0x83: {  	_ =	shalt  }
0x84: {  	_ =	shalt  }
0x85: {  	_ =	shalt  }
0x86: {  	_ =	shalt  }
0x87: {  	_ =	shalt  }
.Lfunc_end0:
.L_simem_size_0:
called_computation_lowered:
.L_overlay_start_0:
0x88: {  	s2 =	sld [smem:$0x3FD9]  }
0x89: {  	s3 =	sld [smem:$0x3FFE];
	_ =	sdelay $0x1  }
0x8a: {  	s1 =	srdreg.scid  }
0x8b: {  	s0 =	sand.u32 $0x1, s1  }
0x8c: {  	s18 =	sshll.u32 s0, $0xA;
	s2 =	sadd.s32 s3, s2  }
0x8d: {  	s2 =	sadd.s32 s2, s18  }
0x8e: {  	[smem:$0x3FC4] =	sst s2  }
0x8f: {  	_ = 	snop  }
0x90: {  	s2 =	sld [smem:$0x3FC8]  }
0x91: {  	s19 =	sld [smem:$0x3FD0];
	(tm) =	ssettm $0x1  }
0x92: {  	s4 =	sld [smem:$0x3FFB];
	_ =	sdelay $0x3  }
0x93: {  	_ =	strace s4  }
0x94: {  	s4 =	sld [smem:$0x3FFC];
	_ =	sdelay $0x3  }
0x95: {  	_ =	strace s4  }
0x96: {  	s4 =	sld [smem:$0x3FFD];
	_ =	sdelay $0x3  }
0x97: {  	_ =	strace s4  }
0x98: {  	_ =	strace $0x8FFFFFFF  }
0x99: {  	s20 =	sld [smem:$0x3FDB];
	_ =	sdelay $0x1  }
0x9a: {  	s5 =	simm.s32 $_scs_section_size  }
0x9b: {  	s6 =	simm.s32 $_size__tile_overlayer_lowered;
	s7 =	simm.s32 $_tile_overlayer_lowered  }
0x9c: {  	s23 =	simm.s32 $0x1BFF;
	s22 =	sshll.u32 s7, $0x1;
	s4 =	sadd.s32 s5, s20  }
0x9d: {  	s8 =	simm.s32 $0x0;
	s21 =	sshll.u32 s6, $0x1;
	s6 =	sadd.s32 s22, s4  }
0x9e: {  	[timem:s8], [sflag:s23] =	dma.local [hbm:s6], s21  }
0x9f: {  	_ =	swait.ge [sflag:s23], s21  }
0xa0: {  	s5 =	ssub.s32 $0x0, s21;
	[sflag:s23] =	ssyncset.done $0x0  }
0xa1: {  	[sflag:s23] =	ssyncadd.s32 s5;
	_ =	sdelay $0x1  }
0xa2: {  	s24 =	simm.s32 $0x1B8B  }
0xa3: {  	_ =	swait.ge [sflag:s24], $0x1  }
0xa4: {  	[sflag:s24] =	ssyncset.done $0x0  }
0xa5: {  	s25 =	simm.s32 $0x1B8E;
	[sflag:s24] =	ssyncadd.s32 $0xFFFFFFFF  }
0xa6: {  	s26 =	simm.s32 $execute0_lowered;
	[smem:$0x3FD2] =	sst s25  }
0xa7: {  	s5 =	sshll.u32 s26, $0x1;
	_ =	strace $0x80000046;
	[dreg:$0x1] =	wrdreg $0xFFFFFFFF  }
0xa8: {  	s28 =	simm.s32 $_size_execute0_lowered;
	s4 =	sadd.s32 s4, s5;
	[dreg:$0x0] =	wrdreg $0x0  }
0xa9: {  	s5 =	sshll.u32 s28, $0x1;
	[dreg:$0x2] =	wrdreg s4  }
0xaa: {  	[dreg:$0x3] =	wrdreg s5  }
0xab: {  	[dreg:$0x4] =	wrdreg $0xC0  }
0xac: {  	_ =	task [dreg:s8], $0x5FFFF  }
0xad: {  	[dreg:$0x1] =	wrdreg $0xFFFFFFFF  }
0xae: {  	[dreg:$0x0] =	wrdreg $0x60  }
0xaf: {  	[dreg:$0x2] =	wrdreg s2  }
0xb0: {  	[dreg:$0x3] =	wrdreg s19  }
0xb1: {  	[dreg:$0x4] =	wrdreg $0x52000  }
0xb2: {  	[dreg:$0x5] =	wrdreg $0x9  }
0xb3: {  	_ =	task.clear_ibuf [dreg:s8], $0x6FFFF;
	_ =	strace $0x90000046  }
0xb4: {  	s29 =	simm.s32 $0x9;
	_ =	strace $0x80000048  }
0xb5: {  	_ =	swait.ge [sflag:s29], $0x1  }
0xb6: {  	[sflag:s29] =	ssyncadd.s32 $0xFFFFFFFF  }
0xb7: {  	_ =	strace $0x90000048  }
0xb8: {  	_ =	sfence  }
0xb9: {  	s30 =	sld [smem:$0x0];
	_ =	sdelay $0x2  }
0xba: {  	s31 =	sshll.u32 s1, $0xD;
	s1 =	sshrl.u32 s1, $0x2  }
0xbb: {  	s3 =	sand.u32 $0x4000, s31;
	s1 =	sadd.s32 s1, s30  }
0xbc: {  	s0 =	sor.u32 s3, s0;
	s1 =	sshll.u32 s1, $0x11  }
0xbd: {  	s0 =	sor.u32 s1, s0  }
0xbe: {  	s0 =	sadd.s32 $0x8F2B, s0  }
0xbf: {  	[sflag:s0] =	ssyncadd.remote.s32 $0x1  }
0xc0: {  	_ =	sfence.sel $0xFFFF  }
0xc1: {  	[dreg:$0x0] =	wrdreg $0xFFFFFFFF;
	(pc) =	sbr.abs _section_cstart, $3  }
0xc2: {  	[dreg:$0x1] =	wrdreg $0xFFFFFFFF  }
0xc3: {  	_ =	task.clear_ibuf [dreg:s8], $0x2FFFF;
	_ =	strace $0x9FFFFFFF  }
0xc4: {  	(tm) =	ssettm $0x7FFFFFFF  }
0xc5: {  	_ =	shalt  }
tec
execute0_lowered:
.L_overlay_start_1:
0x0: {  	(tag) =	ssettag $0x1  }
0x1: {  	s5 =	rddreg [dreg:$0x0]  }
0x2: {  	s7 =	rddreg [dreg:$0x1]  }
0x3: {  	s0 =	srdreg.scid;
	s2 =	rddreg [dreg:$0x2]  }
0x4: {  	s1 =	stileid.u32;
	s3 =	simm.s32 $0x0;
	s12 =	simm.s32 $0x2  }
0x5: {  	s13 =	simm.s32 $0x1;
	s17 =	simm.s32 $0x20;
	s18 =	simm.s32 $0x10  }
0x6: {  	s6 =	sand.u32 $0x1, s0;
	s0 =	rddreg [dreg:$0x3];
	s10 =	smul.u32 $0xA00, s1  }
0x7: {  	s19 =	simm.s32 $0x0;
	[smem:$0x7FF] =	sst s3;
	s31 =	smul.u32 $0x500, s1  }
0x8: {  	s11 =	sshll.u32 s1, $0x5;
	s15 =	sshll.u32 s1, $0x6;
	s4 =	sshll.u32 s6, $0x4  }
0x9: {  	s29 =	ssub.s32 $0x2, s6;
	_ =	strace $0x80000047;
	s6 =	sshll.u32 s6, $0x7  }
0xa: {  	s11 =	sadd.s32 s11, s5;
	s15 =	sor.u32 $0x1C02, s15;
	s14 =	sor.u32 s1, s4  }
0xb: {  	s9 =	sshrl.u32 s29, $0x1;
	s10 =	sshrl.u32 s10, $0x2;
	s8 =	smul.u32 $0x9C0, s14  }
0xc: {  	s9 =	ssub.s32 s29, s9;
	p0 =	sgt.u32 s14, $0x3;
	s14 =	simm.s32 $0x4F00  }
0xd: {  	s30 =	sadd.s32 s8, s5;
	s8 =	sor.u32 s6, s31;
	s5 =	sadd.s32 s10, s2  }
0xe: {  	s6 =	sadd.s32 $0x13810, s11;
	s10 =	simm.s32 $0x100;
	s11 =	simm.s32 $0x4F80  }
0xf: {  	s4 =	sadd.s32 $0x10, s30;
	s8 =	sshrl.u32 s8, $0x3;
	s16 =	sshrl.u32 s5, $0x3  }
0x10: {  	v0 =	vimm.f32 $1.000000000e+00;
	v1 =	vimm.f32 $0.0e+00;
	s7 =	sadd.s32 s7, s8;
	s8 =	smax.u32 s9, $0x1;
	s9 =	simm.s32 $0x80  }
.LBB2_1:
0x11: {  	[tilespmem:s3], [sflag:$0x1] =	stream.strided.gather [hbm4b:s4+s9], $0x2700, s10, s9, $0x38;
	[tilespmem:$0x5480] =	vst v63  }
0x12: {  	[tilespmem:$0x4F00] =	vst v0  }
0x13: {  	[tilespmem:$0x4F10] =	vst v0  }
0x14: {  	[tilespmem:$0x4F20] =	vst v0  }
0x15: {  	[tilespmem:$0x4F30] =	vst v0  }
0x16: {  	[tilespmem:$0x4F40] =	vst v0  }
0x17: {  	[tilespmem:$0x4F50] =	vst v0  }
0x18: {  	[tilespmem:$0x4F60] =	vst v0  }
0x19: {  	[tilespmem:$0x4F70] =	vst v0  }
0x1a: {  	[tilespmem:$0x4F80] =	vst v1  }
0x1b: {  	[tilespmem:$0x4F90] =	vst v1  }
0x1c: {  	[tilespmem:$0x4FA0] =	vst v1  }
0x1d: {  	[tilespmem:$0x4FB0] =	vst v1  }
0x1e: {  	[tilespmem:$0x4FC0] =	vst v1  }
0x1f: {  	[tilespmem:$0x4FD0] =	vst v1  }
0x20: {  	[tilespmem:$0x4FE0] =	vst v1  }
0x21: {  	[tilespmem:$0x4FF0] =	vst v1  }
0x22: {  	[tilespmem:$0x5000] =	vst v1  }
0x23: {  	[tilespmem:$0x5010] =	vst v1  }
0x24: {  	[tilespmem:$0x5020] =	vst v1  }
0x25: {  	[tilespmem:$0x5030] =	vst v1  }
0x26: {  	[tilespmem:$0x5040] =	vst v1  }
0x27: {  	[tilespmem:$0x5050] =	vst v1  }
0x28: {  	[tilespmem:$0x5060] =	vst v1  }
0x29: {  	[tilespmem:$0x5070] =	vst v1  }
0x2a: {  	[tilespmem:$0x5080] =	vst v1  }
0x2b: {  	[tilespmem:$0x5090] =	vst v1  }
0x2c: {  	[tilespmem:$0x50A0] =	vst v1  }
0x2d: {  	[tilespmem:$0x50B0] =	vst v1  }
0x2e: {  	[tilespmem:$0x50C0] =	vst v1  }
0x2f: {  	[tilespmem:$0x50D0] =	vst v1  }
0x30: {  	[tilespmem:$0x50E0] =	vst v1  }
0x31: {  	[tilespmem:$0x50F0] =	vst v1  }
0x32: {  	[tilespmem:$0x5100] =	vst v1  }
0x33: {  	[tilespmem:$0x5110] =	vst v1  }
0x34: {  	[tilespmem:$0x5120] =	vst v1  }
0x35: {  	[tilespmem:$0x5130] =	vst v1  }
0x36: {  	[tilespmem:$0x5140] =	vst v1  }
0x37: {  	[tilespmem:$0x5150] =	vst v1  }
0x38: {  	[tilespmem:$0x5160] =	vst v1  }
0x39: {  	[tilespmem:$0x5170] =	vst v1  }
0x3a: {  	[tilespmem:$0x5180] =	vst v1  }
0x3b: {  	[tilespmem:$0x5190] =	vst v1  }
0x3c: {  	[tilespmem:$0x51A0] =	vst v1  }
0x3d: {  	[tilespmem:$0x51B0] =	vst v1  }
0x3e: {  	[tilespmem:$0x51C0] =	vst v1  }
0x3f: {  	[tilespmem:$0x51D0] =	vst v1  }
0x40: {  	[tilespmem:$0x51E0] =	vst v1  }
0x41: {  	[tilespmem:$0x51F0] =	vst v1  }
0x42: {  	[spmem:s5] =	stream.linear.scatter [tilespmem:s11], [sflag:$0x2], $0x280, $0x38;
	[tilespmem:$0x5480] =	vst v63  }
0x43: {  	_ =	swait.ge [sflag:s12], $0x280  }
0x44: {  	[sflag:s12] =	ssyncset.done $0x0  }
0x45: {  	[sflag:s12] =	ssyncadd.s32 $0xFFFFFD80  }
0x46: {  	_ =	swait.ge [sflag:s13], $0x2700  }
0x47: {  	[sflag:s13] =	ssyncset.done $0x0  }
0x48: {  	s20 =	simm.s32 $0x0;
	[sflag:s13] =	ssyncadd.s32 $0xFFFFD900  }
0x49: {  	v5 =	vld [tilespmem:s20+$0x70]  }
0x4a: {  	v6 =	vld [tilespmem:s20+$0x0]  }
0x4b: {  	v7 =	vld [tilespmem:s20+$0x10]  }
0x4c: {  	v4 =	vld [tilespmem:s20+$0x20]  }
0x4d: {  	v2 =	vld [tilespmem:s20+$0x30]  }
0x4e: {  	v3 =	vld [tilespmem:s20+$0x40];
	[tilespmem:s20+$0x2770] =	vst v5  }
0x4f: {  	[tilespmem:s20+$0x2700] =	vst v6;
	v5 =	vld [tilespmem:s20+$0x50]  }
0x50: {  	s21 =	simm.s32 $0x80;
	s22 =	simm.s32 $0x400;
	[tilespmem:s20+$0x2710] =	vst v7;
	v6 =	vld [tilespmem:s20+$0x60]  }
.LBB2_2:
0x51: {  	p1 =	sne.s32 s22, $0x9A00;
	v7 =	vld [tilespmem:s21+$0x70];
	[tilespmem:s20+$0x2720] =	vst v4  }
0x52: {  	v8 =	vld [tilespmem:s21+$0x0];
	[tilespmem:s20+$0x2730] =	vst v2  }
0x53: {  	v9 =	vld [tilespmem:s21+$0x10];
	[tilespmem:s20+$0x2740] =	vst v3  }
.Ltmp0:
0x54: {  	v4 =	vld [tilespmem:s21+$0x20];
	[tilespmem:s20+$0x2750] =	vst v5;
	(pc) =	sbr.rel @p1 .LBB2_2-.Ltmp0, $4  }
0x55: {  	v2 =	vld [tilespmem:s21+$0x30];
	[tilespmem:s20+$0x2760] =	vst v6;
	s20 =	smov.u32 s21  }
0x56: {  	v3 =	vld [tilespmem:s20+$0x40];
	[tilespmem:s20+$0x2770] =	vst v7  }
0x57: {  	[tilespmem:s20+$0x2700] =	vst v8;
	v5 =	vld [tilespmem:s20+$0x50]  }
0x58: {  	s21 =	sshra.s32 s22, $0x2;
	s22 =	sadd.s32 $0x200, s22;
	[tilespmem:s20+$0x2710] =	vst v9;
	v6 =	vld [tilespmem:s20+$0x60]  }
0x59: {  	v7 =	vld [tilespmem:s21+$0x70];
	[tilespmem:s20+$0x2720] =	vst v4  }
0x5a: {  	v4 =	vld [tilespmem:s21+$0x0];
	[tilespmem:s20+$0x2730] =	vst v2  }
0x5b: {  	v2 =	vld [tilespmem:s21+$0x10];
	[tilespmem:s20+$0x2740] =	vst v3  }
0x5c: {  	v3 =	vld [tilespmem:s21+$0x20];
	[tilespmem:s20+$0x2750] =	vst v5  }
0x5d: {  	v5 =	vld [tilespmem:s21+$0x30];
	[tilespmem:s20+$0x2760] =	vst v6  }
0x5e: {  	v6 =	vld [tilespmem:s21+$0x40];
	[tilespmem:s21+$0x2770] =	vst v7  }
0x5f: {  	v63 =	vld [tilespmem:s21+$0x50];
	[tilespmem:s21+$0x2700] =	vst v4  }
0x60: {  	[tilespmem:s21+$0x2710] =	vst v2;
	v2 =	vld [tilespmem:s21+$0x60]  }
0x61: {  	[tilespmem:s21+$0x2720] =	vst v3  }
0x62: {  	[tilespmem:s21+$0x2730] =	vst v5  }
0x63: {  	[tilespmem:s21+$0x2740] =	vst v6  }
0x64: {  	[tilespmem:s21+$0x2750] =	vst v63  }
0x65: {  	s20 =	simm.s32 @!p0 $0x0;
	[tilespmem:s21+$0x2760] =	vst v2  }
0x66: {  	[tilespmem:s20], [sflag:$0x2] =	stream.linear.gather @!p0 [hbm4b:s6+s20], $0x80, $0x38;
	[tilespmem:$0x5480] =	vst v63  }
0x67: {  	s20 =	simm.s32 @!p0 $0x2  }
0x68: {  	_ =	swait.ge @!p0 [sflag:s20], $0x80  }
0x69: {  	[sflag:s20] =	ssyncset.done @!p0 $0x0  }
0x6a: {  	[sflag:s20] =	ssyncadd.s32 @!p0 $0xFFFFFF80  }
0x6b: {  	v2 =	vld @!p0 [tilespmem:$0x0]  }
0x6c: {  	v3 =	vld @!p0 [tilespmem:$0x10]  }
0x6d: {  	v4 =	vld @!p0 [tilespmem:$0x20]  }
0x6e: {  	v5 =	vld @!p0 [tilespmem:$0x30]  }
0x6f: {  	v6 =	vld @!p0 [tilespmem:$0x40]  }
0x70: {  	[tilespmem:$0x4E00] =	vst @!p0 v2;
	v2 =	vld @!p0 [tilespmem:$0x50]  }
0x71: {  	[tilespmem:$0x4E10] =	vst @!p0 v3;
	v3 =	vld @!p0 [tilespmem:$0x60]  }
0x72: {  	[tilespmem:$0x4E20] =	vst @!p0 v4;
	v4 =	vld @!p0 [tilespmem:$0x70]  }
0x73: {  	[tilespmem:$0x4E30] =	vst @!p0 v5  }
0x74: {  	[tilespmem:$0x4E40] =	vst @!p0 v6  }
0x75: {  	[tilespmem:$0x4E50] =	vst @!p0 v2  }
0x76: {  	[tilespmem:$0x4E60] =	vst @!p0 v3  }
0x77: {  	[tilespmem:$0x4E70] =	vst @!p0 v4  }
0x78: {  	s21 =	simm.s32 $0x2700;
	s20 =	simm.s32 $0x200;
	[bflag:$0x0] =	sbarrier.arrive $0xFFFF  }
.LBB2_4:
0x79: {  	[spmem:s2] =	stream.indirect.scatter.add.f32 [tilespmem:s14], [sflag:$0x1], $0x1, s21, s9, $0xb8;
	[tilespmem:$0x5480] =	vst v63  }
0x7a: {  	s21 =	smov.u32 s20;
	p1 =	sne.s32 s20, $0x9A00  }
.Ltmp1:
0x7b: {  	s20 =	sadd.s32 $0x200, s20;
	(pc) =	sbr.rel @p1 .LBB2_4-.Ltmp1, $3  }
0x7c: {  	_ =	sdelay $0x1  }
0x7d: {  	s21 =	sshra.s32 s21, $0x2  }
0x7e: {  	s21 =	sadd.s32 $0x2700, s21  }
0x7f: {  	[spmem:s2] =	stream.indirect.scatter.add.f32 [tilespmem:s14], [sflag:$0x1], $0x1, s21, s9, $0xb8;
	[tilespmem:$0x5480] =	vst v63  }
0x80: {  	s20 =	simm.s32 @!p0 $0x80;
	s21 =	simm.s32 @!p0 $0x4E00;
	s22 =	simm.s32 @!p0 $0x4F00  }
0x81: {  	[spmem:s2] =	stream.indirect.scatter.add.f32 @!p0 [tilespmem:s22], [sflag:$0x1], $0x1, s21, s20, $0xb8;
	[tilespmem:$0x5480] =	vst v63  }
0x82: {  	_ =	swait.ge [sflag:s13], $0x80  }
0x83: {  	s20 =	simm.s32 $0x4D;
	[sflag:s13] =	ssyncset.done $0x0  }
.LBB2_6:
0x84: {  	p1 =	sne.s32 s20, $0x1;
	s20 =	sadd.s32 $0xFFFFFFFF, s20;
	[sflag:s13] =	ssyncadd.s32 $0xFFFFFF80  }
.Ltmp2:
0x85: {  	(pc) =	sbr.rel @p1 .LBB2_6-.Ltmp2, $3  }
0x86: {  	_ =	sdelay $0x1  }
0x87: {  	_ =	swait.ge [sflag:s13], $0x80  }
0x88: {  	[sflag:s13] =	ssyncset.done $0x0  }
0x89: {  	[sflag:s13] =	ssyncadd.s32 $0xFFFFFF80;
	s20 =	simm.s32 @!p0 $0x1  }
0x8a: {  	_ =	swait.ge @!p0 [sflag:s20], $0x80  }
0x8b: {  	s19 =	sadd.s32 $0x1, s19;
	[sflag:s20] =	ssyncset.done @!p0 $0x0  }
0x8c: {  	p1 =	sne.s32 s19, s8;
	[sflag:s20] =	ssyncadd.s32 @!p0 $0xFFFFFF80  }
.Ltmp3:
0x8d: {  	[bflag:$0x0] =	sbarrier.arrive $0xFFFF;
	(pc) =	sbr.rel @p1 .LBB2_1-.Ltmp3, $4  }
0x8e: {  	[hbm:s7@s17], [sflag:s15] =	dma.strided [spmem:s16@s18], $0x50, s13, $0x10   }
0x8f: {  	_ =	swait.ge [sflag:s12], $0x50  }
0x90: {  	[sflag:s12] =	ssyncset.done $0x0  }
0x91: {  	[sflag:s12] =	ssyncadd.s32 $0xFFFFFFB0  }
0x92: {  	_ =	sfence.sel $0x180000  }
0x93: {  	[bflag:$0x0] =	sbarrier.arrive $0xFFFF  }
0x94: {  	p0 =	sne.s32 s1, $0x0;
	_ =	strace $0x90000047  }
0x95: {  	s0 =	sadd.s32 @!p0 $0x100000, s0;
	[bflag:$0x2] =	sbarrier.arrive $0xFFFF  }
0x96: {  	[sflag:s0] =	ssyncadd.tile.s32 @!p0 $0x1;
	_ =	shalt  }
.Lfunc_end2:
_tile_overlayer_lowered:
.L_overlay_start_2:
0x97: {  	(tag) =	ssettag $0x2  }
0x98: {  	s0 =	rddreg [dreg:$0x0];
	s2 =	stileid.u32  }
0x99: {  	s1 =	rddreg [dreg:$0x1];
	p0 =	sne.s32 s2, $0x0  }
0x9a: {  	s3 =	rddreg [dreg:$0x2];
	[bflag:$0x3] =	sbarrier.arrive $0xFFFF;
	s2 =	simm.s32 @!p0 $0x1C02  }
0x9b: {  	[timem:s3], [sflag:s2] =	dma.local @!p0 [hbm:s0], s1  }
0x9c: {  	s0 =	simm.s32 @!p0 $0x2  }
0x9d: {  	_ =	swait.ge @!p0 [sflag:s0], s1  }
0x9e: {  	s1 =	ssub.s32 @!p0 $0x0, s1;
	[sflag:s0] =	ssyncset.done @!p0 $0x0  }
0x9f: {  	[sflag:s0] =	ssyncadd.s32 @!p0 s1  }
0xa0: {  	[bflag:$0x3] =	sbarrier.arrive $0xFFFF  }
0xa1: {  	_ =	shalt  }

</sc_bundles>
